<compile_context>
chip_gen: v7x
topology: tpu7x:2x2x1
jax: 0.10.2.dev20260603
libtpu: 0.0.44.dev20260713+nightly
codegen_flags: <defaults>
</compile_context>

<pallas_src>
import functools

import jax
import jax.numpy as jnp
from jax import lax
from jax.experimental import pallas as pl
from jax.experimental.pallas import tpu as pltpu
from jax.experimental.pallas import tpu_sc as plsc

_B, _N, _P, _S = 8, 8192, 1024, 32
_R2 = 0.4 * 0.4
_EPS = 1e-5
_NSUB, _NLANE = 8, 1024
_TOT = _B * _P * _S
_D = 32
_ROWS = 512
_GRID1 = _TOT // _ROWS
_NW = 32
_CHUNK = 128



def _fps_body(xyz_ref, ctr_ref):
    x = xyz_ref[0]
    y = xyz_ref[1]
    z = xyz_ref[2]
    iota_n = lax.broadcasted_iota(jnp.int32, (_B, _N), 1)
    iota_p = lax.broadcasted_iota(jnp.int32, (_B, _P), 1)

    def body(i, st):
        dists, far, ax, ay, az = st
        oh = iota_n == far
        cx = jnp.sum(jnp.where(oh, x, 0.0), axis=1, keepdims=True)
        cy = jnp.sum(jnp.where(oh, y, 0.0), axis=1, keepdims=True)
        cz = jnp.sum(jnp.where(oh, z, 0.0), axis=1, keepdims=True)
        rec = iota_p == i
        ax = jnp.where(rec, cx, ax)
        ay = jnp.where(rec, cy, ay)
        az = jnp.where(rec, cz, az)
        dx = x - cx
        dy = y - cy
        dz = z - cz
        d = dx * dx + dy * dy + dz * dz
        dists = jnp.minimum(dists, d)
        m = jnp.max(dists, axis=1, keepdims=True)
        far = jnp.min(jnp.where(dists == m, iota_n, _N), axis=1,
                      keepdims=True).astype(jnp.int32)
        return dists, far, ax, ay, az

    init = (jnp.full((_B, _N), 1e10, jnp.float32),
            jnp.zeros((_B, 1), jnp.int32),
            jnp.zeros((_B, _P), jnp.float32),
            jnp.zeros((_B, _P), jnp.float32),
            jnp.zeros((_B, _P), jnp.float32))
    _, _, ax, ay, az = lax.fori_loop(0, _P, body, init)
    ctr_ref[0] = ax
    ctr_ref[1] = ay
    ctr_ref[2] = az


def _run_fps(xyz):
    xyz_sb = jnp.transpose(xyz, (1, 0, 2))
    ctr = pl.pallas_call(
        _fps_body,
        grid=(1,),
        in_specs=[pl.BlockSpec((3, _B, _N), lambda i: (0, 0, 0))],
        out_specs=pl.BlockSpec((3, _B, _P), lambda i: (0, 0, 0)),
        out_shape=jax.ShapeDtypeStruct((3, _B, _P), jnp.float32),
    )(xyz_sb)
    return jnp.transpose(ctr, (1, 0, 2))



_PT = 64


def _bq_body(xyz_ref, ctr_ref, idx_ref):
    b = pl.program_id(0)
    x = xyz_ref[0, 0:1, :]
    y = xyz_ref[0, 1:2, :]
    z = xyz_ref[0, 2:3, :]
    cx = ctr_ref[0, :, 0:1]
    cy = ctr_ref[0, :, 1:2]
    cz = ctr_ref[0, :, 2:3]
    xx = x * x + y * y + z * z
    cc = cx * cx + cy * cy + cz * cz
    xb = x.astype(jnp.bfloat16).astype(jnp.float32)
    yb = y.astype(jnp.bfloat16).astype(jnp.float32)
    zb = z.astype(jnp.bfloat16).astype(jnp.float32)
    cxb = cx.astype(jnp.bfloat16).astype(jnp.float32)
    cyb = cy.astype(jnp.bfloat16).astype(jnp.float32)
    czb = cz.astype(jnp.bfloat16).astype(jnp.float32)
    cross = cxb * xb + cyb * yb + czb * zb
    d2 = (cc + xx) - 2.0 * cross
    iota = lax.broadcasted_iota(jnp.int32, (_PT, _N), 1)
    cand = jnp.where(d2 <= _R2, iota, _N)

    def _rowmin(v):
        parts = [v[:, k * 512:(k + 1) * 512] for k in range(v.shape[1] // 512)]
        while len(parts) > 1:
            parts = [jnp.minimum(parts[i], parts[i + 1])
                     for i in range(0, len(parts), 2)]
        return jnp.min(parts[0], axis=1, keepdims=True)

    m = _rowmin(cand)
    cols = [m]
    for _ in range(_S - 1):
        m = _rowmin(jnp.where(cand > m, cand, _N))
        cols.append(m)
    idxt = jnp.concatenate(cols, axis=1)
    idxt = jnp.where(idxt == _N, idxt[:, 0:1], idxt)
    idxt = jnp.minimum(idxt, _N - 1)
    idx_ref[0] = idxt + b * _N


def _run_ball_query(xyz, ctr_t):
    return pl.pallas_call(
        _bq_body,
        grid=(_B, _P // _PT),
        in_specs=[
            pl.BlockSpec((1, 3, _N), lambda b, t: (b, 0, 0)),
            pl.BlockSpec((1, _PT, 3), lambda b, t: (b, t, 0)),
        ],
        out_specs=pl.BlockSpec((1, _PT, _S), lambda b, t: (b, t, 0)),
        out_shape=jax.ShapeDtypeStruct((_B, _P, _S), jnp.int32),
    )(xyz, ctr_t)



def _sc_gather_body(tab_ref, idx_ref, out_ref, idx_v0, idx_v1,
                    rows_v0, rows_v1, sem0, sem1):
    wid = lax.axis_index("s") * 2 + lax.axis_index("c")
    per_w = _TOT // _NW
    base = wid * per_w

    def chunk2(c, carry):
        off0 = base + (2 * c) * _CHUNK
        off1 = off0 + _CHUNK
        pltpu.sync_copy(idx_ref.at[pl.ds(off0, _CHUNK)], idx_v0)
        g0 = pltpu.async_copy(tab_ref.at[idx_v0], rows_v0, sem0)
        pltpu.sync_copy(idx_ref.at[pl.ds(off1, _CHUNK)], idx_v1)
        g0.wait()
        g1 = pltpu.async_copy(tab_ref.at[idx_v1], rows_v1, sem1)
        pltpu.sync_copy(rows_v0, out_ref.at[pl.ds(off0, _CHUNK)])
        g1.wait()
        pltpu.sync_copy(rows_v1, out_ref.at[pl.ds(off1, _CHUNK)])
        return carry

    lax.fori_loop(0, per_w // (2 * _CHUNK), chunk2, 0)


def _sc_gather(table, flat_idx):
    mesh = plsc.VectorSubcoreMesh(core_axis_name="c", subcore_axis_name="s")
    f = functools.partial(
        pl.kernel,
        mesh=mesh,
        out_type=jax.ShapeDtypeStruct((_TOT, 128), jnp.float32),
        scratch_types=[
            pltpu.VMEM((_CHUNK,), jnp.int32),
            pltpu.VMEM((_CHUNK,), jnp.int32),
            pltpu.VMEM((_CHUNK, 128), jnp.float32),
            pltpu.VMEM((_CHUNK, 128), jnp.float32),
            pltpu.SemaphoreType.DMA,
            pltpu.SemaphoreType.DMA,
        ],
    )(_sc_gather_body)
    return f(table, flat_idx)



def _mlp1_body(g_ref, c_ref, w_ref, b_ref, y_ref, st_ref, acc):
    i = pl.program_id(0)

    @pl.when(i == 0)
    def _():
        acc[...] = jnp.zeros_like(acc)

    g = g_ref[...][:, 0:_D]
    c = c_ref[...]
    ce = jnp.reshape(jnp.broadcast_to(c[:, None, :], (_ROWS // _S, _S, 3)),
                     (_ROWS, 3))
    xcat = jnp.concatenate([g[:, 0:3] - ce, g[:, 3:]], axis=1)
    yv = jnp.dot(xcat.astype(jnp.bfloat16), w_ref[...].astype(jnp.bfloat16),
                 preferred_element_type=jnp.float32) + b_ref[...]
    y_ref[...] = yv
    acc[0:1, :] = acc[0:1, :] + jnp.sum(yv, axis=0, keepdims=True)
    acc[1:2, :] = acc[1:2, :] + jnp.sum(yv * yv, axis=0, keepdims=True)

    @pl.when(i == _GRID1 - 1)
    def _():
        st_ref[...] = acc[...]


def _run_mlp1(g, ctr_rows, w0p, b0):
    return pl.pallas_call(
        _mlp1_body,
        grid=(_GRID1,),
        in_specs=[
            pl.BlockSpec((_ROWS, 128), lambda i: (i, 0)),
            pl.BlockSpec((_ROWS // _S, 3), lambda i: (i, 0)),
            pl.BlockSpec((_D, _D), lambda i: (0, 0)),
            pl.BlockSpec((1, _D), lambda i: (0, 0)),
        ],
        out_specs=[
            pl.BlockSpec((_ROWS, _D), lambda i: (i, 0)),
            pl.BlockSpec((8, _D), lambda i: (0, 0)),
        ],
        out_shape=[
            jax.ShapeDtypeStruct((_TOT, _D), jnp.float32),
            jax.ShapeDtypeStruct((8, _D), jnp.float32),
        ],
        scratch_shapes=[pltpu.VMEM((8, _D), jnp.float32)],
    )(g, ctr_rows, w0p, b0)


def _mlp2_body(y_ref, a_ref, d_ref, w_ref, b_ref, o_ref, st_ref, acc):
    i = pl.program_id(0)

    @pl.when(i == 0)
    def _():
        acc[...] = jnp.zeros_like(acc)

    z = jnp.maximum(y_ref[...] * a_ref[...] + d_ref[...], 0.0)
    yv = jnp.dot(z.astype(jnp.bfloat16), w_ref[...].astype(jnp.bfloat16),
                 preferred_element_type=jnp.float32) + b_ref[...]
    o_ref[...] = yv
    acc[0:1, :] = acc[0:1, :] + jnp.sum(yv, axis=0, keepdims=True)
    acc[1:2, :] = acc[1:2, :] + jnp.sum(yv * yv, axis=0, keepdims=True)

    @pl.when(i == _GRID1 - 1)
    def _():
        st_ref[...] = acc[...]


def _run_mlp2(y0, a0, d0, w1p, b1):
    return pl.pallas_call(
        _mlp2_body,
        grid=(_GRID1,),
        in_specs=[
            pl.BlockSpec((_ROWS, _D), lambda i: (i, 0)),
            pl.BlockSpec((1, _D), lambda i: (0, 0)),
            pl.BlockSpec((1, _D), lambda i: (0, 0)),
            pl.BlockSpec((_D, _D), lambda i: (0, 0)),
            pl.BlockSpec((1, _D), lambda i: (0, 0)),
        ],
        out_specs=[
            pl.BlockSpec((_ROWS, _D), lambda i: (i, 0)),
            pl.BlockSpec((8, _D), lambda i: (0, 0)),
        ],
        out_shape=[
            jax.ShapeDtypeStruct((_TOT, _D), jnp.float32),
            jax.ShapeDtypeStruct((8, _D), jnp.float32),
        ],
        scratch_shapes=[pltpu.VMEM((8, _D), jnp.float32)],
    )(y0, a0, d0, w1p, b1)


def _mlp3_body(y_ref, a_ref, d_ref, w_ref, b_ref, mx_ref, mn_ref, st_ref, acc):
    i = pl.program_id(0)

    @pl.when(i == 0)
    def _():
        acc[...] = jnp.zeros_like(acc)

    z = jnp.maximum(y_ref[...] * a_ref[...] + d_ref[...], 0.0)
    yv = jnp.dot(z.astype(jnp.bfloat16), w_ref[...].astype(jnp.bfloat16),
                 preferred_element_type=jnp.float32) + b_ref[...]
    acc[0:1, :] = acc[0:1, :] + jnp.sum(yv, axis=0, keepdims=True)
    acc[1:2, :] = acc[1:2, :] + jnp.sum(yv * yv, axis=0, keepdims=True)
    yr = yv.reshape(_ROWS // _S, _S, 64)
    mx_ref[...] = jnp.max(yr, axis=1)
    mn_ref[...] = jnp.min(yr, axis=1)

    @pl.when(i == _GRID1 - 1)
    def _():
        st_ref[...] = acc[...]


def _run_mlp3(y1, a1, d1, w2p, b2):
    return pl.pallas_call(
        _mlp3_body,
        grid=(_GRID1,),
        in_specs=[
            pl.BlockSpec((_ROWS, _D), lambda i: (i, 0)),
            pl.BlockSpec((1, _D), lambda i: (0, 0)),
            pl.BlockSpec((1, _D), lambda i: (0, 0)),
            pl.BlockSpec((_D, 64), lambda i: (0, 0)),
            pl.BlockSpec((1, 64), lambda i: (0, 0)),
        ],
        out_specs=[
            pl.BlockSpec((_ROWS // _S, 64), lambda i: (i, 0)),
            pl.BlockSpec((_ROWS // _S, 64), lambda i: (i, 0)),
            pl.BlockSpec((8, 64), lambda i: (0, 0)),
        ],
        out_shape=[
            jax.ShapeDtypeStruct((_B * _P, 64), jnp.float32),
            jax.ShapeDtypeStruct((_B * _P, 64), jnp.float32),
            jax.ShapeDtypeStruct((8, 64), jnp.float32),
        ],
        scratch_shapes=[pltpu.VMEM((8, 64), jnp.float32)],
    )(y1, a1, d1, w2p, b2)


def _fin_body(mx_ref, mn_ref, g_ref, a_ref, d_ref, o_ref):
    g = g_ref[...]
    sel = jnp.where(g >= 0.0, mx_ref[...], mn_ref[...])
    o_ref[...] = jnp.maximum(sel * a_ref[...] + d_ref[...], 0.0)


def _run_final(mx, mn, g2, a2, d2):
    return pl.pallas_call(
        _fin_body,
        grid=(16,),
        in_specs=[
            pl.BlockSpec((_ROWS, 64), lambda i: (i, 0)),
            pl.BlockSpec((_ROWS, 64), lambda i: (i, 0)),
            pl.BlockSpec((1, 64), lambda i: (0, 0)),
            pl.BlockSpec((1, 64), lambda i: (0, 0)),
            pl.BlockSpec((1, 64), lambda i: (0, 0)),
        ],
        out_specs=pl.BlockSpec((_ROWS, 64), lambda i: (i, 0)),
        out_shape=jax.ShapeDtypeStruct((_B * _P, 64), jnp.float32),
    )(mx, mn, g2, a2, d2)


def _bn_affine(s, ss, gamma, beta):
    cnt = float(_TOT)
    mean = s / cnt
    var = jnp.maximum(ss / cnt - mean * mean, 0.0)
    a = gamma / jnp.sqrt(var + _EPS)
    d = beta - mean * a
    return a, d


def kernel(xyz, points, w0, b0, gamma0, beta0, w1, b1, gamma1, beta1,
           w2, b2, gamma2, beta2):
    new_xyz = _run_fps(xyz)
    ctr_t = jnp.transpose(new_xyz, (0, 2, 1))

    idx = _run_ball_query(xyz, ctr_t)

    table = jnp.concatenate(
        [jnp.transpose(xyz, (0, 2, 1)),
         jnp.transpose(points, (0, 2, 1)),
         jnp.zeros((_B, _N, 128 - 19), jnp.float32)], axis=-1
    ).reshape(_B * _N, 128)
    g = _sc_gather(table, idx.reshape(_TOT))

    w0p = jnp.zeros((_D, _D), jnp.float32).at[:19, :].set(w0.T)
    w1p = w1.T
    w2p = w2.T
    ctr_rows = ctr_t.reshape(_B * _P, 3)
    y0, st0 = _run_mlp1(g, ctr_rows, w0p, b0.reshape(1, _D))
    a0, d0 = _bn_affine(st0[0], st0[1], gamma0, beta0)
    y1, st1 = _run_mlp2(y0, a0.reshape(1, _D), d0.reshape(1, _D),
                        w1p, b1.reshape(1, _D))
    a1, d1 = _bn_affine(st1[0], st1[1], gamma1, beta1)
    mx, mn, st2 = _run_mlp3(y1, a1.reshape(1, _D), d1.reshape(1, _D),
                            w2p, b2.reshape(1, 64))
    a2, d2 = _bn_affine(st2[0, :], st2[1, :], gamma2, beta2)
    pts = _run_final(mx, mn, gamma2.reshape(1, 64), a2.reshape(1, 64),
                     d2.reshape(1, 64))
    new_points = jnp.transpose(pts.reshape(_B, _P, 64), (0, 2, 1))
    return new_xyz, new_points

# --- scband reference (transcript-rebuilt; emitter-appended) ---
"""Pipeline reference for scband-point-net-sa-module-13958643712353 (READ-ONLY COPY).

The authoritative reference and input builder live on the scoring server;
editing this copy changes nothing except your own understanding.
"""

import jax, jax.numpy as jnp
import numpy as np

NPOINT = 1024
NSAMPLE = 32
RADIUS = 0.4
IN_CHANNEL = 16
MLP = [32, 32, 64]
EPS = 1e-5
B, N = 8, 8192


def setup_inputs(seed: int = 0) -> dict:
    key = jax.random.key(seed)
    ks = jax.random.split(key, 2 + 2 * len(MLP))
    inp = {
        'xyz': jax.random.normal(ks[0], (B, 3, N), dtype=jnp.float32),
        'points': jax.random.normal(ks[1], (B, IN_CHANNEL, N), dtype=jnp.float32),
    }
    last = IN_CHANNEL + 3
    for i, out_c in enumerate(MLP):
        s = 1.0 / np.sqrt(last)
        inp[f'w{i}'] = jax.random.uniform(ks[2 + 2 * i], (out_c, last), dtype=jnp.float32, minval=-s, maxval=s)
        inp[f'b{i}'] = jax.random.uniform(ks[3 + 2 * i], (out_c,), dtype=jnp.float32, minval=-s, maxval=s)
        inp[f'gamma{i}'] = jnp.ones((out_c,), dtype=jnp.float32)
        inp[f'beta{i}'] = jnp.zeros((out_c,), dtype=jnp.float32)
        last = out_c
    return inp


def _fps(xyz_t, npoint):
    # xyz_t: (B, N, 3) -> (B, npoint) int32 farthest-point-sample indices
    b, n, _ = xyz_t.shape
    def body(i, state):
        dists, idxs, far = state
        idxs = idxs.at[:, i].set(far)
        centroid = jnp.take_along_axis(xyz_t, far[:, None, None], axis=1)  # (B,1,3)
        d = jnp.sum((xyz_t - centroid) ** 2, axis=-1)
        dists = jnp.minimum(dists, d)
        far = jnp.argmax(dists, axis=-1).astype(jnp.int32)
        return dists, idxs, far
    dists = jnp.full((b, n), 1e10, dtype=xyz_t.dtype)
    idxs = jnp.zeros((b, npoint), dtype=jnp.int32)
    far = jnp.zeros((b,), dtype=jnp.int32)
    _, idxs, _ = jax.lax.fori_loop(0, npoint, body, (dists, idxs, far))
    return idxs


def _ball_query(radius, nsample, xyz_t, new_xyz_t):
    # xyz_t: (B,N,3), new_xyz_t: (B,P,3) -> (B,P,nsample) int32
    xyz_t = jax.lax.stop_gradient(xyz_t)
    new_xyz_t = jax.lax.stop_gradient(new_xyz_t)
    n = xyz_t.shape[1]
    d2 = (jnp.sum(new_xyz_t ** 2, -1)[:, :, None]
          + jnp.sum(xyz_t ** 2, -1)[:, None, :]
          - 2.0 * jnp.einsum('bpc,bnc->bpn', new_xyz_t, xyz_t))
    cand = jnp.where(d2 <= radius * radius, jnp.arange(n, dtype=jnp.int32)[None, None, :], n)
    neg_topk, _ = jax.lax.top_k(-cand, nsample)  # smallest nsample valid indices
    idx = -neg_topk
    first = idx[:, :, :1]
    idx = jnp.where(idx == n, first, idx)  # pad with first valid (center itself always in radius)
    return idx


def _forward(xyz, points, params):
    xyz_t = jnp.transpose(xyz, (0, 2, 1))  # (B,N,3)
    fps_idx = _fps(jax.lax.stop_gradient(xyz_t), NPOINT)
    new_xyz_t = jnp.take_along_axis(xyz_t, fps_idx[:, :, None], axis=1)  # (B,P,3)
    idx = _ball_query(RADIUS, NSAMPLE, xyz_t, new_xyz_t)  # (B,P,S)
    grouped_xyz = jax.vmap(lambda p, i: p[i])(xyz_t, idx)  # (B,P,S,3)
    grouped_xyz = grouped_xyz - new_xyz_t[:, :, None, :]
    points_t = jnp.transpose(points, (0, 2, 1))  # (B,N,C)
    grouped_points = jax.vmap(lambda p, i: p[i])(points_t, idx)  # (B,P,S,C)
    new_points = jnp.concatenate([grouped_xyz, grouped_points], axis=-1)  # (B,P,S,3+C)
    x = jnp.transpose(new_points, (0, 3, 1, 2))  # (B, 3+C, P, S)
    for (w, b, g, be) in params:
        x = jnp.einsum('oc,bcps->bops', w, x) + b[None, :, None, None]
        mean = jnp.mean(x, axis=(0, 2, 3), keepdims=True)
        var = jnp.var(x, axis=(0, 2, 3), keepdims=True)
        x = (x - mean) / jnp.sqrt(var + EPS)
        x = x * g[None, :, None, None] + be[None, :, None, None]
        x = jax.nn.relu(x)
    new_points_out = jnp.max(x, axis=3)  # (B, mlp[-1], P)
    new_xyz = jnp.transpose(new_xyz_t, (0, 2, 1))  # (B, 3, P)
    return new_xyz, new_points_out


def reference(xyz, points, w0, b0, gamma0, beta0, w1, b1, gamma1, beta1, w2, b2, gamma2, beta2):
    params = [(w0, b0, gamma0, beta0), (w1, b1, gamma1, beta1), (w2, b2, gamma2, beta2)]
    return _forward(xyz, points, params)

if __name__ == "__main__":
    import jax
    _d = setup_inputs()
    print(jax.jit(kernel)(*tuple(_d.values())))

</pallas_src>

<mosaic_0001>
#map = affine_map<(d0, d1) -> (0, 0)>
#map1 = affine_map<(d0, d1) -> (0)>
module attributes {stable_mosaic.version = 14 : i64} {
  func.func @_sc_gather_body(%arg0: i32, %arg1: i32, %arg2: memref<65536x128xf32, #tpu.memory_space<hbm>>, %arg3: memref<262144xi32, #tpu.memory_space<hbm>>, %arg4: memref<262144x128xf32, #tpu.memory_space<hbm>>, %arg5: memref<128xi32, #tpu.memory_space<vmem>>, %arg6: memref<128xi32, #tpu.memory_space<vmem>>, %arg7: memref<128x128xf32, #tpu.memory_space<vmem>>, %arg8: memref<128x128xf32, #tpu.memory_space<vmem>>, %arg9: memref<!tpu.dma_semaphore, #tpu.memory_space<semaphore_mem>>, %arg10: memref<!tpu.dma_semaphore, #tpu.memory_space<semaphore_mem>>) attributes {dimension_semantics = [#tpu.dimension_semantics<core_parallel>, #tpu.dimension_semantics<subcore_parallel>], iteration_bounds = array<i64: 2, 16>, scalar_prefetch = 0 : i64, scratch_operands = 6 : i64, tpu.core_type = #tpu.core_type<sc_vector_subcore>, window_params = [{transform_indices = #map}, {transform_indices = #map1}, {transform_indices = #map}]} {
    %mul3A = arith.constant 2 : i32
    %mul3A_0 = arith.muli %arg1, %mul3A : i32
    %add3A = arith.addi %mul3A_0, %arg0 : i32
    %mul3A_1 = arith.constant 8192 : i32
    %mul3A_2 = arith.muli %add3A, %mul3A_1 : i32
    %scan3A = arith.constant 0 : i32
    %scan3A_3 = arith.constant 0 : i32
    %scan3A_4 = arith.constant 32 : i32
    %scan3A_5 = arith.addi %scan3A_3, %scan3A_4 : i32
    %scan3A_6 = arith.constant 1 : i32
    scf.for %scan3A_8 = %scan3A_3 to %scan3A_5 step %scan3A_6  : i32 {
      %mul3A_9 = arith.constant 2 : i32
      %mul3A_10 = arith.muli %mul3A_9, %scan3A_8 : i32
      %mul3A_11 = arith.constant 128 : i32
      %mul3A_12 = arith.muli %mul3A_10, %mul3A_11 : i32
      %add3A_13 = arith.addi %mul3A_2, %mul3A_12 : i32
      %add3A_14 = arith.constant 128 : i32
      %add3A_15 = arith.addi %add3A_13, %add3A_14 : i32
      "tpu.region"() ({
        %run_scoped3A = tpu.sem_alloc : memref<!tpu.dma_semaphore, #tpu.memory_space<semaphore_mem>>
        %dma_start3A_26 = tpu.memref_slice %arg3[%add3A_13] : memref<262144xi32, #tpu.memory_space<hbm>> -> memref<128xi32, #tpu.memory_space<hbm>>
        %dma_start3A_27 = tpu.memref_slice %arg3[%add3A_13] : memref<262144xi32, #tpu.memory_space<hbm>> -> memref<128xi32, #tpu.memory_space<hbm>>
        tpu.enqueue_dma source(%dma_start3A_27 : memref<128xi32, #tpu.memory_space<hbm>>) target(%arg5 : memref<128xi32, #tpu.memory_space<vmem>>) target_semaphore(%run_scoped3A : memref<!tpu.dma_semaphore, #tpu.memory_space<semaphore_mem>>)
        %dma_wait3A_28 = tpu.memref_slice %arg3[%add3A_13] : memref<262144xi32, #tpu.memory_space<hbm>> -> memref<128xi32, #tpu.memory_space<hbm>>
        %dma_wait3A_29 = tpu.memref_slice %arg3[%add3A_13] : memref<262144xi32, #tpu.memory_space<hbm>> -> memref<128xi32, #tpu.memory_space<hbm>>
        tpu.wait_dma2 semaphore(%run_scoped3A : memref<!tpu.dma_semaphore, #tpu.memory_space<semaphore_mem>>) src(%dma_wait3A_29 : memref<128xi32, #tpu.memory_space<hbm>>) dst(%arg5 : memref<128xi32, #tpu.memory_space<vmem>>)
        tpu.yield
      }) : () -> ()
      %dma_start3A = arith.constant 0 : i32
      %dma_start3A_16 = arith.constant 0 : i32
      %dma_start3A_17 = tpu.memref_slice %arg2[%dma_start3A, %dma_start3A_16] : memref<65536x128xf32, #tpu.memory_space<hbm>> -> memref<65536x128xf32, #tpu.memory_space<hbm>>
      tpu.enqueue_indirect_dma source(%dma_start3A_17 : memref<65536x128xf32, #tpu.memory_space<hbm>>) target(%arg7 : memref<128x128xf32, #tpu.memory_space<vmem>>) offsets(%arg5 : memref<128xi32, #tpu.memory_space<vmem>>) semaphore(%arg9 : memref<!tpu.dma_semaphore, #tpu.memory_space<semaphore_mem>>)
      "tpu.region"() ({
        %run_scoped3A = tpu.sem_alloc : memref<!tpu.dma_semaphore, #tpu.memory_space<semaphore_mem>>
        %dma_start3A_26 = tpu.memref_slice %arg3[%add3A_15] : memref<262144xi32, #tpu.memory_space<hbm>> -> memref<128xi32, #tpu.memory_space<hbm>>
        %dma_start3A_27 = tpu.memref_slice %arg3[%add3A_15] : memref<262144xi32, #tpu.memory_space<hbm>> -> memref<128xi32, #tpu.memory_space<hbm>>
        tpu.enqueue_dma source(%dma_start3A_27 : memref<128xi32, #tpu.memory_space<hbm>>) target(%arg6 : memref<128xi32, #tpu.memory_space<vmem>>) target_semaphore(%run_scoped3A : memref<!tpu.dma_semaphore, #tpu.memory_space<semaphore_mem>>)
        %dma_wait3A_28 = tpu.memref_slice %arg3[%add3A_15] : memref<262144xi32, #tpu.memory_space<hbm>> -> memref<128xi32, #tpu.memory_space<hbm>>
        %dma_wait3A_29 = tpu.memref_slice %arg3[%add3A_15] : memref<262144xi32, #tpu.memory_space<hbm>> -> memref<128xi32, #tpu.memory_space<hbm>>
        tpu.wait_dma2 semaphore(%run_scoped3A : memref<!tpu.dma_semaphore, #tpu.memory_space<semaphore_mem>>) src(%dma_wait3A_29 : memref<128xi32, #tpu.memory_space<hbm>>) dst(%arg6 : memref<128xi32, #tpu.memory_space<vmem>>)
        tpu.yield
      }) : () -> ()
      %dma_wait3A = arith.constant 0 : i32
      %dma_wait3A_18 = arith.constant 0 : i32
      %dma_wait3A_19 = tpu.memref_slice %arg2[%dma_wait3A, %dma_wait3A_18] : memref<65536x128xf32, #tpu.memory_space<hbm>> -> memref<65536x128xf32, #tpu.memory_space<hbm>>
      tpu.wait_indirect_dma semaphore(%arg9 : memref<!tpu.dma_semaphore, #tpu.memory_space<semaphore_mem>>) src(%dma_wait3A_19 : memref<65536x128xf32, #tpu.memory_space<hbm>>) dst(%arg7 : memref<128x128xf32, #tpu.memory_space<vmem>>)
      %dma_start3A_20 = arith.constant 0 : i32
      %dma_start3A_21 = arith.constant 0 : i32
      %dma_start3A_22 = tpu.memref_slice %arg2[%dma_start3A_20, %dma_start3A_21] : memref<65536x128xf32, #tpu.memory_space<hbm>> -> memref<65536x128xf32, #tpu.memory_space<hbm>>
      tpu.enqueue_indirect_dma source(%dma_start3A_22 : memref<65536x128xf32, #tpu.memory_space<hbm>>) target(%arg8 : memref<128x128xf32, #tpu.memory_space<vmem>>) offsets(%arg6 : memref<128xi32, #tpu.memory_space<vmem>>) semaphore(%arg10 : memref<!tpu.dma_semaphore, #tpu.memory_space<semaphore_mem>>)
      "tpu.region"() ({
        %run_scoped3A = tpu.sem_alloc : memref<!tpu.dma_semaphore, #tpu.memory_space<semaphore_mem>>
        %dma_start3A_26 = arith.constant 0 : i32
        %dma_start3A_27 = tpu.memref_slice %arg4[%add3A_13, %dma_start3A_26] : memref<262144x128xf32, #tpu.memory_space<hbm>> -> memref<128x128xf32, #tpu.memory_space<hbm>>
        %dma_start3A_28 = arith.constant 0 : i32
        %dma_start3A_29 = tpu.memref_slice %arg4[%add3A_13, %dma_start3A_28] : memref<262144x128xf32, #tpu.memory_space<hbm>> -> memref<128x128xf32, #tpu.memory_space<hbm>>
        tpu.enqueue_dma source(%arg7 : memref<128x128xf32, #tpu.memory_space<vmem>>) target(%dma_start3A_29 : memref<128x128xf32, #tpu.memory_space<hbm>>) target_semaphore(%run_scoped3A : memref<!tpu.dma_semaphore, #tpu.memory_space<semaphore_mem>>)
        %dma_wait3A_30 = arith.constant 0 : i32
        %dma_wait3A_31 = tpu.memref_slice %arg4[%add3A_13, %dma_wait3A_30] : memref<262144x128xf32, #tpu.memory_space<hbm>> -> memref<128x128xf32, #tpu.memory_space<hbm>>
        %dma_wait3A_32 = arith.constant 0 : i32
        %dma_wait3A_33 = tpu.memref_slice %arg4[%add3A_13, %dma_wait3A_32] : memref<262144x128xf32, #tpu.memory_space<hbm>> -> memref<128x128xf32, #tpu.memory_space<hbm>>
        tpu.wait_dma2 semaphore(%run_scoped3A : memref<!tpu.dma_semaphore, #tpu.memory_space<semaphore_mem>>) src(%arg7 : memref<128x128xf32, #tpu.memory_space<vmem>>) dst(%dma_wait3A_33 : memref<128x128xf32, #tpu.memory_space<hbm>>)
        tpu.yield
      }) : () -> ()
      %dma_wait3A_23 = arith.constant 0 : i32
      %dma_wait3A_24 = arith.constant 0 : i32
      %dma_wait3A_25 = tpu.memref_slice %arg2[%dma_wait3A_23, %dma_wait3A_24] : memref<65536x128xf32, #tpu.memory_space<hbm>> -> memref<65536x128xf32, #tpu.memory_space<hbm>>
      tpu.wait_indirect_dma semaphore(%arg10 : memref<!tpu.dma_semaphore, #tpu.memory_space<semaphore_mem>>) src(%dma_wait3A_25 : memref<65536x128xf32, #tpu.memory_space<hbm>>) dst(%arg8 : memref<128x128xf32, #tpu.memory_space<vmem>>)
      "tpu.region"() ({
        %run_scoped3A = tpu.sem_alloc : memref<!tpu.dma_semaphore, #tpu.memory_space<semaphore_mem>>
        %dma_start3A_26 = arith.constant 0 : i32
        %dma_start3A_27 = tpu.memref_slice %arg4[%add3A_15, %dma_start3A_26] : memref<262144x128xf32, #tpu.memory_space<hbm>> -> memref<128x128xf32, #tpu.memory_space<hbm>>
        %dma_start3A_28 = arith.constant 0 : i32
        %dma_start3A_29 = tpu.memref_slice %arg4[%add3A_15, %dma_start3A_28] : memref<262144x128xf32, #tpu.memory_space<hbm>> -> memref<128x128xf32, #tpu.memory_space<hbm>>
        tpu.enqueue_dma source(%arg8 : memref<128x128xf32, #tpu.memory_space<vmem>>) target(%dma_start3A_29 : memref<128x128xf32, #tpu.memory_space<hbm>>) target_semaphore(%run_scoped3A : memref<!tpu.dma_semaphore, #tpu.memory_space<semaphore_mem>>)
        %dma_wait3A_30 = arith.constant 0 : i32
        %dma_wait3A_31 = tpu.memref_slice %arg4[%add3A_15, %dma_wait3A_30] : memref<262144x128xf32, #tpu.memory_space<hbm>> -> memref<128x128xf32, #tpu.memory_space<hbm>>
        %dma_wait3A_32 = arith.constant 0 : i32
        %dma_wait3A_33 = tpu.memref_slice %arg4[%add3A_15, %dma_wait3A_32] : memref<262144x128xf32, #tpu.memory_space<hbm>> -> memref<128x128xf32, #tpu.memory_space<hbm>>
        tpu.wait_dma2 semaphore(%run_scoped3A : memref<!tpu.dma_semaphore, #tpu.memory_space<semaphore_mem>>) src(%arg8 : memref<128x128xf32, #tpu.memory_space<vmem>>) dst(%dma_wait3A_33 : memref<128x128xf32, #tpu.memory_space<hbm>>)
        tpu.yield
      }) : () -> ()
    }
    %scan3A_7 = arith.constant 32 : i32
    return
  }
}

module attributes {stable_mosaic.version = 14 : i64} {
  func.func @_fps_body(%arg0: i32, %arg1: memref<3x8x8192xf32, #tpu.memory_space<vmem>>, %arg2: memref<3x8x1024xf32, #tpu.memory_space<vmem>>) attributes {dimension_semantics = [#tpu.dimension_semantics<arbitrary>], iteration_bounds = array<i64: 1>, scalar_prefetch = 0 : i64, scratch_operands = 0 : i64, tpu.core_type = #tpu.core_type<tc>, window_params = [{pipeline_mode = #tpu.pipeline_mode<synchronous>, transform_indices = @transform_0, window_bounds = array<i64: 3, 8, 8192>}, {pipeline_mode = #tpu.pipeline_mode<synchronous>, transform_indices = @transform_1, window_bounds = array<i64: 3, 8, 1024>}]} {
    %get3A = arith.constant 0 : index
    %get3A_0 = arith.constant 0 : index
    %get3A_1 = arith.constant 0 : index
    %get3A_2 = vector.load %arg1[%get3A, %get3A_0, %get3A_1] : memref<3x8x8192xf32, #tpu.memory_space<vmem>>, vector<1x8x8192xf32>
    %get3A_3 = vector.shape_cast %get3A_2 : vector<1x8x8192xf32> to vector<8x8192xf32>
    %get3A_4 = arith.constant 1 : index
    %get3A_5 = arith.constant 0 : index
    %get3A_6 = arith.constant 0 : index
    %get3A_7 = vector.load %arg1[%get3A_4, %get3A_5, %get3A_6] : memref<3x8x8192xf32, #tpu.memory_space<vmem>>, vector<1x8x8192xf32>
    %get3A_8 = vector.shape_cast %get3A_7 : vector<1x8x8192xf32> to vector<8x8192xf32>
    %get3A_9 = arith.constant 2 : index
    %get3A_10 = arith.constant 0 : index
    %get3A_11 = arith.constant 0 : index
    %get3A_12 = vector.load %arg1[%get3A_9, %get3A_10, %get3A_11] : memref<3x8x8192xf32, #tpu.memory_space<vmem>>, vector<1x8x8192xf32>
    %get3A_13 = vector.shape_cast %get3A_12 : vector<1x8x8192xf32> to vector<8x8192xf32>
    %iota3A = tpu.iota {dimensions = array<i32: 1>} : vector<8x8192xi32>
    %iota3A_14 = tpu.iota {dimensions = array<i32: 1>} : vector<8x1024xi32>
    %broadcast_in_dim3A = arith.constant 1.000000e+10 : f32
    %broadcast_in_dim3A_15 = vector.broadcast %broadcast_in_dim3A : f32 to vector<8x8192xf32>
    %broadcast_in_dim3A_16 = arith.constant 0 : i32
    %broadcast_in_dim3A_17 = vector.broadcast %broadcast_in_dim3A_16 : i32 to vector<8x1xi32>
    %broadcast_in_dim3A_18 = arith.constant 0.000000e+00 : f32
    %broadcast_in_dim3A_19 = vector.broadcast %broadcast_in_dim3A_18 : f32 to vector<8x1024xf32>
    %broadcast_in_dim3A_20 = arith.constant 0.000000e+00 : f32
    %broadcast_in_dim3A_21 = vector.broadcast %broadcast_in_dim3A_20 : f32 to vector<8x1024xf32>
    %broadcast_in_dim3A_22 = arith.constant 0.000000e+00 : f32
    %broadcast_in_dim3A_23 = vector.broadcast %broadcast_in_dim3A_22 : f32 to vector<8x1024xf32>
    %scan3A = arith.constant 0 : i32
    %scan3A_24 = arith.constant 1024 : i32
    %scan3A_25 = arith.addi %scan3A, %scan3A_24 : i32
    %scan3A_26 = arith.constant 1 : i32
    %scan3A_27:5 = scf.for %scan3A_46 = %scan3A to %scan3A_25 step %scan3A_26 iter_args(%scan3A_47 = %broadcast_in_dim3A_15, %scan3A_48 = %broadcast_in_dim3A_17, %scan3A_49 = %broadcast_in_dim3A_19, %scan3A_50 = %broadcast_in_dim3A_21, %scan3A_51 = %broadcast_in_dim3A_23) -> (vector<8x8192xf32>, vector<8x1xi32>, vector<8x1024xf32>, vector<8x1024xf32>, vector<8x1024xf32>)  : i32 {
      %eq3A = vector.broadcast %scan3A_48 : vector<8x1xi32> to vector<8x8192xi32>
      %eq3A_52 = arith.cmpi eq, %iota3A, %eq3A : vector<8x8192xi32>
      %jit3A = arith.constant 0.000000e+00 : f32
      %broadcast_in_dim3A_53 = vector.broadcast %jit3A : f32 to vector<8x8192xf32>
      %select_n3A = arith.select %eq3A_52, %get3A_3, %broadcast_in_dim3A_53 : vector<8x8192xi1>, vector<8x8192xf32>
      %reduce_sum3A = arith.constant dense<0.000000e+00> : vector<8xf32>
      %reduce_sum3A_54 = vector.multi_reduction <add>, %select_n3A, %reduce_sum3A [1] : vector<8x8192xf32> to vector<8xf32>
      %broadcast_in_dim3A_55 = vector.shape_cast %reduce_sum3A_54 : vector<8xf32> to vector<8x1xf32>
      %jit3A_56 = arith.constant 0.000000e+00 : f32
      %broadcast_in_dim3A_57 = vector.broadcast %jit3A_56 : f32 to vector<8x8192xf32>
      %select_n3A_58 = arith.select %eq3A_52, %get3A_8, %broadcast_in_dim3A_57 : vector<8x8192xi1>, vector<8x8192xf32>
      %reduce_sum3A_59 = arith.constant dense<0.000000e+00> : vector<8xf32>
      %reduce_sum3A_60 = vector.multi_reduction <add>, %select_n3A_58, %reduce_sum3A_59 [1] : vector<8x8192xf32> to vector<8xf32>
      %broadcast_in_dim3A_61 = vector.shape_cast %reduce_sum3A_60 : vector<8xf32> to vector<8x1xf32>
      %jit3A_62 = arith.constant 0.000000e+00 : f32
      %broadcast_in_dim3A_63 = vector.broadcast %jit3A_62 : f32 to vector<8x8192xf32>
      %select_n3A_64 = arith.select %eq3A_52, %get3A_13, %broadcast_in_dim3A_63 : vector<8x8192xi1>, vector<8x8192xf32>
      %reduce_sum3A_65 = arith.constant dense<0.000000e+00> : vector<8xf32>
      %reduce_sum3A_66 = vector.multi_reduction <add>, %select_n3A_64, %reduce_sum3A_65 [1] : vector<8x8192xf32> to vector<8xf32>
      %broadcast_in_dim3A_67 = vector.shape_cast %reduce_sum3A_66 : vector<8xf32> to vector<8x1xf32>
      %eq3A_68 = vector.broadcast %scan3A_46 : i32 to vector<8x1024xi32>
      %eq3A_69 = arith.cmpi eq, %iota3A_14, %eq3A_68 : vector<8x1024xi32>
      %broadcast_in_dim3A_70 = vector.shape_cast %broadcast_in_dim3A_55 : vector<8x1xf32> to vector<8x1xf32>
      %broadcast_in_dim3A_71 = vector.broadcast %broadcast_in_dim3A_70 : vector<8x1xf32> to vector<8x1024xf32>
      %select_n3A_72 = arith.select %eq3A_69, %broadcast_in_dim3A_71, %scan3A_49 : vector<8x1024xi1>, vector<8x1024xf32>
      %broadcast_in_dim3A_73 = vector.shape_cast %broadcast_in_dim3A_61 : vector<8x1xf32> to vector<8x1xf32>
      %broadcast_in_dim3A_74 = vector.broadcast %broadcast_in_dim3A_73 : vector<8x1xf32> to vector<8x1024xf32>
      %select_n3A_75 = arith.select %eq3A_69, %broadcast_in_dim3A_74, %scan3A_50 : vector<8x1024xi1>, vector<8x1024xf32>
      %broadcast_in_dim3A_76 = vector.shape_cast %broadcast_in_dim3A_67 : vector<8x1xf32> to vector<8x1xf32>
      %broadcast_in_dim3A_77 = vector.broadcast %broadcast_in_dim3A_76 : vector<8x1xf32> to vector<8x1024xf32>
      %select_n3A_78 = arith.select %eq3A_69, %broadcast_in_dim3A_77, %scan3A_51 : vector<8x1024xi1>, vector<8x1024xf32>
      %sub3A = vector.broadcast %broadcast_in_dim3A_55 : vector<8x1xf32> to vector<8x8192xf32>
      %sub3A_79 = arith.subf %get3A_3, %sub3A : vector<8x8192xf32>
      %sub3A_80 = vector.broadcast %broadcast_in_dim3A_61 : vector<8x1xf32> to vector<8x8192xf32>
      %sub3A_81 = arith.subf %get3A_8, %sub3A_80 : vector<8x8192xf32>
      %sub3A_82 = vector.broadcast %broadcast_in_dim3A_67 : vector<8x1xf32> to vector<8x8192xf32>
      %sub3A_83 = arith.subf %get3A_13, %sub3A_82 : vector<8x8192xf32>
      %mul3A = arith.mulf %sub3A_79, %sub3A_79 : vector<8x8192xf32>
      %mul3A_84 = arith.mulf %sub3A_81, %sub3A_81 : vector<8x8192xf32>
      %add3A = arith.addf %mul3A, %mul3A_84 : vector<8x8192xf32>
      %mul3A_85 = arith.mulf %sub3A_83, %sub3A_83 : vector<8x8192xf32>
      %add3A_86 = arith.addf %add3A, %mul3A_85 : vector<8x8192xf32>
      %min3A = arith.minimumf %scan3A_47, %add3A_86 : vector<8x8192xf32>
      %reduce_max3A = arith.constant dense<0xFF800000> : vector<8xf32>
      %reduce_max3A_87 = vector.multi_reduction <maximumf>, %min3A, %reduce_max3A [1] : vector<8x8192xf32> to vector<8xf32>
      %broadcast_in_dim3A_88 = vector.shape_cast %reduce_max3A_87 : vector<8xf32> to vector<8x1xf32>
      %eq3A_89 = vector.broadcast %broadcast_in_dim3A_88 : vector<8x1xf32> to vector<8x8192xf32>
      %eq3A_90 = arith.cmpf oeq, %min3A, %eq3A_89 : vector<8x8192xf32>
      %jit3A_91 = arith.constant 8192 : i32
      %broadcast_in_dim3A_92 = vector.broadcast %jit3A_91 : i32 to vector<8x8192xi32>
      %select_n3A_93 = arith.select %eq3A_90, %iota3A, %broadcast_in_dim3A_92 : vector<8x8192xi1>, vector<8x8192xi32>
      %reduce_min3A = arith.constant dense<2147483647> : vector<8xi32>
      %reduce_min3A_94 = vector.multi_reduction <minsi>, %select_n3A_93, %reduce_min3A [1] : vector<8x8192xi32> to vector<8xi32>
      %broadcast_in_dim3A_95 = vector.shape_cast %reduce_min3A_94 : vector<8xi32> to vector<8x1xi32>
      scf.yield %min3A, %broadcast_in_dim3A_95, %select_n3A_72, %select_n3A_75, %select_n3A_78 : vector<8x8192xf32>, vector<8x1xi32>, vector<8x1024xf32>, vector<8x1024xf32>, vector<8x1024xf32>
    }
    %scan3A_28 = arith.constant 1024 : i32
    %swap3A = arith.constant 0 : index
    %swap3A_29 = arith.constant 0 : index
    %swap3A_30 = arith.constant 0 : index
    %swap3A_31 = vector.load %arg2[%swap3A, %swap3A_29, %swap3A_30] : memref<3x8x1024xf32, #tpu.memory_space<vmem>>, vector<1x8x1024xf32>
    %swap3A_32 = vector.shape_cast %swap3A_31 : vector<1x8x1024xf32> to vector<8x1024xf32>
    %swap3A_33 = vector.shape_cast %scan3A_27#2 : vector<8x1024xf32> to vector<1x8x1024xf32>
    tpu.vector_store %arg2[%swap3A, %swap3A_29, %swap3A_30], %swap3A_33 {strides = array<i32>} : memref<3x8x1024xf32, #tpu.memory_space<vmem>>, vector<1x8x1024xf32>,
    %swap3A_34 = arith.constant 1 : index
    %swap3A_35 = arith.constant 0 : index
    %swap3A_36 = arith.constant 0 : index
    %swap3A_37 = vector.load %arg2[%swap3A_34, %swap3A_35, %swap3A_36] : memref<3x8x1024xf32, #tpu.memory_space<vmem>>, vector<1x8x1024xf32>
    %swap3A_38 = vector.shape_cast %swap3A_37 : vector<1x8x1024xf32> to vector<8x1024xf32>
    %swap3A_39 = vector.shape_cast %scan3A_27#3 : vector<8x1024xf32> to vector<1x8x1024xf32>
    tpu.vector_store %arg2[%swap3A_34, %swap3A_35, %swap3A_36], %swap3A_39 {strides = array<i32>} : memref<3x8x1024xf32, #tpu.memory_space<vmem>>, vector<1x8x1024xf32>,
    %swap3A_40 = arith.constant 2 : index
    %swap3A_41 = arith.constant 0 : index
    %swap3A_42 = arith.constant 0 : index
    %swap3A_43 = vector.load %arg2[%swap3A_40, %swap3A_41, %swap3A_42] : memref<3x8x1024xf32, #tpu.memory_space<vmem>>, vector<1x8x1024xf32>
    %swap3A_44 = vector.shape_cast %swap3A_43 : vector<1x8x1024xf32> to vector<8x1024xf32>
    %swap3A_45 = vector.shape_cast %scan3A_27#4 : vector<8x1024xf32> to vector<1x8x1024xf32>
    tpu.vector_store %arg2[%swap3A_40, %swap3A_41, %swap3A_42], %swap3A_45 {strides = array<i32>} : memref<3x8x1024xf32, #tpu.memory_space<vmem>>, vector<1x8x1024xf32>,
    return
  }
  func.func @transform_0(%arg0: i32) -> (i32, i32, i32) {
    %c0_i32 = arith.constant 0 : i32
    %c0_i32_0 = arith.constant 0 : i32
    %c0_i32_1 = arith.constant 0 : i32
    %c0_i32_2 = arith.constant 0 : i32
    return %c0_i32, %c0_i32_0, %c0_i32_1 : i32, i32, i32
  }
  func.func @transform_1(%arg0: i32) -> (i32, i32, i32) {
    %c0_i32 = arith.constant 0 : i32
    %c0_i32_0 = arith.constant 0 : i32
    %c0_i32_1 = arith.constant 0 : i32
    %c0_i32_2 = arith.constant 0 : i32
    return %c0_i32, %c0_i32_0, %c0_i32_1 : i32, i32, i32
  }
}

module attributes {stable_mosaic.version = 14 : i64} {
  func.func @_bq_body(%arg0: i32, %arg1: i32, %arg2: memref<1x3x8192xf32, #tpu.memory_space<vmem>>, %arg3: memref<1x64x3xf32, #tpu.memory_space<vmem>>, %arg4: memref<1x64x32xi32, #tpu.memory_space<vmem>>) attributes {dimension_semantics = [#tpu.dimension_semantics<arbitrary>, #tpu.dimension_semantics<arbitrary>], iteration_bounds = array<i64: 8, 16>, scalar_prefetch = 0 : i64, scratch_operands = 0 : i64, tpu.core_type = #tpu.core_type<tc>, window_params = [{transform_indices = @transform_0, window_bounds = array<i64: 1, 3, 8192>}, {transform_indices = @transform_1, window_bounds = array<i64: 1, 64, 3>}, {transform_indices = @transform_2, window_bounds = array<i64: 1, 64, 32>}]} {
    %get3A = arith.constant 0 : index
    %get3A_0 = arith.constant 0 : index
    %get3A_1 = arith.constant 0 : index
    %get3A_2 = vector.load %arg2[%get3A, %get3A_0, %get3A_1] : memref<1x3x8192xf32, #tpu.memory_space<vmem>>, vector<1x1x8192xf32>
    %get3A_3 = vector.shape_cast %get3A_2 : vector<1x1x8192xf32> to vector<1x8192xf32>
    %get3A_4 = arith.constant 0 : index
    %get3A_5 = arith.constant 1 : index
    %get3A_6 = arith.constant 0 : index
    %get3A_7 = vector.load %arg2[%get3A_4, %get3A_5, %get3A_6] : memref<1x3x8192xf32, #tpu.memory_space<vmem>>, vector<1x1x8192xf32>
    %get3A_8 = vector.shape_cast %get3A_7 : vector<1x1x8192xf32> to vector<1x8192xf32>
    %get3A_9 = arith.constant 0 : index
    %get3A_10 = arith.constant 2 : index
    %get3A_11 = arith.constant 0 : index
    %get3A_12 = vector.load %arg2[%get3A_9, %get3A_10, %get3A_11] : memref<1x3x8192xf32, #tpu.memory_space<vmem>>, vector<1x1x8192xf32>
    %get3A_13 = vector.shape_cast %get3A_12 : vector<1x1x8192xf32> to vector<1x8192xf32>
    %get3A_14 = arith.constant 0 : index
    %get3A_15 = arith.constant 0 : index
    %get3A_16 = arith.constant 0 : index
    %get3A_17 = vector.load %arg3[%get3A_14, %get3A_15, %get3A_16] : memref<1x64x3xf32, #tpu.memory_space<vmem>>, vector<1x64x1xf32>
    %get3A_18 = vector.shape_cast %get3A_17 : vector<1x64x1xf32> to vector<64x1xf32>
    %get3A_19 = arith.constant 0 : index
    %get3A_20 = arith.constant 0 : index
    %get3A_21 = arith.constant 1 : index
    %get3A_22 = vector.load %arg3[%get3A_19, %get3A_20, %get3A_21] : memref<1x64x3xf32, #tpu.memory_space<vmem>>, vector<1x64x1xf32>
    %get3A_23 = vector.shape_cast %get3A_22 : vector<1x64x1xf32> to vector<64x1xf32>
    %get3A_24 = arith.constant 0 : index
    %get3A_25 = arith.constant 0 : index
    %get3A_26 = arith.constant 2 : index
    %get3A_27 = vector.load %arg3[%get3A_24, %get3A_25, %get3A_26] : memref<1x64x3xf32, #tpu.memory_space<vmem>>, vector<1x64x1xf32>
    %get3A_28 = vector.shape_cast %get3A_27 : vector<1x64x1xf32> to vector<64x1xf32>
    %mul3A = arith.mulf %get3A_3, %get3A_3 : vector<1x8192xf32>
    %mul3A_29 = arith.mulf %get3A_8, %get3A_8 : vector<1x8192xf32>
    %add3A = arith.addf %mul3A, %mul3A_29 : vector<1x8192xf32>
    %mul3A_30 = arith.mulf %get3A_13, %get3A_13 : vector<1x8192xf32>
    %add3A_31 = arith.addf %add3A, %mul3A_30 : vector<1x8192xf32>
    %mul3A_32 = arith.mulf %get3A_18, %get3A_18 : vector<64x1xf32>
    %mul3A_33 = arith.mulf %get3A_23, %get3A_23 : vector<64x1xf32>
    %add3A_34 = arith.addf %mul3A_32, %mul3A_33 : vector<64x1xf32>
    %mul3A_35 = arith.mulf %get3A_28, %get3A_28 : vector<64x1xf32>
    %add3A_36 = arith.addf %add3A_34, %mul3A_35 : vector<64x1xf32>
    %convert_element_type3A = arith.truncf %get3A_3 : vector<1x8192xf32> to vector<1x8192xbf16>
    %convert_element_type3A_37 = arith.extf %convert_element_type3A : vector<1x8192xbf16> to vector<1x8192xf32>
    %convert_element_type3A_38 = arith.truncf %get3A_8 : vector<1x8192xf32> to vector<1x8192xbf16>
    %convert_element_type3A_39 = arith.extf %convert_element_type3A_38 : vector<1x8192xbf16> to vector<1x8192xf32>
    %convert_element_type3A_40 = arith.truncf %get3A_13 : vector<1x8192xf32> to vector<1x8192xbf16>
    %convert_element_type3A_41 = arith.extf %convert_element_type3A_40 : vector<1x8192xbf16> to vector<1x8192xf32>
    %convert_element_type3A_42 = arith.truncf %get3A_18 : vector<64x1xf32> to vector<64x1xbf16>
    %convert_element_type3A_43 = arith.extf %convert_element_type3A_42 : vector<64x1xbf16> to vector<64x1xf32>
    %convert_element_type3A_44 = arith.truncf %get3A_23 : vector<64x1xf32> to vector<64x1xbf16>
    %convert_element_type3A_45 = arith.extf %convert_element_type3A_44 : vector<64x1xbf16> to vector<64x1xf32>
    %convert_element_type3A_46 = arith.truncf %get3A_28 : vector<64x1xf32> to vector<64x1xbf16>
    %convert_element_type3A_47 = arith.extf %convert_element_type3A_46 : vector<64x1xbf16> to vector<64x1xf32>
    %mul3A_48 = vector.broadcast %convert_element_type3A_43 : vector<64x1xf32> to vector<64x8192xf32>
    %mul3A_49 = vector.broadcast %convert_element_type3A_37 : vector<1x8192xf32> to vector<64x8192xf32>
    %mul3A_50 = arith.mulf %mul3A_48, %mul3A_49 : vector<64x8192xf32>
    %mul3A_51 = vector.broadcast %convert_element_type3A_45 : vector<64x1xf32> to vector<64x8192xf32>
    %mul3A_52 = vector.broadcast %convert_element_type3A_39 : vector<1x8192xf32> to vector<64x8192xf32>
    %mul3A_53 = arith.mulf %mul3A_51, %mul3A_52 : vector<64x8192xf32>
    %add3A_54 = arith.addf %mul3A_50, %mul3A_53 : vector<64x8192xf32>
    %mul3A_55 = vector.broadcast %convert_element_type3A_47 : vector<64x1xf32> to vector<64x8192xf32>
    %mul3A_56 = vector.broadcast %convert_element_type3A_41 : vector<1x8192xf32> to vector<64x8192xf32>
    %mul3A_57 = arith.mulf %mul3A_55, %mul3A_56 : vector<64x8192xf32>
    %add3A_58 = arith.addf %add3A_54, %mul3A_57 : vector<64x8192xf32>
    %add3A_59 = vector.broadcast %add3A_36 : vector<64x1xf32> to vector<64x8192xf32>
    %add3A_60 = vector.broadcast %add3A_31 : vector<1x8192xf32> to vector<64x8192xf32>
    %add3A_61 = arith.addf %add3A_59, %add3A_60 : vector<64x8192xf32>
    %mul3A_62 = arith.constant 2.000000e+00 : f32
    %mul3A_63 = vector.broadcast %mul3A_62 : f32 to vector<64x8192xf32>
    %mul3A_64 = arith.mulf %mul3A_63, %add3A_58 : vector<64x8192xf32>
    %sub3A = arith.subf %add3A_61, %mul3A_64 : vector<64x8192xf32>
    %iota3A = tpu.iota {dimensions = array<i32: 1>} : vector<64x8192xi32>
    %le3A = arith.constant 1.600000e-01 : f32
    %le3A_65 = vector.broadcast %le3A : f32 to vector<64x8192xf32>
    %le3A_66 = arith.cmpf ole, %sub3A, %le3A_65 : vector<64x8192xf32>
    %jit3A = arith.constant 8192 : i32
    %broadcast_in_dim3A = vector.broadcast %jit3A : i32 to vector<64x8192xi32>
    %select_n3A = arith.select %le3A_66, %iota3A, %broadcast_in_dim3A : vector<64x8192xi1>, vector<64x8192xi32>
    %slice3A = vector.extract_strided_slice %select_n3A {offsets = [0, 0], sizes = [64, 512], strides = [1, 1]} : vector<64x8192xi32> to vector<64x512xi32>
    %slice3A_67 = vector.extract_strided_slice %select_n3A {offsets = [0, 512], sizes = [64, 512], strides = [1, 1]} : vector<64x8192xi32> to vector<64x512xi32>
    %slice3A_68 = vector.extract_strided_slice %select_n3A {offsets = [0, 1024], sizes = [64, 512], strides = [1, 1]} : vector<64x8192xi32> to vector<64x512xi32>
    %slice3A_69 = vector.extract_strided_slice %select_n3A {offsets = [0, 1536], sizes = [64, 512], strides = [1, 1]} : vector<64x8192xi32> to vector<64x512xi32>
    %slice3A_70 = vector.extract_strided_slice %select_n3A {offsets = [0, 2048], sizes = [64, 512], strides = [1, 1]} : vector<64x8192xi32> to vector<64x512xi32>
    %slice3A_71 = vector.extract_strided_slice %select_n3A {offsets = [0, 2560], sizes = [64, 512], strides = [1, 1]} : vector<64x8192xi32> to vector<64x512xi32>
    %slice3A_72 = vector.extract_strided_slice %select_n3A {offsets = [0, 3072], sizes = [64, 512], strides = [1, 1]} : vector<64x8192xi32> to vector<64x512xi32>
    %slice3A_73 = vector.extract_strided_slice %select_n3A {offsets = [0, 3584], sizes = [64, 512], strides = [1, 1]} : vector<64x8192xi32> to vector<64x512xi32>
    %slice3A_74 = vector.extract_strided_slice %select_n3A {offsets = [0, 4096], sizes = [64, 512], strides = [1, 1]} : vector<64x8192xi32> to vector<64x512xi32>
    %slice3A_75 = vector.extract_strided_slice %select_n3A {offsets = [0, 4608], sizes = [64, 512], strides = [1, 1]} : vector<64x8192xi32> to vector<64x512xi32>
    %slice3A_76 = vector.extract_strided_slice %select_n3A {offsets = [0, 5120], sizes = [64, 512], strides = [1, 1]} : vector<64x8192xi32> to vector<64x512xi32>
    %slice3A_77 = vector.extract_strided_slice %select_n3A {offsets = [0, 5632], sizes = [64, 512], strides = [1, 1]} : vector<64x8192xi32> to vector<64x512xi32>
    %slice3A_78 = vector.extract_strided_slice %select_n3A {offsets = [0, 6144], sizes = [64, 512], strides = [1, 1]} : vector<64x8192xi32> to vector<64x512xi32>
    %slice3A_79 = vector.extract_strided_slice %select_n3A {offsets = [0, 6656], sizes = [64, 512], strides = [1, 1]} : vector<64x8192xi32> to vector<64x512xi32>
    %slice3A_80 = vector.extract_strided_slice %select_n3A {offsets = [0, 7168], sizes = [64, 512], strides = [1, 1]} : vector<64x8192xi32> to vector<64x512xi32>
    %slice3A_81 = vector.extract_strided_slice %select_n3A {offsets = [0, 7680], sizes = [64, 512], strides = [1, 1]} : vector<64x8192xi32> to vector<64x512xi32>
    %min3A = arith.minsi %slice3A, %slice3A_67 : vector<64x512xi32>
    %min3A_82 = arith.minsi %slice3A_68, %slice3A_69 : vector<64x512xi32>
    %min3A_83 = arith.minsi %slice3A_70, %slice3A_71 : vector<64x512xi32>
    %min3A_84 = arith.minsi %slice3A_72, %slice3A_73 : vector<64x512xi32>
    %min3A_85 = arith.minsi %slice3A_74, %slice3A_75 : vector<64x512xi32>
    %min3A_86 = arith.minsi %slice3A_76, %slice3A_77 : vector<64x512xi32>
    %min3A_87 = arith.minsi %slice3A_78, %slice3A_79 : vector<64x512xi32>
    %min3A_88 = arith.minsi %slice3A_80, %slice3A_81 : vector<64x512xi32>
    %min3A_89 = arith.minsi %min3A, %min3A_82 : vector<64x512xi32>
    %min3A_90 = arith.minsi %min3A_83, %min3A_84 : vector<64x512xi32>
    %min3A_91 = arith.minsi %min3A_85, %min3A_86 : vector<64x512xi32>
    %min3A_92 = arith.minsi %min3A_87, %min3A_88 : vector<64x512xi32>
    %min3A_93 = arith.minsi %min3A_89, %min3A_90 : vector<64x512xi32>
    %min3A_94 = arith.minsi %min3A_91, %min3A_92 : vector<64x512xi32>
    %min3A_95 = arith.minsi %min3A_93, %min3A_94 : vector<64x512xi32>
    %reduce_min3A = arith.constant dense<2147483647> : vector<64xi32>
    %reduce_min3A_96 = vector.multi_reduction <minsi>, %min3A_95, %reduce_min3A [1] : vector<64x512xi32> to vector<64xi32>
    %broadcast_in_dim3A_97 = vector.shape_cast %reduce_min3A_96 : vector<64xi32> to vector<64x1xi32>
    %gt3A = vector.broadcast %broadcast_in_dim3A_97 : vector<64x1xi32> to vector<64x8192xi32>
    %gt3A_98 = arith.cmpi sgt, %select_n3A, %gt3A : vector<64x8192xi32>
    %jit3A_99 = arith.constant 8192 : i32
    %broadcast_in_dim3A_100 = vector.broadcast %jit3A_99 : i32 to vector<64x8192xi32>
    %select_n3A_101 = arith.select %gt3A_98, %select_n3A, %broadcast_in_dim3A_100 : vector<64x8192xi1>, vector<64x8192xi32>
    %slice3A_102 = vector.extract_strided_slice %select_n3A_101 {offsets = [0, 0], sizes = [64, 512], strides = [1, 1]} : vector<64x8192xi32> to vector<64x512xi32>
    %slice3A_103 = vector.extract_strided_slice %select_n3A_101 {offsets = [0, 512], sizes = [64, 512], strides = [1, 1]} : vector<64x8192xi32> to vector<64x512xi32>
    %slice3A_104 = vector.extract_strided_slice %select_n3A_101 {offsets = [0, 1024], sizes = [64, 512], strides = [1, 1]} : vector<64x8192xi32> to vector<64x512xi32>
    %slice3A_105 = vector.extract_strided_slice %select_n3A_101 {offsets = [0, 1536], sizes = [64, 512], strides = [1, 1]} : vector<64x8192xi32> to vector<64x512xi32>
    %slice3A_106 = vector.extract_strided_slice %select_n3A_101 {offsets = [0, 2048], sizes = [64, 512], strides = [1, 1]} : vector<64x8192xi32> to vector<64x512xi32>
    %slice3A_107 = vector.extract_strided_slice %select_n3A_101 {offsets = [0, 2560], sizes = [64, 512], strides = [1, 1]} : vector<64x8192xi32> to vector<64x512xi32>
    %slice3A_108 = vector.extract_strided_slice %select_n3A_101 {offsets = [0, 3072], sizes = [64, 512], strides = [1, 1]} : vector<64x8192xi32> to vector<64x512xi32>
    %slice3A_109 = vector.extract_strided_slice %select_n3A_101 {offsets = [0, 3584], sizes = [64, 512], strides = [1, 1]} : vector<64x8192xi32> to vector<64x512xi32>
    %slice3A_110 = vector.extract_strided_slice %select_n3A_101 {offsets = [0, 4096], sizes = [64, 512], strides = [1, 1]} : vector<64x8192xi32> to vector<64x512xi32>
    %slice3A_111 = vector.extract_strided_slice %select_n3A_101 {offsets = [0, 4608], sizes = [64, 512], strides = [1, 1]} : vector<64x8192xi32> to vector<64x512xi32>
    %slice3A_112 = vector.extract_strided_slice %select_n3A_101 {offsets = [0, 5120], sizes = [64, 512], strides = [1, 1]} : vector<64x8192xi32> to vector<64x512xi32>
    %slice3A_113 = vector.extract_strided_slice %select_n3A_101 {offsets = [0, 5632], sizes = [64, 512], strides = [1, 1]} : vector<64x8192xi32> to vector<64x512xi32>
    %slice3A_114 = vector.extract_strided_slice %select_n3A_101 {offsets = [0, 6144], sizes = [64, 512], strides = [1, 1]} : vector<64x8192xi32> to vector<64x512xi32>
    %slice3A_115 = vector.extract_strided_slice %select_n3A_101 {offsets = [0, 6656], sizes = [64, 512], strides = [1, 1]} : vector<64x8192xi32> to vector<64x512xi32>
    %slice3A_116 = vector.extract_strided_slice %select_n3A_101 {offsets = [0, 7168], sizes = [64, 512], strides = [1, 1]} : vector<64x8192xi32> to vector<64x512xi32>
    %slice3A_117 = vector.extract_strided_slice %select_n3A_101 {offsets = [0, 7680], sizes = [64, 512], strides = [1, 1]} : vector<64x8192xi32> to vector<64x512xi32>
    %min3A_118 = arith.minsi %slice3A_102, %slice3A_103 : vector<64x512xi32>
    %min3A_119 = arith.minsi %slice3A_104, %slice3A_105 : vector<64x512xi32>
    %min3A_120 = arith.minsi %slice3A_106, %slice3A_107 : vector<64x512xi32>
    %min3A_121 = arith.minsi %slice3A_108, %slice3A_109 : vector<64x512xi32>
    %min3A_122 = arith.minsi %slice3A_110, %slice3A_111 : vector<64x512xi32>
    %min3A_123 = arith.minsi %slice3A_112, %slice3A_113 : vector<64x512xi32>
    %min3A_124 = arith.minsi %slice3A_114, %slice3A_115 : vector<64x512xi32>
    %min3A_125 = arith.minsi %slice3A_116, %slice3A_117 : vector<64x512xi32>
    %min3A_126 = arith.minsi %min3A_118, %min3A_119 : vector<64x512xi32>
    %min3A_127 = arith.minsi %min3A_120, %min3A_121 : vector<64x512xi32>
    %min3A_128 = arith.minsi %min3A_122, %min3A_123 : vector<64x512xi32>
    %min3A_129 = arith.minsi %min3A_124, %min3A_125 : vector<64x512xi32>
    %min3A_130 = arith.minsi %min3A_126, %min3A_127 : vector<64x512xi32>
    %min3A_131 = arith.minsi %min3A_128, %min3A_129 : vector<64x512xi32>
    %min3A_132 = arith.minsi %min3A_130, %min3A_131 : vector<64x512xi32>
    %reduce_min3A_133 = arith.constant dense<2147483647> : vector<64xi32>
    %reduce_min3A_134 = vector.multi_reduction <minsi>, %min3A_132, %reduce_min3A_133 [1] : vector<64x512xi32> to vector<64xi32>
    %broadcast_in_dim3A_135 = vector.shape_cast %reduce_min3A_134 : vector<64xi32> to vector<64x1xi32>
    %gt3A_136 = vector.broadcast %broadcast_in_dim3A_135 : vector<64x1xi32> to vector<64x8192xi32>
    %gt3A_137 = arith.cmpi sgt, %select_n3A, %gt3A_136 : vector<64x8192xi32>
    %jit3A_138 = arith.constant 8192 : i32
    %broadcast_in_dim3A_139 = vector.broadcast %jit3A_138 : i32 to vector<64x8192xi32>
    %select_n3A_140 = arith.select %gt3A_137, %select_n3A, %broadcast_in_dim3A_139 : vector<64x8192xi1>, vector<64x8192xi32>
    %slice3A_141 = vector.extract_strided_slice %select_n3A_140 {offsets = [0, 0], sizes = [64, 512], strides = [1, 1]} : vector<64x8192xi32> to vector<64x512xi32>
    %slice3A_142 = vector.extract_strided_slice %select_n3A_140 {offsets = [0, 512], sizes = [64, 512], strides = [1, 1]} : vector<64x8192xi32> to vector<64x512xi32>
    %slice3A_143 = vector.extract_strided_slice %select_n3A_140 {offsets = [0, 1024], sizes = [64, 512], strides = [1, 1]} : vector<64x8192xi32> to vector<64x512xi32>
    %slice3A_144 = vector.extract_strided_slice %select_n3A_140 {offsets = [0, 1536], sizes = [64, 512], strides = [1, 1]} : vector<64x8192xi32> to vector<64x512xi32>
    %slice3A_145 = vector.extract_strided_slice %select_n3A_140 {offsets = [0, 2048], sizes = [64, 512], strides = [1, 1]} : vector<64x8192xi32> to vector<64x512xi32>
    %slice3A_146 = vector.extract_strided_slice %select_n3A_140 {offsets = [0, 2560], sizes = [64, 512], strides = [1, 1]} : vector<64x8192xi32> to vector<64x512xi32>
    %slice3A_147 = vector.extract_strided_slice %select_n3A_140 {offsets = [0, 3072], sizes = [64, 512], strides = [1, 1]} : vector<64x8192xi32> to vector<64x512xi32>
    %slice3A_148 = vector.extract_strided_slice %select_n3A_140 {offsets = [0, 3584], sizes = [64, 512], strides = [1, 1]} : vector<64x8192xi32> to vector<64x512xi32>
    %slice3A_149 = vector.extract_strided_slice %select_n3A_140 {offsets = [0, 4096], sizes = [64, 512], strides = [1, 1]} : vector<64x8192xi32> to vector<64x512xi32>
    %slice3A_150 = vector.extract_strided_slice %select_n3A_140 {offsets = [0, 4608], sizes = [64, 512], strides = [1, 1]} : vector<64x8192xi32> to vector<64x512xi32>
    %slice3A_151 = vector.extract_strided_slice %select_n3A_140 {offsets = [0, 5120], sizes = [64, 512], strides = [1, 1]} : vector<64x8192xi32> to vector<64x512xi32>
    %slice3A_152 = vector.extract_strided_slice %select_n3A_140 {offsets = [0, 5632], sizes = [64, 512], strides = [1, 1]} : vector<64x8192xi32> to vector<64x512xi32>
    %slice3A_153 = vector.extract_strided_slice %select_n3A_140 {offsets = [0, 6144], sizes = [64, 512], strides = [1, 1]} : vector<64x8192xi32> to vector<64x512xi32>
    %slice3A_154 = vector.extract_strided_slice %select_n3A_140 {offsets = [0, 6656], sizes = [64, 512], strides = [1, 1]} : vector<64x8192xi32> to vector<64x512xi32>
    %slice3A_155 = vector.extract_strided_slice %select_n3A_140 {offsets = [0, 7168], sizes = [64, 512], strides = [1, 1]} : vector<64x8192xi32> to vector<64x512xi32>
    %slice3A_156 = vector.extract_strided_slice %select_n3A_140 {offsets = [0, 7680], sizes = [64, 512], strides = [1, 1]} : vector<64x8192xi32> to vector<64x512xi32>
    %min3A_157 = arith.minsi %slice3A_141, %slice3A_142 : vector<64x512xi32>
    %min3A_158 = arith.minsi %slice3A_143, %slice3A_144 : vector<64x512xi32>
    %min3A_159 = arith.minsi %slice3A_145, %slice3A_146 : vector<64x512xi32>
    %min3A_160 = arith.minsi %slice3A_147, %slice3A_148 : vector<64x512xi32>
    %min3A_161 = arith.minsi %slice3A_149, %slice3A_150 : vector<64x512xi32>
    %min3A_162 = arith.minsi %slice3A_151, %slice3A_152 : vector<64x512xi32>
    %min3A_163 = arith.minsi %slice3A_153, %slice3A_154 : vector<64x512xi32>
    %min3A_164 = arith.minsi %slice3A_155, %slice3A_156 : vector<64x512xi32>
    %min3A_165 = arith.minsi %min3A_157, %min3A_158 : vector<64x512xi32>
    %min3A_166 = arith.minsi %min3A_159, %min3A_160 : vector<64x512xi32>
    %min3A_167 = arith.minsi %min3A_161, %min3A_162 : vector<64x512xi32>
    %min3A_168 = arith.minsi %min3A_163, %min3A_164 : vector<64x512xi32>
    %min3A_169 = arith.minsi %min3A_165, %min3A_166 : vector<64x512xi32>
    %min3A_170 = arith.minsi %min3A_167, %min3A_168 : vector<64x512xi32>
    %min3A_171 = arith.minsi %min3A_169, %min3A_170 : vector<64x512xi32>
    %reduce_min3A_172 = arith.constant dense<2147483647> : vector<64xi32>
    %reduce_min3A_173 = vector.multi_reduction <minsi>, %min3A_171, %reduce_min3A_172 [1] : vector<64x512xi32> to vector<64xi32>
    %broadcast_in_dim3A_174 = vector.shape_cast %reduce_min3A_173 : vector<64xi32> to vector<64x1xi32>
    %gt3A_175 = vector.broadcast %broadcast_in_dim3A_174 : vector<64x1xi32> to vector<64x8192xi32>
    %gt3A_176 = arith.cmpi sgt, %select_n3A, %gt3A_175 : vector<64x8192xi32>
    %jit3A_177 = arith.constant 8192 : i32
    %broadcast_in_dim3A_178 = vector.broadcast %jit3A_177 : i32 to vector<64x8192xi32>
    %select_n3A_179 = arith.select %gt3A_176, %select_n3A, %broadcast_in_dim3A_178 : vector<64x8192xi1>, vector<64x8192xi32>
    %slice3A_180 = vector.extract_strided_slice %select_n3A_179 {offsets = [0, 0], sizes = [64, 512], strides = [1, 1]} : vector<64x8192xi32> to vector<64x512xi32>
    %slice3A_181 = vector.extract_strided_slice %select_n3A_179 {offsets = [0, 512], sizes = [64, 512], strides = [1, 1]} : vector<64x8192xi32> to vector<64x512xi32>
    %slice3A_182 = vector.extract_strided_slice %select_n3A_179 {offsets = [0, 1024], sizes = [64, 512], strides = [1, 1]} : vector<64x8192xi32> to vector<64x512xi32>
    %slice3A_183 = vector.extract_strided_slice %select_n3A_179 {offsets = [0, 1536], sizes = [64, 512], strides = [1, 1]} : vector<64x8192xi32> to vector<64x512xi32>
    %slice3A_184 = vector.extract_strided_slice %select_n3A_179 {offsets = [0, 2048], sizes = [64, 512], strides = [1, 1]} : vector<64x8192xi32> to vector<64x512xi32>
    %slice3A_185 = vector.extract_strided_slice %select_n3A_179 {offsets = [0, 2560], sizes = [64, 512], strides = [1, 1]} : vector<64x8192xi32> to vector<64x512xi32>
    %slice3A_186 = vector.extract_strided_slice %select_n3A_179 {offsets = [0, 3072], sizes = [64, 512], strides = [1, 1]} : vector<64x8192xi32> to vector<64x512xi32>
    %slice3A_187 = vector.extract_strided_slice %select_n3A_179 {offsets = [0, 3584], sizes = [64, 512], strides = [1, 1]} : vector<64x8192xi32> to vector<64x512xi32>
    %slice3A_188 = vector.extract_strided_slice %select_n3A_179 {offsets = [0, 4096], sizes = [64, 512], strides = [1, 1]} : vector<64x8192xi32> to vector<64x512xi32>
    %slice3A_189 = vector.extract_strided_slice %select_n3A_179 {offsets = [0, 4608], sizes = [64, 512], strides = [1, 1]} : vector<64x8192xi32> to vector<64x512xi32>
    %slice3A_190 = vector.extract_strided_slice %select_n3A_179 {offsets = [0, 5120], sizes = [64, 512], strides = [1, 1]} : vector<64x8192xi32> to vector<64x512xi32>
    %slice3A_191 = vector.extract_strided_slice %select_n3A_179 {offsets = [0, 5632], sizes = [64, 512], strides = [1, 1]} : vector<64x8192xi32> to vector<64x512xi32>
    %slice3A_192 = vector.extract_strided_slice %select_n3A_179 {offsets = [0, 6144], sizes = [64, 512], strides = [1, 1]} : vector<64x8192xi32> to vector<64x512xi32>
    %slice3A_193 = vector.extract_strided_slice %select_n3A_179 {offsets = [0, 6656], sizes = [64, 512], strides = [1, 1]} : vector<64x8192xi32> to vector<64x512xi32>
    %slice3A_194 = vector.extract_strided_slice %select_n3A_179 {offsets = [0, 7168], sizes = [64, 512], strides = [1, 1]} : vector<64x8192xi32> to vector<64x512xi32>
    %slice3A_195 = vector.extract_strided_slice %select_n3A_179 {offsets = [0, 7680], sizes = [64, 512], strides = [1, 1]} : vector<64x8192xi32> to vector<64x512xi32>
    %min3A_196 = arith.minsi %slice3A_180, %slice3A_181 : vector<64x512xi32>
    %min3A_197 = arith.minsi %slice3A_182, %slice3A_183 : vector<64x512xi32>
    %min3A_198 = arith.minsi %slice3A_184, %slice3A_185 : vector<64x512xi32>
    %min3A_199 = arith.minsi %slice3A_186, %slice3A_187 : vector<64x512xi32>
    %min3A_200 = arith.minsi %slice3A_188, %slice3A_189 : vector<64x512xi32>
    %min3A_201 = arith.minsi %slice3A_190, %slice3A_191 : vector<64x512xi32>
    %min3A_202 = arith.minsi %slice3A_192, %slice3A_193 : vector<64x512xi32>
    %min3A_203 = arith.minsi %slice3A_194, %slice3A_195 : vector<64x512xi32>
    %min3A_204 = arith.minsi %min3A_196, %min3A_197 : vector<64x512xi32>
    %min3A_205 = arith.minsi %min3A_198, %min3A_199 : vector<64x512xi32>
    %min3A_206 = arith.minsi %min3A_200, %min3A_201 : vector<64x512xi32>
    %min3A_207 = arith.minsi %min3A_202, %min3A_203 : vector<64x512xi32>
    %min3A_208 = arith.minsi %min3A_204, %min3A_205 : vector<64x512xi32>
    %min3A_209 = arith.minsi %min3A_206, %min3A_207 : vector<64x512xi32>
    %min3A_210 = arith.minsi %min3A_208, %min3A_209 : vector<64x512xi32>
    %reduce_min3A_211 = arith.constant dense<2147483647> : vector<64xi32>
    %reduce_min3A_212 = vector.multi_reduction <minsi>, %min3A_210, %reduce_min3A_211 [1] : vector<64x512xi32> to vector<64xi32>
    %broadcast_in_dim3A_213 = vector.shape_cast %reduce_min3A_212 : vector<64xi32> to vector<64x1xi32>
    %gt3A_214 = vector.broadcast %broadcast_in_dim3A_213 : vector<64x1xi32> to vector<64x8192xi32>
    %gt3A_215 = arith.cmpi sgt, %select_n3A, %gt3A_214 : vector<64x8192xi32>
    %jit3A_216 = arith.constant 8192 : i32
    %broadcast_in_dim3A_217 = vector.broadcast %jit3A_216 : i32 to vector<64x8192xi32>
    %select_n3A_218 = arith.select %gt3A_215, %select_n3A, %broadcast_in_dim3A_217 : vector<64x8192xi1>, vector<64x8192xi32>
    %slice3A_219 = vector.extract_strided_slice %select_n3A_218 {offsets = [0, 0], sizes = [64, 512], strides = [1, 1]} : vector<64x8192xi32> to vector<64x512xi32>
    %slice3A_220 = vector.extract_strided_slice %select_n3A_218 {offsets = [0, 512], sizes = [64, 512], strides = [1, 1]} : vector<64x8192xi32> to vector<64x512xi32>
    %slice3A_221 = vector.extract_strided_slice %select_n3A_218 {offsets = [0, 1024], sizes = [64, 512], strides = [1, 1]} : vector<64x8192xi32> to vector<64x512xi32>
    %slice3A_222 = vector.extract_strided_slice %select_n3A_218 {offsets = [0, 1536], sizes = [64, 512], strides = [1, 1]} : vector<64x8192xi32> to vector<64x512xi32>
    %slice3A_223 = vector.extract_strided_slice %select_n3A_218 {offsets = [0, 2048], sizes = [64, 512], strides = [1, 1]} : vector<64x8192xi32> to vector<64x512xi32>
    %slice3A_224 = vector.extract_strided_slice %select_n3A_218 {offsets = [0, 2560], sizes = [64, 512], strides = [1, 1]} : vector<64x8192xi32> to vector<64x512xi32>
    %slice3A_225 = vector.extract_strided_slice %select_n3A_218 {offsets = [0, 3072], sizes = [64, 512], strides = [1, 1]} : vector<64x8192xi32> to vector<64x512xi32>
    %slice3A_226 = vector.extract_strided_slice %select_n3A_218 {offsets = [0, 3584], sizes = [64, 512], strides = [1, 1]} : vector<64x8192xi32> to vector<64x512xi32>
    %slice3A_227 = vector.extract_strided_slice %select_n3A_218 {offsets = [0, 4096], sizes = [64, 512], strides = [1, 1]} : vector<64x8192xi32> to vector<64x512xi32>
    %slice3A_228 = vector.extract_strided_slice %select_n3A_218 {offsets = [0, 4608], sizes = [64, 512], strides = [1, 1]} : vector<64x8192xi32> to vector<64x512xi32>
    %slice3A_229 = vector.extract_strided_slice %select_n3A_218 {offsets = [0, 5120], sizes = [64, 512], strides = [1, 1]} : vector<64x8192xi32> to vector<64x512xi32>
    %slice3A_230 = vector.extract_strided_slice %select_n3A_218 {offsets = [0, 5632], sizes = [64, 512], strides = [1, 1]} : vector<64x8192xi32> to vector<64x512xi32>
    %slice3A_231 = vector.extract_strided_slice %select_n3A_218 {offsets = [0, 6144], sizes = [64, 512], strides = [1, 1]} : vector<64x8192xi32> to vector<64x512xi32>
    %slice3A_232 = vector.extract_strided_slice %select_n3A_218 {offsets = [0, 6656], sizes = [64, 512], strides = [1, 1]} : vector<64x8192xi32> to vector<64x512xi32>
    %slice3A_233 = vector.extract_strided_slice %select_n3A_218 {offsets = [0, 7168], sizes = [64, 512], strides = [1, 1]} : vector<64x8192xi32> to vector<64x512xi32>
    %slice3A_234 = vector.extract_strided_slice %select_n3A_218 {offsets = [0, 7680], sizes = [64, 512], strides = [1, 1]} : vector<64x8192xi32> to vector<64x512xi32>
    %min3A_235 = arith.minsi %slice3A_219, %slice3A_220 : vector<64x512xi32>
    %min3A_236 = arith.minsi %slice3A_221, %slice3A_222 : vector<64x512xi32>
    %min3A_237 = arith.minsi %slice3A_223, %slice3A_224 : vector<64x512xi32>
    %min3A_238 = arith.minsi %slice3A_225, %slice3A_226 : vector<64x512xi32>
    %min3A_239 = arith.minsi %slice3A_227, %slice3A_228 : vector<64x512xi32>
    %min3A_240 = arith.minsi %slice3A_229, %slice3A_230 : vector<64x512xi32>
    %min3A_241 = arith.minsi %slice3A_231, %slice3A_232 : vector<64x512xi32>
    %min3A_242 = arith.minsi %slice3A_233, %slice3A_234 : vector<64x512xi32>
    %min3A_243 = arith.minsi %min3A_235, %min3A_236 : vector<64x512xi32>
    %min3A_244 = arith.minsi %min3A_237, %min3A_238 : vector<64x512xi32>
    %min3A_245 = arith.minsi %min3A_239, %min3A_240 : vector<64x512xi32>
    %min3A_246 = arith.minsi %min3A_241, %min3A_242 : vector<64x512xi32>
    %min3A_247 = arith.minsi %min3A_243, %min3A_244 : vector<64x512xi32>
    %min3A_248 = arith.minsi %min3A_245, %min3A_246 : vector<64x512xi32>
    %min3A_249 = arith.minsi %min3A_247, %min3A_248 : vector<64x512xi32>
    %reduce_min3A_250 = arith.constant dense<2147483647> : vector<64xi32>
    %reduce_min3A_251 = vector.multi_reduction <minsi>, %min3A_249, %reduce_min3A_250 [1] : vector<64x512xi32> to vector<64xi32>
    %broadcast_in_dim3A_252 = vector.shape_cast %reduce_min3A_251 : vector<64xi32> to vector<64x1xi32>
    %gt3A_253 = vector.broadcast %broadcast_in_dim3A_252 : vector<64x1xi32> to vector<64x8192xi32>
    %gt3A_254 = arith.cmpi sgt, %select_n3A, %gt3A_253 : vector<64x8192xi32>
    %jit3A_255 = arith.constant 8192 : i32
    %broadcast_in_dim3A_256 = vector.broadcast %jit3A_255 : i32 to vector<64x8192xi32>
    %select_n3A_257 = arith.select %gt3A_254, %select_n3A, %broadcast_in_dim3A_256 : vector<64x8192xi1>, vector<64x8192xi32>
    %slice3A_258 = vector.extract_strided_slice %select_n3A_257 {offsets = [0, 0], sizes = [64, 512], strides = [1, 1]} : vector<64x8192xi32> to vector<64x512xi32>
    %slice3A_259 = vector.extract_strided_slice %select_n3A_257 {offsets = [0, 512], sizes = [64, 512], strides = [1, 1]} : vector<64x8192xi32> to vector<64x512xi32>
    %slice3A_260 = vector.extract_strided_slice %select_n3A_257 {offsets = [0, 1024], sizes = [64, 512], strides = [1, 1]} : vector<64x8192xi32> to vector<64x512xi32>
    %slice3A_261 = vector.extract_strided_slice %select_n3A_257 {offsets = [0, 1536], sizes = [64, 512], strides = [1, 1]} : vector<64x8192xi32> to vector<64x512xi32>
    %slice3A_262 = vector.extract_strided_slice %select_n3A_257 {offsets = [0, 2048], sizes = [64, 512], strides = [1, 1]} : vector<64x8192xi32> to vector<64x512xi32>
    %slice3A_263 = vector.extract_strided_slice %select_n3A_257 {offsets = [0, 2560], sizes = [64, 512], strides = [1, 1]} : vector<64x8192xi32> to vector<64x512xi32>
    %slice3A_264 = vector.extract_strided_slice %select_n3A_257 {offsets = [0, 3072], sizes = [64, 512], strides = [1, 1]} : vector<64x8192xi32> to vector<64x512xi32>
    %slice3A_265 = vector.extract_strided_slice %select_n3A_257 {offsets = [0, 3584], sizes = [64, 512], strides = [1, 1]} : vector<64x8192xi32> to vector<64x512xi32>
    %slice3A_266 = vector.extract_strided_slice %select_n3A_257 {offsets = [0, 4096], sizes = [64, 512], strides = [1, 1]} : vector<64x8192xi32> to vector<64x512xi32>
    %slice3A_267 = vector.extract_strided_slice %select_n3A_257 {offsets = [0, 4608], sizes = [64, 512], strides = [1, 1]} : vector<64x8192xi32> to vector<64x512xi32>
    %slice3A_268 = vector.extract_strided_slice %select_n3A_257 {offsets = [0, 5120], sizes = [64, 512], strides = [1, 1]} : vector<64x8192xi32> to vector<64x512xi32>
    %slice3A_269 = vector.extract_strided_slice %select_n3A_257 {offsets = [0, 5632], sizes = [64, 512], strides = [1, 1]} : vector<64x8192xi32> to vector<64x512xi32>
    %slice3A_270 = vector.extract_strided_slice %select_n3A_257 {offsets = [0, 6144], sizes = [64, 512], strides = [1, 1]} : vector<64x8192xi32> to vector<64x512xi32>
    %slice3A_271 = vector.extract_strided_slice %select_n3A_257 {offsets = [0, 6656], sizes = [64, 512], strides = [1, 1]} : vector<64x8192xi32> to vector<64x512xi32>
    %slice3A_272 = vector.extract_strided_slice %select_n3A_257 {offsets = [0, 7168], sizes = [64, 512], strides = [1, 1]} : vector<64x8192xi32> to vector<64x512xi32>
    %slice3A_273 = vector.extract_strided_slice %select_n3A_257 {offsets = [0, 7680], sizes = [64, 512], strides = [1, 1]} : vector<64x8192xi32> to vector<64x512xi32>
    %min3A_274 = arith.minsi %slice3A_258, %slice3A_259 : vector<64x512xi32>
    %min3A_275 = arith.minsi %slice3A_260, %slice3A_261 : vector<64x512xi32>
    %min3A_276 = arith.minsi %slice3A_262, %slice3A_263 : vector<64x512xi32>
    %min3A_277 = arith.minsi %slice3A_264, %slice3A_265 : vector<64x512xi32>
    %min3A_278 = arith.minsi %slice3A_266, %slice3A_267 : vector<64x512xi32>
    %min3A_279 = arith.minsi %slice3A_268, %slice3A_269 : vector<64x512xi32>
    %min3A_280 = arith.minsi %slice3A_270, %slice3A_271 : vector<64x512xi32>
    %min3A_281 = arith.minsi %slice3A_272, %slice3A_273 : vector<64x512xi32>
    %min3A_282 = arith.minsi %min3A_274, %min3A_275 : vector<64x512xi32>
    %min3A_283 = arith.minsi %min3A_276, %min3A_277 : vector<64x512xi32>
    %min3A_284 = arith.minsi %min3A_278, %min3A_279 : vector<64x512xi32>
    %min3A_285 = arith.minsi %min3A_280, %min3A_281 : vector<64x512xi32>
    %min3A_286 = arith.minsi %min3A_282, %min3A_283 : vector<64x512xi32>
    %min3A_287 = arith.minsi %min3A_284, %min3A_285 : vector<64x512xi32>
    %min3A_288 = arith.minsi %min3A_286, %min3A_287 : vector<64x512xi32>
    %reduce_min3A_289 = arith.constant dense<2147483647> : vector<64xi32>
    %reduce_min3A_290 = vector.multi_reduction <minsi>, %min3A_288, %reduce_min3A_289 [1] : vector<64x512xi32> to vector<64xi32>
    %broadcast_in_dim3A_291 = vector.shape_cast %reduce_min3A_290 : vector<64xi32> to vector<64x1xi32>
    %gt3A_292 = vector.broadcast %broadcast_in_dim3A_291 : vector<64x1xi32> to vector<64x8192xi32>
    %gt3A_293 = arith.cmpi sgt, %select_n3A, %gt3A_292 : vector<64x8192xi32>
    %jit3A_294 = arith.constant 8192 : i32
    %broadcast_in_dim3A_295 = vector.broadcast %jit3A_294 : i32 to vector<64x8192xi32>
    %select_n3A_296 = arith.select %gt3A_293, %select_n3A, %broadcast_in_dim3A_295 : vector<64x8192xi1>, vector<64x8192xi32>
    %slice3A_297 = vector.extract_strided_slice %select_n3A_296 {offsets = [0, 0], sizes = [64, 512], strides = [1, 1]} : vector<64x8192xi32> to vector<64x512xi32>
    %slice3A_298 = vector.extract_strided_slice %select_n3A_296 {offsets = [0, 512], sizes = [64, 512], strides = [1, 1]} : vector<64x8192xi32> to vector<64x512xi32>
    %slice3A_299 = vector.extract_strided_slice %select_n3A_296 {offsets = [0, 1024], sizes = [64, 512], strides = [1, 1]} : vector<64x8192xi32> to vector<64x512xi32>
    %slice3A_300 = vector.extract_strided_slice %select_n3A_296 {offsets = [0, 1536], sizes = [64, 512], strides = [1, 1]} : vector<64x8192xi32> to vector<64x512xi32>
    %slice3A_301 = vector.extract_strided_slice %select_n3A_296 {offsets = [0, 2048], sizes = [64, 512], strides = [1, 1]} : vector<64x8192xi32> to vector<64x512xi32>
    %slice3A_302 = vector.extract_strided_slice %select_n3A_296 {offsets = [0, 2560], sizes = [64, 512], strides = [1, 1]} : vector<64x8192xi32> to vector<64x512xi32>
    %slice3A_303 = vector.extract_strided_slice %select_n3A_296 {offsets = [0, 3072], sizes = [64, 512], strides = [1, 1]} : vector<64x8192xi32> to vector<64x512xi32>
    %slice3A_304 = vector.extract_strided_slice %select_n3A_296 {offsets = [0, 3584], sizes = [64, 512], strides = [1, 1]} : vector<64x8192xi32> to vector<64x512xi32>
    %slice3A_305 = vector.extract_strided_slice %select_n3A_296 {offsets = [0, 4096], sizes = [64, 512], strides = [1, 1]} : vector<64x8192xi32> to vector<64x512xi32>
    %slice3A_306 = vector.extract_strided_slice %select_n3A_296 {offsets = [0, 4608], sizes = [64, 512], strides = [1, 1]} : vector<64x8192xi32> to vector<64x512xi32>
    %slice3A_307 = vector.extract_strided_slice %select_n3A_296 {offsets = [0, 5120], sizes = [64, 512], strides = [1, 1]} : vector<64x8192xi32> to vector<64x512xi32>
    %slice3A_308 = vector.extract_strided_slice %select_n3A_296 {offsets = [0, 5632], sizes = [64, 512], strides = [1, 1]} : vector<64x8192xi32> to vector<64x512xi32>
    %slice3A_309 = vector.extract_strided_slice %select_n3A_296 {offsets = [0, 6144], sizes = [64, 512], strides = [1, 1]} : vector<64x8192xi32> to vector<64x512xi32>
    %slice3A_310 = vector.extract_strided_slice %select_n3A_296 {offsets = [0, 6656], sizes = [64, 512], strides = [1, 1]} : vector<64x8192xi32> to vector<64x512xi32>
    %slice3A_311 = vector.extract_strided_slice %select_n3A_296 {offsets = [0, 7168], sizes = [64, 512], strides = [1, 1]} : vector<64x8192xi32> to vector<64x512xi32>
    %slice3A_312 = vector.extract_strided_slice %select_n3A_296 {offsets = [0, 7680], sizes = [64, 512], strides = [1, 1]} : vector<64x8192xi32> to vector<64x512xi32>
    %min3A_313 = arith.minsi %slice3A_297, %slice3A_298 : vector<64x512xi32>
    %min3A_314 = arith.minsi %slice3A_299, %slice3A_300 : vector<64x512xi32>
    %min3A_315 = arith.minsi %slice3A_301, %slice3A_302 : vector<64x512xi32>
    %min3A_316 = arith.minsi %slice3A_303, %slice3A_304 : vector<64x512xi32>
    %min3A_317 = arith.minsi %slice3A_305, %slice3A_306 : vector<64x512xi32>
    %min3A_318 = arith.minsi %slice3A_307, %slice3A_308 : vector<64x512xi32>
    %min3A_319 = arith.minsi %slice3A_309, %slice3A_310 : vector<64x512xi32>
    %min3A_320 = arith.minsi %slice3A_311, %slice3A_312 : vector<64x512xi32>
    %min3A_321 = arith.minsi %min3A_313, %min3A_314 : vector<64x512xi32>
    %min3A_322 = arith.minsi %min3A_315, %min3A_316 : vector<64x512xi32>
    %min3A_323 = arith.minsi %min3A_317, %min3A_318 : vector<64x512xi32>
    %min3A_324 = arith.minsi %min3A_319, %min3A_320 : vector<64x512xi32>
    %min3A_325 = arith.minsi %min3A_321, %min3A_322 : vector<64x512xi32>
    %min3A_326 = arith.minsi %min3A_323, %min3A_324 : vector<64x512xi32>
    %min3A_327 = arith.minsi %min3A_325, %min3A_326 : vector<64x512xi32>
    %reduce_min3A_328 = arith.constant dense<2147483647> : vector<64xi32>
    %reduce_min3A_329 = vector.multi_reduction <minsi>, %min3A_327, %reduce_min3A_328 [1] : vector<64x512xi32> to vector<64xi32>
    %broadcast_in_dim3A_330 = vector.shape_cast %reduce_min3A_329 : vector<64xi32> to vector<64x1xi32>
    %gt3A_331 = vector.broadcast %broadcast_in_dim3A_330 : vector<64x1xi32> to vector<64x8192xi32>
    %gt3A_332 = arith.cmpi sgt, %select_n3A, %gt3A_331 : vector<64x8192xi32>
    %jit3A_333 = arith.constant 8192 : i32
    %broadcast_in_dim3A_334 = vector.broadcast %jit3A_333 : i32 to vector<64x8192xi32>
    %select_n3A_335 = arith.select %gt3A_332, %select_n3A, %broadcast_in_dim3A_334 : vector<64x8192xi1>, vector<64x8192xi32>
    %slice3A_336 = vector.extract_strided_slice %select_n3A_335 {offsets = [0, 0], sizes = [64, 512], strides = [1, 1]} : vector<64x8192xi32> to vector<64x512xi32>
    %slice3A_337 = vector.extract_strided_slice %select_n3A_335 {offsets = [0, 512], sizes = [64, 512], strides = [1, 1]} : vector<64x8192xi32> to vector<64x512xi32>
    %slice3A_338 = vector.extract_strided_slice %select_n3A_335 {offsets = [0, 1024], sizes = [64, 512], strides = [1, 1]} : vector<64x8192xi32> to vector<64x512xi32>
    %slice3A_339 = vector.extract_strided_slice %select_n3A_335 {offsets = [0, 1536], sizes = [64, 512], strides = [1, 1]} : vector<64x8192xi32> to vector<64x512xi32>
    %slice3A_340 = vector.extract_strided_slice %select_n3A_335 {offsets = [0, 2048], sizes = [64, 512], strides = [1, 1]} : vector<64x8192xi32> to vector<64x512xi32>
    %slice3A_341 = vector.extract_strided_slice %select_n3A_335 {offsets = [0, 2560], sizes = [64, 512], strides = [1, 1]} : vector<64x8192xi32> to vector<64x512xi32>
    %slice3A_342 = vector.extract_strided_slice %select_n3A_335 {offsets = [0, 3072], sizes = [64, 512], strides = [1, 1]} : vector<64x8192xi32> to vector<64x512xi32>
    %slice3A_343 = vector.extract_strided_slice %select_n3A_335 {offsets = [0, 3584], sizes = [64, 512], strides = [1, 1]} : vector<64x8192xi32> to vector<64x512xi32>
    %slice3A_344 = vector.extract_strided_slice %select_n3A_335 {offsets = [0, 4096], sizes = [64, 512], strides = [1, 1]} : vector<64x8192xi32> to vector<64x512xi32>
    %slice3A_345 = vector.extract_strided_slice %select_n3A_335 {offsets = [0, 4608], sizes = [64, 512], strides = [1, 1]} : vector<64x8192xi32> to vector<64x512xi32>
    %slice3A_346 = vector.extract_strided_slice %select_n3A_335 {offsets = [0, 5120], sizes = [64, 512], strides = [1, 1]} : vector<64x8192xi32> to vector<64x512xi32>
    %slice3A_347 = vector.extract_strided_slice %select_n3A_335 {offsets = [0, 5632], sizes = [64, 512], strides = [1, 1]} : vector<64x8192xi32> to vector<64x512xi32>
    %slice3A_348 = vector.extract_strided_slice %select_n3A_335 {offsets = [0, 6144], sizes = [64, 512], strides = [1, 1]} : vector<64x8192xi32> to vector<64x512xi32>
    %slice3A_349 = vector.extract_strided_slice %select_n3A_335 {offsets = [0, 6656], sizes = [64, 512], strides = [1, 1]} : vector<64x8192xi32> to vector<64x512xi32>
    %slice3A_350 = vector.extract_strided_slice %select_n3A_335 {offsets = [0, 7168], sizes = [64, 512], strides = [1, 1]} : vector<64x8192xi32> to vector<64x512xi32>
    %slice3A_351 = vector.extract_strided_slice %select_n3A_335 {offsets = [0, 7680], sizes = [64, 512], strides = [1, 1]} : vector<64x8192xi32> to vector<64x512xi32>
    %min3A_352 = arith.minsi %slice3A_336, %slice3A_337 : vector<64x512xi32>
    %min3A_353 = arith.minsi %slice3A_338, %slice3A_339 : vector<64x512xi32>
    %min3A_354 = arith.minsi %slice3A_340, %slice3A_341 : vector<64x512xi32>
    %min3A_355 = arith.minsi %slice3A_342, %slice3A_343 : vector<64x512xi32>
    %min3A_356 = arith.minsi %slice3A_344, %slice3A_345 : vector<64x512xi32>
    %min3A_357 = arith.minsi %slice3A_346, %slice3A_347 : vector<64x512xi32>
    %min3A_358 = arith.minsi %slice3A_348, %slice3A_349 : vector<64x512xi32>
    %min3A_359 = arith.minsi %slice3A_350, %slice3A_351 : vector<64x512xi32>
    %min3A_360 = arith.minsi %min3A_352, %min3A_353 : vector<64x512xi32>
    %min3A_361 = arith.minsi %min3A_354, %min3A_355 : vector<64x512xi32>
    %min3A_362 = arith.minsi %min3A_356, %min3A_357 : vector<64x512xi32>
    %min3A_363 = arith.minsi %min3A_358, %min3A_359 : vector<64x512xi32>
    %min3A_364 = arith.minsi %min3A_360, %min3A_361 : vector<64x512xi32>
    %min3A_365 = arith.minsi %min3A_362, %min3A_363 : vector<64x512xi32>
    %min3A_366 = arith.minsi %min3A_364, %min3A_365 : vector<64x512xi32>
    %reduce_min3A_367 = arith.constant dense<2147483647> : vector<64xi32>
    %reduce_min3A_368 = vector.multi_reduction <minsi>, %min3A_366, %reduce_min3A_367 [1] : vector<64x512xi32> to vector<64xi32>
    %broadcast_in_dim3A_369 = vector.shape_cast %reduce_min3A_368 : vector<64xi32> to vector<64x1xi32>
    %gt3A_370 = vector.broadcast %broadcast_in_dim3A_369 : vector<64x1xi32> to vector<64x8192xi32>
    %gt3A_371 = arith.cmpi sgt, %select_n3A, %gt3A_370 : vector<64x8192xi32>
    %jit3A_372 = arith.constant 8192 : i32
    %broadcast_in_dim3A_373 = vector.broadcast %jit3A_372 : i32 to vector<64x8192xi32>
    %select_n3A_374 = arith.select %gt3A_371, %select_n3A, %broadcast_in_dim3A_373 : vector<64x8192xi1>, vector<64x8192xi32>
    %slice3A_375 = vector.extract_strided_slice %select_n3A_374 {offsets = [0, 0], sizes = [64, 512], strides = [1, 1]} : vector<64x8192xi32> to vector<64x512xi32>
    %slice3A_376 = vector.extract_strided_slice %select_n3A_374 {offsets = [0, 512], sizes = [64, 512], strides = [1, 1]} : vector<64x8192xi32> to vector<64x512xi32>
    %slice3A_377 = vector.extract_strided_slice %select_n3A_374 {offsets = [0, 1024], sizes = [64, 512], strides = [1, 1]} : vector<64x8192xi32> to vector<64x512xi32>
    %slice3A_378 = vector.extract_strided_slice %select_n3A_374 {offsets = [0, 1536], sizes = [64, 512], strides = [1, 1]} : vector<64x8192xi32> to vector<64x512xi32>
    %slice3A_379 = vector.extract_strided_slice %select_n3A_374 {offsets = [0, 2048], sizes = [64, 512], strides = [1, 1]} : vector<64x8192xi32> to vector<64x512xi32>
    %slice3A_380 = vector.extract_strided_slice %select_n3A_374 {offsets = [0, 2560], sizes = [64, 512], strides = [1, 1]} : vector<64x8192xi32> to vector<64x512xi32>
    %slice3A_381 = vector.extract_strided_slice %select_n3A_374 {offsets = [0, 3072], sizes = [64, 512], strides = [1, 1]} : vector<64x8192xi32> to vector<64x512xi32>
    %slice3A_382 = vector.extract_strided_slice %select_n3A_374 {offsets = [0, 3584], sizes = [64, 512], strides = [1, 1]} : vector<64x8192xi32> to vector<64x512xi32>
    %slice3A_383 = vector.extract_strided_slice %select_n3A_374 {offsets = [0, 4096], sizes = [64, 512], strides = [1, 1]} : vector<64x8192xi32> to vector<64x512xi32>
    %slice3A_384 = vector.extract_strided_slice %select_n3A_374 {offsets = [0, 4608], sizes = [64, 512], strides = [1, 1]} : vector<64x8192xi32> to vector<64x512xi32>
    %slice3A_385 = vector.extract_strided_slice %select_n3A_374 {offsets = [0, 5120], sizes = [64, 512], strides = [1, 1]} : vector<64x8192xi32> to vector<64x512xi32>
    %slice3A_386 = vector.extract_strided_slice %select_n3A_374 {offsets = [0, 5632], sizes = [64, 512], strides = [1, 1]} : vector<64x8192xi32> to vector<64x512xi32>
    %slice3A_387 = vector.extract_strided_slice %select_n3A_374 {offsets = [0, 6144], sizes = [64, 512], strides = [1, 1]} : vector<64x8192xi32> to vector<64x512xi32>
    %slice3A_388 = vector.extract_strided_slice %select_n3A_374 {offsets = [0, 6656], sizes = [64, 512], strides = [1, 1]} : vector<64x8192xi32> to vector<64x512xi32>
    %slice3A_389 = vector.extract_strided_slice %select_n3A_374 {offsets = [0, 7168], sizes = [64, 512], strides = [1, 1]} : vector<64x8192xi32> to vector<64x512xi32>
    %slice3A_390 = vector.extract_strided_slice %select_n3A_374 {offsets = [0, 7680], sizes = [64, 512], strides = [1, 1]} : vector<64x8192xi32> to vector<64x512xi32>
    %min3A_391 = arith.minsi %slice3A_375, %slice3A_376 : vector<64x512xi32>
    %min3A_392 = arith.minsi %slice3A_377, %slice3A_378 : vector<64x512xi32>
    %min3A_393 = arith.minsi %slice3A_379, %slice3A_380 : vector<64x512xi32>
    %min3A_394 = arith.minsi %slice3A_381, %slice3A_382 : vector<64x512xi32>
    %min3A_395 = arith.minsi %slice3A_383, %slice3A_384 : vector<64x512xi32>
    %min3A_396 = arith.minsi %slice3A_385, %slice3A_386 : vector<64x512xi32>
    %min3A_397 = arith.minsi %slice3A_387, %slice3A_388 : vector<64x512xi32>
    %min3A_398 = arith.minsi %slice3A_389, %slice3A_390 : vector<64x512xi32>
    %min3A_399 = arith.minsi %min3A_391, %min3A_392 : vector<64x512xi32>
    %min3A_400 = arith.minsi %min3A_393, %min3A_394 : vector<64x512xi32>
    %min3A_401 = arith.minsi %min3A_395, %min3A_396 : vector<64x512xi32>
    %min3A_402 = arith.minsi %min3A_397, %min3A_398 : vector<64x512xi32>
    %min3A_403 = arith.minsi %min3A_399, %min3A_400 : vector<64x512xi32>
    %min3A_404 = arith.minsi %min3A_401, %min3A_402 : vector<64x512xi32>
    %min3A_405 = arith.minsi %min3A_403, %min3A_404 : vector<64x512xi32>
    %reduce_min3A_406 = arith.constant dense<2147483647> : vector<64xi32>
    %reduce_min3A_407 = vector.multi_reduction <minsi>, %min3A_405, %reduce_min3A_406 [1] : vector<64x512xi32> to vector<64xi32>
    %broadcast_in_dim3A_408 = vector.shape_cast %reduce_min3A_407 : vector<64xi32> to vector<64x1xi32>
    %gt3A_409 = vector.broadcast %broadcast_in_dim3A_408 : vector<64x1xi32> to vector<64x8192xi32>
    %gt3A_410 = arith.cmpi sgt, %select_n3A, %gt3A_409 : vector<64x8192xi32>
    %jit3A_411 = arith.constant 8192 : i32
    %broadcast_in_dim3A_412 = vector.broadcast %jit3A_411 : i32 to vector<64x8192xi32>
    %select_n3A_413 = arith.select %gt3A_410, %select_n3A, %broadcast_in_dim3A_412 : vector<64x8192xi1>, vector<64x8192xi32>
    %slice3A_414 = vector.extract_strided_slice %select_n3A_413 {offsets = [0, 0], sizes = [64, 512], strides = [1, 1]} : vector<64x8192xi32> to vector<64x512xi32>
    %slice3A_415 = vector.extract_strided_slice %select_n3A_413 {offsets = [0, 512], sizes = [64, 512], strides = [1, 1]} : vector<64x8192xi32> to vector<64x512xi32>
    %slice3A_416 = vector.extract_strided_slice %select_n3A_413 {offsets = [0, 1024], sizes = [64, 512], strides = [1, 1]} : vector<64x8192xi32> to vector<64x512xi32>
    %slice3A_417 = vector.extract_strided_slice %select_n3A_413 {offsets = [0, 1536], sizes = [64, 512], strides = [1, 1]} : vector<64x8192xi32> to vector<64x512xi32>
    %slice3A_418 = vector.extract_strided_slice %select_n3A_413 {offsets = [0, 2048], sizes = [64, 512], strides = [1, 1]} : vector<64x8192xi32> to vector<64x512xi32>
    %slice3A_419 = vector.extract_strided_slice %select_n3A_413 {offsets = [0, 2560], sizes = [64, 512], strides = [1, 1]} : vector<64x8192xi32> to vector<64x512xi32>
    %slice3A_420 = vector.extract_strided_slice %select_n3A_413 {offsets = [0, 3072], sizes = [64, 512], strides = [1, 1]} : vector<64x8192xi32> to vector<64x512xi32>
    %slice3A_421 = vector.extract_strided_slice %select_n3A_413 {offsets = [0, 3584], sizes = [64, 512], strides = [1, 1]} : vector<64x8192xi32> to vector<64x512xi32>
    %slice3A_422 = vector.extract_strided_slice %select_n3A_413 {offsets = [0, 4096], sizes = [64, 512], strides = [1, 1]} : vector<64x8192xi32> to vector<64x512xi32>
    %slice3A_423 = vector.extract_strided_slice %select_n3A_413 {offsets = [0, 4608], sizes = [64, 512], strides = [1, 1]} : vector<64x8192xi32> to vector<64x512xi32>
    %slice3A_424 = vector.extract_strided_slice %select_n3A_413 {offsets = [0, 5120], sizes = [64, 512], strides = [1, 1]} : vector<64x8192xi32> to vector<64x512xi32>
    %slice3A_425 = vector.extract_strided_slice %select_n3A_413 {offsets = [0, 5632], sizes = [64, 512], strides = [1, 1]} : vector<64x8192xi32> to vector<64x512xi32>
    %slice3A_426 = vector.extract_strided_slice %select_n3A_413 {offsets = [0, 6144], sizes = [64, 512], strides = [1, 1]} : vector<64x8192xi32> to vector<64x512xi32>
    %slice3A_427 = vector.extract_strided_slice %select_n3A_413 {offsets = [0, 6656], sizes = [64, 512], strides = [1, 1]} : vector<64x8192xi32> to vector<64x512xi32>
    %slice3A_428 = vector.extract_strided_slice %select_n3A_413 {offsets = [0, 7168], sizes = [64, 512], strides = [1, 1]} : vector<64x8192xi32> to vector<64x512xi32>
    %slice3A_429 = vector.extract_strided_slice %select_n3A_413 {offsets = [0, 7680], sizes = [64, 512], strides = [1, 1]} : vector<64x8192xi32> to vector<64x512xi32>
    %min3A_430 = arith.minsi %slice3A_414, %slice3A_415 : vector<64x512xi32>
    %min3A_431 = arith.minsi %slice3A_416, %slice3A_417 : vector<64x512xi32>
    %min3A_432 = arith.minsi %slice3A_418, %slice3A_419 : vector<64x512xi32>
    %min3A_433 = arith.minsi %slice3A_420, %slice3A_421 : vector<64x512xi32>
    %min3A_434 = arith.minsi %slice3A_422, %slice3A_423 : vector<64x512xi32>
    %min3A_435 = arith.minsi %slice3A_424, %slice3A_425 : vector<64x512xi32>
    %min3A_436 = arith.minsi %slice3A_426, %slice3A_427 : vector<64x512xi32>
    %min3A_437 = arith.minsi %slice3A_428, %slice3A_429 : vector<64x512xi32>
    %min3A_438 = arith.minsi %min3A_430, %min3A_431 : vector<64x512xi32>
    %min3A_439 = arith.minsi %min3A_432, %min3A_433 : vector<64x512xi32>
    %min3A_440 = arith.minsi %min3A_434, %min3A_435 : vector<64x512xi32>
    %min3A_441 = arith.minsi %min3A_436, %min3A_437 : vector<64x512xi32>
    %min3A_442 = arith.minsi %min3A_438, %min3A_439 : vector<64x512xi32>
    %min3A_443 = arith.minsi %min3A_440, %min3A_441 : vector<64x512xi32>
    %min3A_444 = arith.minsi %min3A_442, %min3A_443 : vector<64x512xi32>
    %reduce_min3A_445 = arith.constant dense<2147483647> : vector<64xi32>
    %reduce_min3A_446 = vector.multi_reduction <minsi>, %min3A_444, %reduce_min3A_445 [1] : vector<64x512xi32> to vector<64xi32>
    %broadcast_in_dim3A_447 = vector.shape_cast %reduce_min3A_446 : vector<64xi32> to vector<64x1xi32>
    %gt3A_448 = vector.broadcast %broadcast_in_dim3A_447 : vector<64x1xi32> to vector<64x8192xi32>
    %gt3A_449 = arith.cmpi sgt, %select_n3A, %gt3A_448 : vector<64x8192xi32>
    %jit3A_450 = arith.constant 8192 : i32
    %broadcast_in_dim3A_451 = vector.broadcast %jit3A_450 : i32 to vector<64x8192xi32>
    %select_n3A_452 = arith.select %gt3A_449, %select_n3A, %broadcast_in_dim3A_451 : vector<64x8192xi1>, vector<64x8192xi32>
    %slice3A_453 = vector.extract_strided_slice %select_n3A_452 {offsets = [0, 0], sizes = [64, 512], strides = [1, 1]} : vector<64x8192xi32> to vector<64x512xi32>
    %slice3A_454 = vector.extract_strided_slice %select_n3A_452 {offsets = [0, 512], sizes = [64, 512], strides = [1, 1]} : vector<64x8192xi32> to vector<64x512xi32>
    %slice3A_455 = vector.extract_strided_slice %select_n3A_452 {offsets = [0, 1024], sizes = [64, 512], strides = [1, 1]} : vector<64x8192xi32> to vector<64x512xi32>
    %slice3A_456 = vector.extract_strided_slice %select_n3A_452 {offsets = [0, 1536], sizes = [64, 512], strides = [1, 1]} : vector<64x8192xi32> to vector<64x512xi32>
    %slice3A_457 = vector.extract_strided_slice %select_n3A_452 {offsets = [0, 2048], sizes = [64, 512], strides = [1, 1]} : vector<64x8192xi32> to vector<64x512xi32>
    %slice3A_458 = vector.extract_strided_slice %select_n3A_452 {offsets = [0, 2560], sizes = [64, 512], strides = [1, 1]} : vector<64x8192xi32> to vector<64x512xi32>
    %slice3A_459 = vector.extract_strided_slice %select_n3A_452 {offsets = [0, 3072], sizes = [64, 512], strides = [1, 1]} : vector<64x8192xi32> to vector<64x512xi32>
    %slice3A_460 = vector.extract_strided_slice %select_n3A_452 {offsets = [0, 3584], sizes = [64, 512], strides = [1, 1]} : vector<64x8192xi32> to vector<64x512xi32>
    %slice3A_461 = vector.extract_strided_slice %select_n3A_452 {offsets = [0, 4096], sizes = [64, 512], strides = [1, 1]} : vector<64x8192xi32> to vector<64x512xi32>
    %slice3A_462 = vector.extract_strided_slice %select_n3A_452 {offsets = [0, 4608], sizes = [64, 512], strides = [1, 1]} : vector<64x8192xi32> to vector<64x512xi32>
    %slice3A_463 = vector.extract_strided_slice %select_n3A_452 {offsets = [0, 5120], sizes = [64, 512], strides = [1, 1]} : vector<64x8192xi32> to vector<64x512xi32>
    %slice3A_464 = vector.extract_strided_slice %select_n3A_452 {offsets = [0, 5632], sizes = [64, 512], strides = [1, 1]} : vector<64x8192xi32> to vector<64x512xi32>
    %slice3A_465 = vector.extract_strided_slice %select_n3A_452 {offsets = [0, 6144], sizes = [64, 512], strides = [1, 1]} : vector<64x8192xi32> to vector<64x512xi32>
    %slice3A_466 = vector.extract_strided_slice %select_n3A_452 {offsets = [0, 6656], sizes = [64, 512], strides = [1, 1]} : vector<64x8192xi32> to vector<64x512xi32>
    %slice3A_467 = vector.extract_strided_slice %select_n3A_452 {offsets = [0, 7168], sizes = [64, 512], strides = [1, 1]} : vector<64x8192xi32> to vector<64x512xi32>
    %slice3A_468 = vector.extract_strided_slice %select_n3A_452 {offsets = [0, 7680], sizes = [64, 512], strides = [1, 1]} : vector<64x8192xi32> to vector<64x512xi32>
    %min3A_469 = arith.minsi %slice3A_453, %slice3A_454 : vector<64x512xi32>
    %min3A_470 = arith.minsi %slice3A_455, %slice3A_456 : vector<64x512xi32>
    %min3A_471 = arith.minsi %slice3A_457, %slice3A_458 : vector<64x512xi32>
    %min3A_472 = arith.minsi %slice3A_459, %slice3A_460 : vector<64x512xi32>
    %min3A_473 = arith.minsi %slice3A_461, %slice3A_462 : vector<64x512xi32>
    %min3A_474 = arith.minsi %slice3A_463, %slice3A_464 : vector<64x512xi32>
    %min3A_475 = arith.minsi %slice3A_465, %slice3A_466 : vector<64x512xi32>
    %min3A_476 = arith.minsi %slice3A_467, %slice3A_468 : vector<64x512xi32>
    %min3A_477 = arith.minsi %min3A_469, %min3A_470 : vector<64x512xi32>
    %min3A_478 = arith.minsi %min3A_471, %min3A_472 : vector<64x512xi32>
    %min3A_479 = arith.minsi %min3A_473, %min3A_474 : vector<64x512xi32>
    %min3A_480 = arith.minsi %min3A_475, %min3A_476 : vector<64x512xi32>
    %min3A_481 = arith.minsi %min3A_477, %min3A_478 : vector<64x512xi32>
    %min3A_482 = arith.minsi %min3A_479, %min3A_480 : vector<64x512xi32>
    %min3A_483 = arith.minsi %min3A_481, %min3A_482 : vector<64x512xi32>
    %reduce_min3A_484 = arith.constant dense<2147483647> : vector<64xi32>
    %reduce_min3A_485 = vector.multi_reduction <minsi>, %min3A_483, %reduce_min3A_484 [1] : vector<64x512xi32> to vector<64xi32>
    %broadcast_in_dim3A_486 = vector.shape_cast %reduce_min3A_485 : vector<64xi32> to vector<64x1xi32>
    %gt3A_487 = vector.broadcast %broadcast_in_dim3A_486 : vector<64x1xi32> to vector<64x8192xi32>
    %gt3A_488 = arith.cmpi sgt, %select_n3A, %gt3A_487 : vector<64x8192xi32>
    %jit3A_489 = arith.constant 8192 : i32
    %broadcast_in_dim3A_490 = vector.broadcast %jit3A_489 : i32 to vector<64x8192xi32>
    %select_n3A_491 = arith.select %gt3A_488, %select_n3A, %broadcast_in_dim3A_490 : vector<64x8192xi1>, vector<64x8192xi32>
    %slice3A_492 = vector.extract_strided_slice %select_n3A_491 {offsets = [0, 0], sizes = [64, 512], strides = [1, 1]} : vector<64x8192xi32> to vector<64x512xi32>
    %slice3A_493 = vector.extract_strided_slice %select_n3A_491 {offsets = [0, 512], sizes = [64, 512], strides = [1, 1]} : vector<64x8192xi32> to vector<64x512xi32>
    %slice3A_494 = vector.extract_strided_slice %select_n3A_491 {offsets = [0, 1024], sizes = [64, 512], strides = [1, 1]} : vector<64x8192xi32> to vector<64x512xi32>
    %slice3A_495 = vector.extract_strided_slice %select_n3A_491 {offsets = [0, 1536], sizes = [64, 512], strides = [1, 1]} : vector<64x8192xi32> to vector<64x512xi32>
    %slice3A_496 = vector.extract_strided_slice %select_n3A_491 {offsets = [0, 2048], sizes = [64, 512], strides = [1, 1]} : vector<64x8192xi32> to vector<64x512xi32>
    %slice3A_497 = vector.extract_strided_slice %select_n3A_491 {offsets = [0, 2560], sizes = [64, 512], strides = [1, 1]} : vector<64x8192xi32> to vector<64x512xi32>
    %slice3A_498 = vector.extract_strided_slice %select_n3A_491 {offsets = [0, 3072], sizes = [64, 512], strides = [1, 1]} : vector<64x8192xi32> to vector<64x512xi32>
    %slice3A_499 = vector.extract_strided_slice %select_n3A_491 {offsets = [0, 3584], sizes = [64, 512], strides = [1, 1]} : vector<64x8192xi32> to vector<64x512xi32>
    %slice3A_500 = vector.extract_strided_slice %select_n3A_491 {offsets = [0, 4096], sizes = [64, 512], strides = [1, 1]} : vector<64x8192xi32> to vector<64x512xi32>
    %slice3A_501 = vector.extract_strided_slice %select_n3A_491 {offsets = [0, 4608], sizes = [64, 512], strides = [1, 1]} : vector<64x8192xi32> to vector<64x512xi32>
    %slice3A_502 = vector.extract_strided_slice %select_n3A_491 {offsets = [0, 5120], sizes = [64, 512], strides = [1, 1]} : vector<64x8192xi32> to vector<64x512xi32>
    %slice3A_503 = vector.extract_strided_slice %select_n3A_491 {offsets = [0, 5632], sizes = [64, 512], strides = [1, 1]} : vector<64x8192xi32> to vector<64x512xi32>
    %slice3A_504 = vector.extract_strided_slice %select_n3A_491 {offsets = [0, 6144], sizes = [64, 512], strides = [1, 1]} : vector<64x8192xi32> to vector<64x512xi32>
    %slice3A_505 = vector.extract_strided_slice %select_n3A_491 {offsets = [0, 6656], sizes = [64, 512], strides = [1, 1]} : vector<64x8192xi32> to vector<64x512xi32>
    %slice3A_506 = vector.extract_strided_slice %select_n3A_491 {offsets = [0, 7168], sizes = [64, 512], strides = [1, 1]} : vector<64x8192xi32> to vector<64x512xi32>
    %slice3A_507 = vector.extract_strided_slice %select_n3A_491 {offsets = [0, 7680], sizes = [64, 512], strides = [1, 1]} : vector<64x8192xi32> to vector<64x512xi32>
    %min3A_508 = arith.minsi %slice3A_492, %slice3A_493 : vector<64x512xi32>
    %min3A_509 = arith.minsi %slice3A_494, %slice3A_495 : vector<64x512xi32>
    %min3A_510 = arith.minsi %slice3A_496, %slice3A_497 : vector<64x512xi32>
    %min3A_511 = arith.minsi %slice3A_498, %slice3A_499 : vector<64x512xi32>
    %min3A_512 = arith.minsi %slice3A_500, %slice3A_501 : vector<64x512xi32>
    %min3A_513 = arith.minsi %slice3A_502, %slice3A_503 : vector<64x512xi32>
    %min3A_514 = arith.minsi %slice3A_504, %slice3A_505 : vector<64x512xi32>
    %min3A_515 = arith.minsi %slice3A_506, %slice3A_507 : vector<64x512xi32>
    %min3A_516 = arith.minsi %min3A_508, %min3A_509 : vector<64x512xi32>
    %min3A_517 = arith.minsi %min3A_510, %min3A_511 : vector<64x512xi32>
    %min3A_518 = arith.minsi %min3A_512, %min3A_513 : vector<64x512xi32>
    %min3A_519 = arith.minsi %min3A_514, %min3A_515 : vector<64x512xi32>
    %min3A_520 = arith.minsi %min3A_516, %min3A_517 : vector<64x512xi32>
    %min3A_521 = arith.minsi %min3A_518, %min3A_519 : vector<64x512xi32>
    %min3A_522 = arith.minsi %min3A_520, %min3A_521 : vector<64x512xi32>
    %reduce_min3A_523 = arith.constant dense<2147483647> : vector<64xi32>
    %reduce_min3A_524 = vector.multi_reduction <minsi>, %min3A_522, %reduce_min3A_523 [1] : vector<64x512xi32> to vector<64xi32>
    %broadcast_in_dim3A_525 = vector.shape_cast %reduce_min3A_524 : vector<64xi32> to vector<64x1xi32>
    %gt3A_526 = vector.broadcast %broadcast_in_dim3A_525 : vector<64x1xi32> to vector<64x8192xi32>
    %gt3A_527 = arith.cmpi sgt, %select_n3A, %gt3A_526 : vector<64x8192xi32>
    %jit3A_528 = arith.constant 8192 : i32
    %broadcast_in_dim3A_529 = vector.broadcast %jit3A_528 : i32 to vector<64x8192xi32>
    %select_n3A_530 = arith.select %gt3A_527, %select_n3A, %broadcast_in_dim3A_529 : vector<64x8192xi1>, vector<64x8192xi32>
    %slice3A_531 = vector.extract_strided_slice %select_n3A_530 {offsets = [0, 0], sizes = [64, 512], strides = [1, 1]} : vector<64x8192xi32> to vector<64x512xi32>
    %slice3A_532 = vector.extract_strided_slice %select_n3A_530 {offsets = [0, 512], sizes = [64, 512], strides = [1, 1]} : vector<64x8192xi32> to vector<64x512xi32>
    %slice3A_533 = vector.extract_strided_slice %select_n3A_530 {offsets = [0, 1024], sizes = [64, 512], strides = [1, 1]} : vector<64x8192xi32> to vector<64x512xi32>
    %slice3A_534 = vector.extract_strided_slice %select_n3A_530 {offsets = [0, 1536], sizes = [64, 512], strides = [1, 1]} : vector<64x8192xi32> to vector<64x512xi32>
    %slice3A_535 = vector.extract_strided_slice %select_n3A_530 {offsets = [0, 2048], sizes = [64, 512], strides = [1, 1]} : vector<64x8192xi32> to vector<64x512xi32>
    %slice3A_536 = vector.extract_strided_slice %select_n3A_530 {offsets = [0, 2560], sizes = [64, 512], strides = [1, 1]} : vector<64x8192xi32> to vector<64x512xi32>
    %slice3A_537 = vector.extract_strided_slice %select_n3A_530 {offsets = [0, 3072], sizes = [64, 512], strides = [1, 1]} : vector<64x8192xi32> to vector<64x512xi32>
    %slice3A_538 = vector.extract_strided_slice %select_n3A_530 {offsets = [0, 3584], sizes = [64, 512], strides = [1, 1]} : vector<64x8192xi32> to vector<64x512xi32>
    %slice3A_539 = vector.extract_strided_slice %select_n3A_530 {offsets = [0, 4096], sizes = [64, 512], strides = [1, 1]} : vector<64x8192xi32> to vector<64x512xi32>
    %slice3A_540 = vector.extract_strided_slice %select_n3A_530 {offsets = [0, 4608], sizes = [64, 512], strides = [1, 1]} : vector<64x8192xi32> to vector<64x512xi32>
    %slice3A_541 = vector.extract_strided_slice %select_n3A_530 {offsets = [0, 5120], sizes = [64, 512], strides = [1, 1]} : vector<64x8192xi32> to vector<64x512xi32>
    %slice3A_542 = vector.extract_strided_slice %select_n3A_530 {offsets = [0, 5632], sizes = [64, 512], strides = [1, 1]} : vector<64x8192xi32> to vector<64x512xi32>
    %slice3A_543 = vector.extract_strided_slice %select_n3A_530 {offsets = [0, 6144], sizes = [64, 512], strides = [1, 1]} : vector<64x8192xi32> to vector<64x512xi32>
    %slice3A_544 = vector.extract_strided_slice %select_n3A_530 {offsets = [0, 6656], sizes = [64, 512], strides = [1, 1]} : vector<64x8192xi32> to vector<64x512xi32>
    %slice3A_545 = vector.extract_strided_slice %select_n3A_530 {offsets = [0, 7168], sizes = [64, 512], strides = [1, 1]} : vector<64x8192xi32> to vector<64x512xi32>
    %slice3A_546 = vector.extract_strided_slice %select_n3A_530 {offsets = [0, 7680], sizes = [64, 512], strides = [1, 1]} : vector<64x8192xi32> to vector<64x512xi32>
    %min3A_547 = arith.minsi %slice3A_531, %slice3A_532 : vector<64x512xi32>
    %min3A_548 = arith.minsi %slice3A_533, %slice3A_534 : vector<64x512xi32>
    %min3A_549 = arith.minsi %slice3A_535, %slice3A_536 : vector<64x512xi32>
    %min3A_550 = arith.minsi %slice3A_537, %slice3A_538 : vector<64x512xi32>
    %min3A_551 = arith.minsi %slice3A_539, %slice3A_540 : vector<64x512xi32>
    %min3A_552 = arith.minsi %slice3A_541, %slice3A_542 : vector<64x512xi32>
    %min3A_553 = arith.minsi %slice3A_543, %slice3A_544 : vector<64x512xi32>
    %min3A_554 = arith.minsi %slice3A_545, %slice3A_546 : vector<64x512xi32>
    %min3A_555 = arith.minsi %min3A_547, %min3A_548 : vector<64x512xi32>
    %min3A_556 = arith.minsi %min3A_549, %min3A_550 : vector<64x512xi32>
    %min3A_557 = arith.minsi %min3A_551, %min3A_552 : vector<64x512xi32>
    %min3A_558 = arith.minsi %min3A_553, %min3A_554 : vector<64x512xi32>
    %min3A_559 = arith.minsi %min3A_555, %min3A_556 : vector<64x512xi32>
    %min3A_560 = arith.minsi %min3A_557, %min3A_558 : vector<64x512xi32>
    %min3A_561 = arith.minsi %min3A_559, %min3A_560 : vector<64x512xi32>
    %reduce_min3A_562 = arith.constant dense<2147483647> : vector<64xi32>
    %reduce_min3A_563 = vector.multi_reduction <minsi>, %min3A_561, %reduce_min3A_562 [1] : vector<64x512xi32> to vector<64xi32>
    %broadcast_in_dim3A_564 = vector.shape_cast %reduce_min3A_563 : vector<64xi32> to vector<64x1xi32>
    %gt3A_565 = vector.broadcast %broadcast_in_dim3A_564 : vector<64x1xi32> to vector<64x8192xi32>
    %gt3A_566 = arith.cmpi sgt, %select_n3A, %gt3A_565 : vector<64x8192xi32>
    %jit3A_567 = arith.constant 8192 : i32
    %broadcast_in_dim3A_568 = vector.broadcast %jit3A_567 : i32 to vector<64x8192xi32>
    %select_n3A_569 = arith.select %gt3A_566, %select_n3A, %broadcast_in_dim3A_568 : vector<64x8192xi1>, vector<64x8192xi32>
    %slice3A_570 = vector.extract_strided_slice %select_n3A_569 {offsets = [0, 0], sizes = [64, 512], strides = [1, 1]} : vector<64x8192xi32> to vector<64x512xi32>
    %slice3A_571 = vector.extract_strided_slice %select_n3A_569 {offsets = [0, 512], sizes = [64, 512], strides = [1, 1]} : vector<64x8192xi32> to vector<64x512xi32>
    %slice3A_572 = vector.extract_strided_slice %select_n3A_569 {offsets = [0, 1024], sizes = [64, 512], strides = [1, 1]} : vector<64x8192xi32> to vector<64x512xi32>
    %slice3A_573 = vector.extract_strided_slice %select_n3A_569 {offsets = [0, 1536], sizes = [64, 512], strides = [1, 1]} : vector<64x8192xi32> to vector<64x512xi32>
    %slice3A_574 = vector.extract_strided_slice %select_n3A_569 {offsets = [0, 2048], sizes = [64, 512], strides = [1, 1]} : vector<64x8192xi32> to vector<64x512xi32>
    %slice3A_575 = vector.extract_strided_slice %select_n3A_569 {offsets = [0, 2560], sizes = [64, 512], strides = [1, 1]} : vector<64x8192xi32> to vector<64x512xi32>
    %slice3A_576 = vector.extract_strided_slice %select_n3A_569 {offsets = [0, 3072], sizes = [64, 512], strides = [1, 1]} : vector<64x8192xi32> to vector<64x512xi32>
    %slice3A_577 = vector.extract_strided_slice %select_n3A_569 {offsets = [0, 3584], sizes = [64, 512], strides = [1, 1]} : vector<64x8192xi32> to vector<64x512xi32>
    %slice3A_578 = vector.extract_strided_slice %select_n3A_569 {offsets = [0, 4096], sizes = [64, 512], strides = [1, 1]} : vector<64x8192xi32> to vector<64x512xi32>
    %slice3A_579 = vector.extract_strided_slice %select_n3A_569 {offsets = [0, 4608], sizes = [64, 512], strides = [1, 1]} : vector<64x8192xi32> to vector<64x512xi32>
    %slice3A_580 = vector.extract_strided_slice %select_n3A_569 {offsets = [0, 5120], sizes = [64, 512], strides = [1, 1]} : vector<64x8192xi32> to vector<64x512xi32>
    %slice3A_581 = vector.extract_strided_slice %select_n3A_569 {offsets = [0, 5632], sizes = [64, 512], strides = [1, 1]} : vector<64x8192xi32> to vector<64x512xi32>
    %slice3A_582 = vector.extract_strided_slice %select_n3A_569 {offsets = [0, 6144], sizes = [64, 512], strides = [1, 1]} : vector<64x8192xi32> to vector<64x512xi32>
    %slice3A_583 = vector.extract_strided_slice %select_n3A_569 {offsets = [0, 6656], sizes = [64, 512], strides = [1, 1]} : vector<64x8192xi32> to vector<64x512xi32>
    %slice3A_584 = vector.extract_strided_slice %select_n3A_569 {offsets = [0, 7168], sizes = [64, 512], strides = [1, 1]} : vector<64x8192xi32> to vector<64x512xi32>
    %slice3A_585 = vector.extract_strided_slice %select_n3A_569 {offsets = [0, 7680], sizes = [64, 512], strides = [1, 1]} : vector<64x8192xi32> to vector<64x512xi32>
    %min3A_586 = arith.minsi %slice3A_570, %slice3A_571 : vector<64x512xi32>
    %min3A_587 = arith.minsi %slice3A_572, %slice3A_573 : vector<64x512xi32>
    %min3A_588 = arith.minsi %slice3A_574, %slice3A_575 : vector<64x512xi32>
    %min3A_589 = arith.minsi %slice3A_576, %slice3A_577 : vector<64x512xi32>
    %min3A_590 = arith.minsi %slice3A_578, %slice3A_579 : vector<64x512xi32>
    %min3A_591 = arith.minsi %slice3A_580, %slice3A_581 : vector<64x512xi32>
    %min3A_592 = arith.minsi %slice3A_582, %slice3A_583 : vector<64x512xi32>
    %min3A_593 = arith.minsi %slice3A_584, %slice3A_585 : vector<64x512xi32>
    %min3A_594 = arith.minsi %min3A_586, %min3A_587 : vector<64x512xi32>
    %min3A_595 = arith.minsi %min3A_588, %min3A_589 : vector<64x512xi32>
    %min3A_596 = arith.minsi %min3A_590, %min3A_591 : vector<64x512xi32>
    %min3A_597 = arith.minsi %min3A_592, %min3A_593 : vector<64x512xi32>
    %min3A_598 = arith.minsi %min3A_594, %min3A_595 : vector<64x512xi32>
    %min3A_599 = arith.minsi %min3A_596, %min3A_597 : vector<64x512xi32>
    %min3A_600 = arith.minsi %min3A_598, %min3A_599 : vector<64x512xi32>
    %reduce_min3A_601 = arith.constant dense<2147483647> : vector<64xi32>
    %reduce_min3A_602 = vector.multi_reduction <minsi>, %min3A_600, %reduce_min3A_601 [1] : vector<64x512xi32> to vector<64xi32>
    %broadcast_in_dim3A_603 = vector.shape_cast %reduce_min3A_602 : vector<64xi32> to vector<64x1xi32>
    %gt3A_604 = vector.broadcast %broadcast_in_dim3A_603 : vector<64x1xi32> to vector<64x8192xi32>
    %gt3A_605 = arith.cmpi sgt, %select_n3A, %gt3A_604 : vector<64x8192xi32>
    %jit3A_606 = arith.constant 8192 : i32
    %broadcast_in_dim3A_607 = vector.broadcast %jit3A_606 : i32 to vector<64x8192xi32>
    %select_n3A_608 = arith.select %gt3A_605, %select_n3A, %broadcast_in_dim3A_607 : vector<64x8192xi1>, vector<64x8192xi32>
    %slice3A_609 = vector.extract_strided_slice %select_n3A_608 {offsets = [0, 0], sizes = [64, 512], strides = [1, 1]} : vector<64x8192xi32> to vector<64x512xi32>
    %slice3A_610 = vector.extract_strided_slice %select_n3A_608 {offsets = [0, 512], sizes = [64, 512], strides = [1, 1]} : vector<64x8192xi32> to vector<64x512xi32>
    %slice3A_611 = vector.extract_strided_slice %select_n3A_608 {offsets = [0, 1024], sizes = [64, 512], strides = [1, 1]} : vector<64x8192xi32> to vector<64x512xi32>
    %slice3A_612 = vector.extract_strided_slice %select_n3A_608 {offsets = [0, 1536], sizes = [64, 512], strides = [1, 1]} : vector<64x8192xi32> to vector<64x512xi32>
    %slice3A_613 = vector.extract_strided_slice %select_n3A_608 {offsets = [0, 2048], sizes = [64, 512], strides = [1, 1]} : vector<64x8192xi32> to vector<64x512xi32>
    %slice3A_614 = vector.extract_strided_slice %select_n3A_608 {offsets = [0, 2560], sizes = [64, 512], strides = [1, 1]} : vector<64x8192xi32> to vector<64x512xi32>
    %slice3A_615 = vector.extract_strided_slice %select_n3A_608 {offsets = [0, 3072], sizes = [64, 512], strides = [1, 1]} : vector<64x8192xi32> to vector<64x512xi32>
    %slice3A_616 = vector.extract_strided_slice %select_n3A_608 {offsets = [0, 3584], sizes = [64, 512], strides = [1, 1]} : vector<64x8192xi32> to vector<64x512xi32>
    %slice3A_617 = vector.extract_strided_slice %select_n3A_608 {offsets = [0, 4096], sizes = [64, 512], strides = [1, 1]} : vector<64x8192xi32> to vector<64x512xi32>
    %slice3A_618 = vector.extract_strided_slice %select_n3A_608 {offsets = [0, 4608], sizes = [64, 512], strides = [1, 1]} : vector<64x8192xi32> to vector<64x512xi32>
    %slice3A_619 = vector.extract_strided_slice %select_n3A_608 {offsets = [0, 5120], sizes = [64, 512], strides = [1, 1]} : vector<64x8192xi32> to vector<64x512xi32>
    %slice3A_620 = vector.extract_strided_slice %select_n3A_608 {offsets = [0, 5632], sizes = [64, 512], strides = [1, 1]} : vector<64x8192xi32> to vector<64x512xi32>
    %slice3A_621 = vector.extract_strided_slice %select_n3A_608 {offsets = [0, 6144], sizes = [64, 512], strides = [1, 1]} : vector<64x8192xi32> to vector<64x512xi32>
    %slice3A_622 = vector.extract_strided_slice %select_n3A_608 {offsets = [0, 6656], sizes = [64, 512], strides = [1, 1]} : vector<64x8192xi32> to vector<64x512xi32>
    %slice3A_623 = vector.extract_strided_slice %select_n3A_608 {offsets = [0, 7168], sizes = [64, 512], strides = [1, 1]} : vector<64x8192xi32> to vector<64x512xi32>
    %slice3A_624 = vector.extract_strided_slice %select_n3A_608 {offsets = [0, 7680], sizes = [64, 512], strides = [1, 1]} : vector<64x8192xi32> to vector<64x512xi32>
    %min3A_625 = arith.minsi %slice3A_609, %slice3A_610 : vector<64x512xi32>
    %min3A_626 = arith.minsi %slice3A_611, %slice3A_612 : vector<64x512xi32>
    %min3A_627 = arith.minsi %slice3A_613, %slice3A_614 : vector<64x512xi32>
    %min3A_628 = arith.minsi %slice3A_615, %slice3A_616 : vector<64x512xi32>
    %min3A_629 = arith.minsi %slice3A_617, %slice3A_618 : vector<64x512xi32>
    %min3A_630 = arith.minsi %slice3A_619, %slice3A_620 : vector<64x512xi32>
    %min3A_631 = arith.minsi %slice3A_621, %slice3A_622 : vector<64x512xi32>
    %min3A_632 = arith.minsi %slice3A_623, %slice3A_624 : vector<64x512xi32>
    %min3A_633 = arith.minsi %min3A_625, %min3A_626 : vector<64x512xi32>
    %min3A_634 = arith.minsi %min3A_627, %min3A_628 : vector<64x512xi32>
    %min3A_635 = arith.minsi %min3A_629, %min3A_630 : vector<64x512xi32>
    %min3A_636 = arith.minsi %min3A_631, %min3A_632 : vector<64x512xi32>
    %min3A_637 = arith.minsi %min3A_633, %min3A_634 : vector<64x512xi32>
    %min3A_638 = arith.minsi %min3A_635, %min3A_636 : vector<64x512xi32>
    %min3A_639 = arith.minsi %min3A_637, %min3A_638 : vector<64x512xi32>
    %reduce_min3A_640 = arith.constant dense<2147483647> : vector<64xi32>
    %reduce_min3A_641 = vector.multi_reduction <minsi>, %min3A_639, %reduce_min3A_640 [1] : vector<64x512xi32> to vector<64xi32>
    %broadcast_in_dim3A_642 = vector.shape_cast %reduce_min3A_641 : vector<64xi32> to vector<64x1xi32>
    %gt3A_643 = vector.broadcast %broadcast_in_dim3A_642 : vector<64x1xi32> to vector<64x8192xi32>
    %gt3A_644 = arith.cmpi sgt, %select_n3A, %gt3A_643 : vector<64x8192xi32>
    %jit3A_645 = arith.constant 8192 : i32
    %broadcast_in_dim3A_646 = vector.broadcast %jit3A_645 : i32 to vector<64x8192xi32>
    %select_n3A_647 = arith.select %gt3A_644, %select_n3A, %broadcast_in_dim3A_646 : vector<64x8192xi1>, vector<64x8192xi32>
    %slice3A_648 = vector.extract_strided_slice %select_n3A_647 {offsets = [0, 0], sizes = [64, 512], strides = [1, 1]} : vector<64x8192xi32> to vector<64x512xi32>
    %slice3A_649 = vector.extract_strided_slice %select_n3A_647 {offsets = [0, 512], sizes = [64, 512], strides = [1, 1]} : vector<64x8192xi32> to vector<64x512xi32>
    %slice3A_650 = vector.extract_strided_slice %select_n3A_647 {offsets = [0, 1024], sizes = [64, 512], strides = [1, 1]} : vector<64x8192xi32> to vector<64x512xi32>
    %slice3A_651 = vector.extract_strided_slice %select_n3A_647 {offsets = [0, 1536], sizes = [64, 512], strides = [1, 1]} : vector<64x8192xi32> to vector<64x512xi32>
    %slice3A_652 = vector.extract_strided_slice %select_n3A_647 {offsets = [0, 2048], sizes = [64, 512], strides = [1, 1]} : vector<64x8192xi32> to vector<64x512xi32>
    %slice3A_653 = vector.extract_strided_slice %select_n3A_647 {offsets = [0, 2560], sizes = [64, 512], strides = [1, 1]} : vector<64x8192xi32> to vector<64x512xi32>
    %slice3A_654 = vector.extract_strided_slice %select_n3A_647 {offsets = [0, 3072], sizes = [64, 512], strides = [1, 1]} : vector<64x8192xi32> to vector<64x512xi32>
    %slice3A_655 = vector.extract_strided_slice %select_n3A_647 {offsets = [0, 3584], sizes = [64, 512], strides = [1, 1]} : vector<64x8192xi32> to vector<64x512xi32>
    %slice3A_656 = vector.extract_strided_slice %select_n3A_647 {offsets = [0, 4096], sizes = [64, 512], strides = [1, 1]} : vector<64x8192xi32> to vector<64x512xi32>
    %slice3A_657 = vector.extract_strided_slice %select_n3A_647 {offsets = [0, 4608], sizes = [64, 512], strides = [1, 1]} : vector<64x8192xi32> to vector<64x512xi32>
    %slice3A_658 = vector.extract_strided_slice %select_n3A_647 {offsets = [0, 5120], sizes = [64, 512], strides = [1, 1]} : vector<64x8192xi32> to vector<64x512xi32>
    %slice3A_659 = vector.extract_strided_slice %select_n3A_647 {offsets = [0, 5632], sizes = [64, 512], strides = [1, 1]} : vector<64x8192xi32> to vector<64x512xi32>
    %slice3A_660 = vector.extract_strided_slice %select_n3A_647 {offsets = [0, 6144], sizes = [64, 512], strides = [1, 1]} : vector<64x8192xi32> to vector<64x512xi32>
    %slice3A_661 = vector.extract_strided_slice %select_n3A_647 {offsets = [0, 6656], sizes = [64, 512], strides = [1, 1]} : vector<64x8192xi32> to vector<64x512xi32>
    %slice3A_662 = vector.extract_strided_slice %select_n3A_647 {offsets = [0, 7168], sizes = [64, 512], strides = [1, 1]} : vector<64x8192xi32> to vector<64x512xi32>
    %slice3A_663 = vector.extract_strided_slice %select_n3A_647 {offsets = [0, 7680], sizes = [64, 512], strides = [1, 1]} : vector<64x8192xi32> to vector<64x512xi32>
    %min3A_664 = arith.minsi %slice3A_648, %slice3A_649 : vector<64x512xi32>
    %min3A_665 = arith.minsi %slice3A_650, %slice3A_651 : vector<64x512xi32>
    %min3A_666 = arith.minsi %slice3A_652, %slice3A_653 : vector<64x512xi32>
    %min3A_667 = arith.minsi %slice3A_654, %slice3A_655 : vector<64x512xi32>
    %min3A_668 = arith.minsi %slice3A_656, %slice3A_657 : vector<64x512xi32>
    %min3A_669 = arith.minsi %slice3A_658, %slice3A_659 : vector<64x512xi32>
    %min3A_670 = arith.minsi %slice3A_660, %slice3A_661 : vector<64x512xi32>
    %min3A_671 = arith.minsi %slice3A_662, %slice3A_663 : vector<64x512xi32>
    %min3A_672 = arith.minsi %min3A_664, %min3A_665 : vector<64x512xi32>
    %min3A_673 = arith.minsi %min3A_666, %min3A_667 : vector<64x512xi32>
    %min3A_674 = arith.minsi %min3A_668, %min3A_669 : vector<64x512xi32>
    %min3A_675 = arith.minsi %min3A_670, %min3A_671 : vector<64x512xi32>
    %min3A_676 = arith.minsi %min3A_672, %min3A_673 : vector<64x512xi32>
    %min3A_677 = arith.minsi %min3A_674, %min3A_675 : vector<64x512xi32>
    %min3A_678 = arith.minsi %min3A_676, %min3A_677 : vector<64x512xi32>
    %reduce_min3A_679 = arith.constant dense<2147483647> : vector<64xi32>
    %reduce_min3A_680 = vector.multi_reduction <minsi>, %min3A_678, %reduce_min3A_679 [1] : vector<64x512xi32> to vector<64xi32>
    %broadcast_in_dim3A_681 = vector.shape_cast %reduce_min3A_680 : vector<64xi32> to vector<64x1xi32>
    %gt3A_682 = vector.broadcast %broadcast_in_dim3A_681 : vector<64x1xi32> to vector<64x8192xi32>
    %gt3A_683 = arith.cmpi sgt, %select_n3A, %gt3A_682 : vector<64x8192xi32>
    %jit3A_684 = arith.constant 8192 : i32
    %broadcast_in_dim3A_685 = vector.broadcast %jit3A_684 : i32 to vector<64x8192xi32>
    %select_n3A_686 = arith.select %gt3A_683, %select_n3A, %broadcast_in_dim3A_685 : vector<64x8192xi1>, vector<64x8192xi32>
    %slice3A_687 = vector.extract_strided_slice %select_n3A_686 {offsets = [0, 0], sizes = [64, 512], strides = [1, 1]} : vector<64x8192xi32> to vector<64x512xi32>
    %slice3A_688 = vector.extract_strided_slice %select_n3A_686 {offsets = [0, 512], sizes = [64, 512], strides = [1, 1]} : vector<64x8192xi32> to vector<64x512xi32>
    %slice3A_689 = vector.extract_strided_slice %select_n3A_686 {offsets = [0, 1024], sizes = [64, 512], strides = [1, 1]} : vector<64x8192xi32> to vector<64x512xi32>
    %slice3A_690 = vector.extract_strided_slice %select_n3A_686 {offsets = [0, 1536], sizes = [64, 512], strides = [1, 1]} : vector<64x8192xi32> to vector<64x512xi32>
    %slice3A_691 = vector.extract_strided_slice %select_n3A_686 {offsets = [0, 2048], sizes = [64, 512], strides = [1, 1]} : vector<64x8192xi32> to vector<64x512xi32>
    %slice3A_692 = vector.extract_strided_slice %select_n3A_686 {offsets = [0, 2560], sizes = [64, 512], strides = [1, 1]} : vector<64x8192xi32> to vector<64x512xi32>
    %slice3A_693 = vector.extract_strided_slice %select_n3A_686 {offsets = [0, 3072], sizes = [64, 512], strides = [1, 1]} : vector<64x8192xi32> to vector<64x512xi32>
    %slice3A_694 = vector.extract_strided_slice %select_n3A_686 {offsets = [0, 3584], sizes = [64, 512], strides = [1, 1]} : vector<64x8192xi32> to vector<64x512xi32>
    %slice3A_695 = vector.extract_strided_slice %select_n3A_686 {offsets = [0, 4096], sizes = [64, 512], strides = [1, 1]} : vector<64x8192xi32> to vector<64x512xi32>
    %slice3A_696 = vector.extract_strided_slice %select_n3A_686 {offsets = [0, 4608], sizes = [64, 512], strides = [1, 1]} : vector<64x8192xi32> to vector<64x512xi32>
    %slice3A_697 = vector.extract_strided_slice %select_n3A_686 {offsets = [0, 5120], sizes = [64, 512], strides = [1, 1]} : vector<64x8192xi32> to vector<64x512xi32>
    %slice3A_698 = vector.extract_strided_slice %select_n3A_686 {offsets = [0, 5632], sizes = [64, 512], strides = [1, 1]} : vector<64x8192xi32> to vector<64x512xi32>
    %slice3A_699 = vector.extract_strided_slice %select_n3A_686 {offsets = [0, 6144], sizes = [64, 512], strides = [1, 1]} : vector<64x8192xi32> to vector<64x512xi32>
    %slice3A_700 = vector.extract_strided_slice %select_n3A_686 {offsets = [0, 6656], sizes = [64, 512], strides = [1, 1]} : vector<64x8192xi32> to vector<64x512xi32>
    %slice3A_701 = vector.extract_strided_slice %select_n3A_686 {offsets = [0, 7168], sizes = [64, 512], strides = [1, 1]} : vector<64x8192xi32> to vector<64x512xi32>
    %slice3A_702 = vector.extract_strided_slice %select_n3A_686 {offsets = [0, 7680], sizes = [64, 512], strides = [1, 1]} : vector<64x8192xi32> to vector<64x512xi32>
    %min3A_703 = arith.minsi %slice3A_687, %slice3A_688 : vector<64x512xi32>
    %min3A_704 = arith.minsi %slice3A_689, %slice3A_690 : vector<64x512xi32>
    %min3A_705 = arith.minsi %slice3A_691, %slice3A_692 : vector<64x512xi32>
    %min3A_706 = arith.minsi %slice3A_693, %slice3A_694 : vector<64x512xi32>
    %min3A_707 = arith.minsi %slice3A_695, %slice3A_696 : vector<64x512xi32>
    %min3A_708 = arith.minsi %slice3A_697, %slice3A_698 : vector<64x512xi32>
    %min3A_709 = arith.minsi %slice3A_699, %slice3A_700 : vector<64x512xi32>
    %min3A_710 = arith.minsi %slice3A_701, %slice3A_702 : vector<64x512xi32>
    %min3A_711 = arith.minsi %min3A_703, %min3A_704 : vector<64x512xi32>
    %min3A_712 = arith.minsi %min3A_705, %min3A_706 : vector<64x512xi32>
    %min3A_713 = arith.minsi %min3A_707, %min3A_708 : vector<64x512xi32>
    %min3A_714 = arith.minsi %min3A_709, %min3A_710 : vector<64x512xi32>
    %min3A_715 = arith.minsi %min3A_711, %min3A_712 : vector<64x512xi32>
    %min3A_716 = arith.minsi %min3A_713, %min3A_714 : vector<64x512xi32>
    %min3A_717 = arith.minsi %min3A_715, %min3A_716 : vector<64x512xi32>
    %reduce_min3A_718 = arith.constant dense<2147483647> : vector<64xi32>
    %reduce_min3A_719 = vector.multi_reduction <minsi>, %min3A_717, %reduce_min3A_718 [1] : vector<64x512xi32> to vector<64xi32>
    %broadcast_in_dim3A_720 = vector.shape_cast %reduce_min3A_719 : vector<64xi32> to vector<64x1xi32>
    %gt3A_721 = vector.broadcast %broadcast_in_dim3A_720 : vector<64x1xi32> to vector<64x8192xi32>
    %gt3A_722 = arith.cmpi sgt, %select_n3A, %gt3A_721 : vector<64x8192xi32>
    %jit3A_723 = arith.constant 8192 : i32
    %broadcast_in_dim3A_724 = vector.broadcast %jit3A_723 : i32 to vector<64x8192xi32>
    %select_n3A_725 = arith.select %gt3A_722, %select_n3A, %broadcast_in_dim3A_724 : vector<64x8192xi1>, vector<64x8192xi32>
    %slice3A_726 = vector.extract_strided_slice %select_n3A_725 {offsets = [0, 0], sizes = [64, 512], strides = [1, 1]} : vector<64x8192xi32> to vector<64x512xi32>
    %slice3A_727 = vector.extract_strided_slice %select_n3A_725 {offsets = [0, 512], sizes = [64, 512], strides = [1, 1]} : vector<64x8192xi32> to vector<64x512xi32>
    %slice3A_728 = vector.extract_strided_slice %select_n3A_725 {offsets = [0, 1024], sizes = [64, 512], strides = [1, 1]} : vector<64x8192xi32> to vector<64x512xi32>
    %slice3A_729 = vector.extract_strided_slice %select_n3A_725 {offsets = [0, 1536], sizes = [64, 512], strides = [1, 1]} : vector<64x8192xi32> to vector<64x512xi32>
    %slice3A_730 = vector.extract_strided_slice %select_n3A_725 {offsets = [0, 2048], sizes = [64, 512], strides = [1, 1]} : vector<64x8192xi32> to vector<64x512xi32>
    %slice3A_731 = vector.extract_strided_slice %select_n3A_725 {offsets = [0, 2560], sizes = [64, 512], strides = [1, 1]} : vector<64x8192xi32> to vector<64x512xi32>
    %slice3A_732 = vector.extract_strided_slice %select_n3A_725 {offsets = [0, 3072], sizes = [64, 512], strides = [1, 1]} : vector<64x8192xi32> to vector<64x512xi32>
    %slice3A_733 = vector.extract_strided_slice %select_n3A_725 {offsets = [0, 3584], sizes = [64, 512], strides = [1, 1]} : vector<64x8192xi32> to vector<64x512xi32>
    %slice3A_734 = vector.extract_strided_slice %select_n3A_725 {offsets = [0, 4096], sizes = [64, 512], strides = [1, 1]} : vector<64x8192xi32> to vector<64x512xi32>
    %slice3A_735 = vector.extract_strided_slice %select_n3A_725 {offsets = [0, 4608], sizes = [64, 512], strides = [1, 1]} : vector<64x8192xi32> to vector<64x512xi32>
    %slice3A_736 = vector.extract_strided_slice %select_n3A_725 {offsets = [0, 5120], sizes = [64, 512], strides = [1, 1]} : vector<64x8192xi32> to vector<64x512xi32>
    %slice3A_737 = vector.extract_strided_slice %select_n3A_725 {offsets = [0, 5632], sizes = [64, 512], strides = [1, 1]} : vector<64x8192xi32> to vector<64x512xi32>
    %slice3A_738 = vector.extract_strided_slice %select_n3A_725 {offsets = [0, 6144], sizes = [64, 512], strides = [1, 1]} : vector<64x8192xi32> to vector<64x512xi32>
    %slice3A_739 = vector.extract_strided_slice %select_n3A_725 {offsets = [0, 6656], sizes = [64, 512], strides = [1, 1]} : vector<64x8192xi32> to vector<64x512xi32>
    %slice3A_740 = vector.extract_strided_slice %select_n3A_725 {offsets = [0, 7168], sizes = [64, 512], strides = [1, 1]} : vector<64x8192xi32> to vector<64x512xi32>
    %slice3A_741 = vector.extract_strided_slice %select_n3A_725 {offsets = [0, 7680], sizes = [64, 512], strides = [1, 1]} : vector<64x8192xi32> to vector<64x512xi32>
    %min3A_742 = arith.minsi %slice3A_726, %slice3A_727 : vector<64x512xi32>
    %min3A_743 = arith.minsi %slice3A_728, %slice3A_729 : vector<64x512xi32>
    %min3A_744 = arith.minsi %slice3A_730, %slice3A_731 : vector<64x512xi32>
    %min3A_745 = arith.minsi %slice3A_732, %slice3A_733 : vector<64x512xi32>
    %min3A_746 = arith.minsi %slice3A_734, %slice3A_735 : vector<64x512xi32>
    %min3A_747 = arith.minsi %slice3A_736, %slice3A_737 : vector<64x512xi32>
    %min3A_748 = arith.minsi %slice3A_738, %slice3A_739 : vector<64x512xi32>
    %min3A_749 = arith.minsi %slice3A_740, %slice3A_741 : vector<64x512xi32>
    %min3A_750 = arith.minsi %min3A_742, %min3A_743 : vector<64x512xi32>
    %min3A_751 = arith.minsi %min3A_744, %min3A_745 : vector<64x512xi32>
    %min3A_752 = arith.minsi %min3A_746, %min3A_747 : vector<64x512xi32>
    %min3A_753 = arith.minsi %min3A_748, %min3A_749 : vector<64x512xi32>
    %min3A_754 = arith.minsi %min3A_750, %min3A_751 : vector<64x512xi32>
    %min3A_755 = arith.minsi %min3A_752, %min3A_753 : vector<64x512xi32>
    %min3A_756 = arith.minsi %min3A_754, %min3A_755 : vector<64x512xi32>
    %reduce_min3A_757 = arith.constant dense<2147483647> : vector<64xi32>
    %reduce_min3A_758 = vector.multi_reduction <minsi>, %min3A_756, %reduce_min3A_757 [1] : vector<64x512xi32> to vector<64xi32>
    %broadcast_in_dim3A_759 = vector.shape_cast %reduce_min3A_758 : vector<64xi32> to vector<64x1xi32>
    %gt3A_760 = vector.broadcast %broadcast_in_dim3A_759 : vector<64x1xi32> to vector<64x8192xi32>
    %gt3A_761 = arith.cmpi sgt, %select_n3A, %gt3A_760 : vector<64x8192xi32>
    %jit3A_762 = arith.constant 8192 : i32
    %broadcast_in_dim3A_763 = vector.broadcast %jit3A_762 : i32 to vector<64x8192xi32>
    %select_n3A_764 = arith.select %gt3A_761, %select_n3A, %broadcast_in_dim3A_763 : vector<64x8192xi1>, vector<64x8192xi32>
    %slice3A_765 = vector.extract_strided_slice %select_n3A_764 {offsets = [0, 0], sizes = [64, 512], strides = [1, 1]} : vector<64x8192xi32> to vector<64x512xi32>
    %slice3A_766 = vector.extract_strided_slice %select_n3A_764 {offsets = [0, 512], sizes = [64, 512], strides = [1, 1]} : vector<64x8192xi32> to vector<64x512xi32>
    %slice3A_767 = vector.extract_strided_slice %select_n3A_764 {offsets = [0, 1024], sizes = [64, 512], strides = [1, 1]} : vector<64x8192xi32> to vector<64x512xi32>
    %slice3A_768 = vector.extract_strided_slice %select_n3A_764 {offsets = [0, 1536], sizes = [64, 512], strides = [1, 1]} : vector<64x8192xi32> to vector<64x512xi32>
    %slice3A_769 = vector.extract_strided_slice %select_n3A_764 {offsets = [0, 2048], sizes = [64, 512], strides = [1, 1]} : vector<64x8192xi32> to vector<64x512xi32>
    %slice3A_770 = vector.extract_strided_slice %select_n3A_764 {offsets = [0, 2560], sizes = [64, 512], strides = [1, 1]} : vector<64x8192xi32> to vector<64x512xi32>
    %slice3A_771 = vector.extract_strided_slice %select_n3A_764 {offsets = [0, 3072], sizes = [64, 512], strides = [1, 1]} : vector<64x8192xi32> to vector<64x512xi32>
    %slice3A_772 = vector.extract_strided_slice %select_n3A_764 {offsets = [0, 3584], sizes = [64, 512], strides = [1, 1]} : vector<64x8192xi32> to vector<64x512xi32>
    %slice3A_773 = vector.extract_strided_slice %select_n3A_764 {offsets = [0, 4096], sizes = [64, 512], strides = [1, 1]} : vector<64x8192xi32> to vector<64x512xi32>
    %slice3A_774 = vector.extract_strided_slice %select_n3A_764 {offsets = [0, 4608], sizes = [64, 512], strides = [1, 1]} : vector<64x8192xi32> to vector<64x512xi32>
    %slice3A_775 = vector.extract_strided_slice %select_n3A_764 {offsets = [0, 5120], sizes = [64, 512], strides = [1, 1]} : vector<64x8192xi32> to vector<64x512xi32>
    %slice3A_776 = vector.extract_strided_slice %select_n3A_764 {offsets = [0, 5632], sizes = [64, 512], strides = [1, 1]} : vector<64x8192xi32> to vector<64x512xi32>
    %slice3A_777 = vector.extract_strided_slice %select_n3A_764 {offsets = [0, 6144], sizes = [64, 512], strides = [1, 1]} : vector<64x8192xi32> to vector<64x512xi32>
    %slice3A_778 = vector.extract_strided_slice %select_n3A_764 {offsets = [0, 6656], sizes = [64, 512], strides = [1, 1]} : vector<64x8192xi32> to vector<64x512xi32>
    %slice3A_779 = vector.extract_strided_slice %select_n3A_764 {offsets = [0, 7168], sizes = [64, 512], strides = [1, 1]} : vector<64x8192xi32> to vector<64x512xi32>
    %slice3A_780 = vector.extract_strided_slice %select_n3A_764 {offsets = [0, 7680], sizes = [64, 512], strides = [1, 1]} : vector<64x8192xi32> to vector<64x512xi32>
    %min3A_781 = arith.minsi %slice3A_765, %slice3A_766 : vector<64x512xi32>
    %min3A_782 = arith.minsi %slice3A_767, %slice3A_768 : vector<64x512xi32>
    %min3A_783 = arith.minsi %slice3A_769, %slice3A_770 : vector<64x512xi32>
    %min3A_784 = arith.minsi %slice3A_771, %slice3A_772 : vector<64x512xi32>
    %min3A_785 = arith.minsi %slice3A_773, %slice3A_774 : vector<64x512xi32>
    %min3A_786 = arith.minsi %slice3A_775, %slice3A_776 : vector<64x512xi32>
    %min3A_787 = arith.minsi %slice3A_777, %slice3A_778 : vector<64x512xi32>
    %min3A_788 = arith.minsi %slice3A_779, %slice3A_780 : vector<64x512xi32>
    %min3A_789 = arith.minsi %min3A_781, %min3A_782 : vector<64x512xi32>
    %min3A_790 = arith.minsi %min3A_783, %min3A_784 : vector<64x512xi32>
    %min3A_791 = arith.minsi %min3A_785, %min3A_786 : vector<64x512xi32>
    %min3A_792 = arith.minsi %min3A_787, %min3A_788 : vector<64x512xi32>
    %min3A_793 = arith.minsi %min3A_789, %min3A_790 : vector<64x512xi32>
    %min3A_794 = arith.minsi %min3A_791, %min3A_792 : vector<64x512xi32>
    %min3A_795 = arith.minsi %min3A_793, %min3A_794 : vector<64x512xi32>
    %reduce_min3A_796 = arith.constant dense<2147483647> : vector<64xi32>
    %reduce_min3A_797 = vector.multi_reduction <minsi>, %min3A_795, %reduce_min3A_796 [1] : vector<64x512xi32> to vector<64xi32>
    %broadcast_in_dim3A_798 = vector.shape_cast %reduce_min3A_797 : vector<64xi32> to vector<64x1xi32>
    %gt3A_799 = vector.broadcast %broadcast_in_dim3A_798 : vector<64x1xi32> to vector<64x8192xi32>
    %gt3A_800 = arith.cmpi sgt, %select_n3A, %gt3A_799 : vector<64x8192xi32>
    %jit3A_801 = arith.constant 8192 : i32
    %broadcast_in_dim3A_802 = vector.broadcast %jit3A_801 : i32 to vector<64x8192xi32>
    %select_n3A_803 = arith.select %gt3A_800, %select_n3A, %broadcast_in_dim3A_802 : vector<64x8192xi1>, vector<64x8192xi32>
    %slice3A_804 = vector.extract_strided_slice %select_n3A_803 {offsets = [0, 0], sizes = [64, 512], strides = [1, 1]} : vector<64x8192xi32> to vector<64x512xi32>
    %slice3A_805 = vector.extract_strided_slice %select_n3A_803 {offsets = [0, 512], sizes = [64, 512], strides = [1, 1]} : vector<64x8192xi32> to vector<64x512xi32>
    %slice3A_806 = vector.extract_strided_slice %select_n3A_803 {offsets = [0, 1024], sizes = [64, 512], strides = [1, 1]} : vector<64x8192xi32> to vector<64x512xi32>
    %slice3A_807 = vector.extract_strided_slice %select_n3A_803 {offsets = [0, 1536], sizes = [64, 512], strides = [1, 1]} : vector<64x8192xi32> to vector<64x512xi32>
    %slice3A_808 = vector.extract_strided_slice %select_n3A_803 {offsets = [0, 2048], sizes = [64, 512], strides = [1, 1]} : vector<64x8192xi32> to vector<64x512xi32>
    %slice3A_809 = vector.extract_strided_slice %select_n3A_803 {offsets = [0, 2560], sizes = [64, 512], strides = [1, 1]} : vector<64x8192xi32> to vector<64x512xi32>
    %slice3A_810 = vector.extract_strided_slice %select_n3A_803 {offsets = [0, 3072], sizes = [64, 512], strides = [1, 1]} : vector<64x8192xi32> to vector<64x512xi32>
    %slice3A_811 = vector.extract_strided_slice %select_n3A_803 {offsets = [0, 3584], sizes = [64, 512], strides = [1, 1]} : vector<64x8192xi32> to vector<64x512xi32>
    %slice3A_812 = vector.extract_strided_slice %select_n3A_803 {offsets = [0, 4096], sizes = [64, 512], strides = [1, 1]} : vector<64x8192xi32> to vector<64x512xi32>
    %slice3A_813 = vector.extract_strided_slice %select_n3A_803 {offsets = [0, 4608], sizes = [64, 512], strides = [1, 1]} : vector<64x8192xi32> to vector<64x512xi32>
    %slice3A_814 = vector.extract_strided_slice %select_n3A_803 {offsets = [0, 5120], sizes = [64, 512], strides = [1, 1]} : vector<64x8192xi32> to vector<64x512xi32>
    %slice3A_815 = vector.extract_strided_slice %select_n3A_803 {offsets = [0, 5632], sizes = [64, 512], strides = [1, 1]} : vector<64x8192xi32> to vector<64x512xi32>
    %slice3A_816 = vector.extract_strided_slice %select_n3A_803 {offsets = [0, 6144], sizes = [64, 512], strides = [1, 1]} : vector<64x8192xi32> to vector<64x512xi32>
    %slice3A_817 = vector.extract_strided_slice %select_n3A_803 {offsets = [0, 6656], sizes = [64, 512], strides = [1, 1]} : vector<64x8192xi32> to vector<64x512xi32>
    %slice3A_818 = vector.extract_strided_slice %select_n3A_803 {offsets = [0, 7168], sizes = [64, 512], strides = [1, 1]} : vector<64x8192xi32> to vector<64x512xi32>
    %slice3A_819 = vector.extract_strided_slice %select_n3A_803 {offsets = [0, 7680], sizes = [64, 512], strides = [1, 1]} : vector<64x8192xi32> to vector<64x512xi32>
    %min3A_820 = arith.minsi %slice3A_804, %slice3A_805 : vector<64x512xi32>
    %min3A_821 = arith.minsi %slice3A_806, %slice3A_807 : vector<64x512xi32>
    %min3A_822 = arith.minsi %slice3A_808, %slice3A_809 : vector<64x512xi32>
    %min3A_823 = arith.minsi %slice3A_810, %slice3A_811 : vector<64x512xi32>
    %min3A_824 = arith.minsi %slice3A_812, %slice3A_813 : vector<64x512xi32>
    %min3A_825 = arith.minsi %slice3A_814, %slice3A_815 : vector<64x512xi32>
    %min3A_826 = arith.minsi %slice3A_816, %slice3A_817 : vector<64x512xi32>
    %min3A_827 = arith.minsi %slice3A_818, %slice3A_819 : vector<64x512xi32>
    %min3A_828 = arith.minsi %min3A_820, %min3A_821 : vector<64x512xi32>
    %min3A_829 = arith.minsi %min3A_822, %min3A_823 : vector<64x512xi32>
    %min3A_830 = arith.minsi %min3A_824, %min3A_825 : vector<64x512xi32>
    %min3A_831 = arith.minsi %min3A_826, %min3A_827 : vector<64x512xi32>
    %min3A_832 = arith.minsi %min3A_828, %min3A_829 : vector<64x512xi32>
    %min3A_833 = arith.minsi %min3A_830, %min3A_831 : vector<64x512xi32>
    %min3A_834 = arith.minsi %min3A_832, %min3A_833 : vector<64x512xi32>
    %reduce_min3A_835 = arith.constant dense<2147483647> : vector<64xi32>
    %reduce_min3A_836 = vector.multi_reduction <minsi>, %min3A_834, %reduce_min3A_835 [1] : vector<64x512xi32> to vector<64xi32>
    %broadcast_in_dim3A_837 = vector.shape_cast %reduce_min3A_836 : vector<64xi32> to vector<64x1xi32>
    %gt3A_838 = vector.broadcast %broadcast_in_dim3A_837 : vector<64x1xi32> to vector<64x8192xi32>
    %gt3A_839 = arith.cmpi sgt, %select_n3A, %gt3A_838 : vector<64x8192xi32>
    %jit3A_840 = arith.constant 8192 : i32
    %broadcast_in_dim3A_841 = vector.broadcast %jit3A_840 : i32 to vector<64x8192xi32>
    %select_n3A_842 = arith.select %gt3A_839, %select_n3A, %broadcast_in_dim3A_841 : vector<64x8192xi1>, vector<64x8192xi32>
    %slice3A_843 = vector.extract_strided_slice %select_n3A_842 {offsets = [0, 0], sizes = [64, 512], strides = [1, 1]} : vector<64x8192xi32> to vector<64x512xi32>
    %slice3A_844 = vector.extract_strided_slice %select_n3A_842 {offsets = [0, 512], sizes = [64, 512], strides = [1, 1]} : vector<64x8192xi32> to vector<64x512xi32>
    %slice3A_845 = vector.extract_strided_slice %select_n3A_842 {offsets = [0, 1024], sizes = [64, 512], strides = [1, 1]} : vector<64x8192xi32> to vector<64x512xi32>
    %slice3A_846 = vector.extract_strided_slice %select_n3A_842 {offsets = [0, 1536], sizes = [64, 512], strides = [1, 1]} : vector<64x8192xi32> to vector<64x512xi32>
    %slice3A_847 = vector.extract_strided_slice %select_n3A_842 {offsets = [0, 2048], sizes = [64, 512], strides = [1, 1]} : vector<64x8192xi32> to vector<64x512xi32>
    %slice3A_848 = vector.extract_strided_slice %select_n3A_842 {offsets = [0, 2560], sizes = [64, 512], strides = [1, 1]} : vector<64x8192xi32> to vector<64x512xi32>
    %slice3A_849 = vector.extract_strided_slice %select_n3A_842 {offsets = [0, 3072], sizes = [64, 512], strides = [1, 1]} : vector<64x8192xi32> to vector<64x512xi32>
    %slice3A_850 = vector.extract_strided_slice %select_n3A_842 {offsets = [0, 3584], sizes = [64, 512], strides = [1, 1]} : vector<64x8192xi32> to vector<64x512xi32>
    %slice3A_851 = vector.extract_strided_slice %select_n3A_842 {offsets = [0, 4096], sizes = [64, 512], strides = [1, 1]} : vector<64x8192xi32> to vector<64x512xi32>
    %slice3A_852 = vector.extract_strided_slice %select_n3A_842 {offsets = [0, 4608], sizes = [64, 512], strides = [1, 1]} : vector<64x8192xi32> to vector<64x512xi32>
    %slice3A_853 = vector.extract_strided_slice %select_n3A_842 {offsets = [0, 5120], sizes = [64, 512], strides = [1, 1]} : vector<64x8192xi32> to vector<64x512xi32>
    %slice3A_854 = vector.extract_strided_slice %select_n3A_842 {offsets = [0, 5632], sizes = [64, 512], strides = [1, 1]} : vector<64x8192xi32> to vector<64x512xi32>
    %slice3A_855 = vector.extract_strided_slice %select_n3A_842 {offsets = [0, 6144], sizes = [64, 512], strides = [1, 1]} : vector<64x8192xi32> to vector<64x512xi32>
    %slice3A_856 = vector.extract_strided_slice %select_n3A_842 {offsets = [0, 6656], sizes = [64, 512], strides = [1, 1]} : vector<64x8192xi32> to vector<64x512xi32>
    %slice3A_857 = vector.extract_strided_slice %select_n3A_842 {offsets = [0, 7168], sizes = [64, 512], strides = [1, 1]} : vector<64x8192xi32> to vector<64x512xi32>
    %slice3A_858 = vector.extract_strided_slice %select_n3A_842 {offsets = [0, 7680], sizes = [64, 512], strides = [1, 1]} : vector<64x8192xi32> to vector<64x512xi32>
    %min3A_859 = arith.minsi %slice3A_843, %slice3A_844 : vector<64x512xi32>
    %min3A_860 = arith.minsi %slice3A_845, %slice3A_846 : vector<64x512xi32>
    %min3A_861 = arith.minsi %slice3A_847, %slice3A_848 : vector<64x512xi32>
    %min3A_862 = arith.minsi %slice3A_849, %slice3A_850 : vector<64x512xi32>
    %min3A_863 = arith.minsi %slice3A_851, %slice3A_852 : vector<64x512xi32>
    %min3A_864 = arith.minsi %slice3A_853, %slice3A_854 : vector<64x512xi32>
    %min3A_865 = arith.minsi %slice3A_855, %slice3A_856 : vector<64x512xi32>
    %min3A_866 = arith.minsi %slice3A_857, %slice3A_858 : vector<64x512xi32>
    %min3A_867 = arith.minsi %min3A_859, %min3A_860 : vector<64x512xi32>
    %min3A_868 = arith.minsi %min3A_861, %min3A_862 : vector<64x512xi32>
    %min3A_869 = arith.minsi %min3A_863, %min3A_864 : vector<64x512xi32>
    %min3A_870 = arith.minsi %min3A_865, %min3A_866 : vector<64x512xi32>
    %min3A_871 = arith.minsi %min3A_867, %min3A_868 : vector<64x512xi32>
    %min3A_872 = arith.minsi %min3A_869, %min3A_870 : vector<64x512xi32>
    %min3A_873 = arith.minsi %min3A_871, %min3A_872 : vector<64x512xi32>
    %reduce_min3A_874 = arith.constant dense<2147483647> : vector<64xi32>
    %reduce_min3A_875 = vector.multi_reduction <minsi>, %min3A_873, %reduce_min3A_874 [1] : vector<64x512xi32> to vector<64xi32>
    %broadcast_in_dim3A_876 = vector.shape_cast %reduce_min3A_875 : vector<64xi32> to vector<64x1xi32>
    %gt3A_877 = vector.broadcast %broadcast_in_dim3A_876 : vector<64x1xi32> to vector<64x8192xi32>
    %gt3A_878 = arith.cmpi sgt, %select_n3A, %gt3A_877 : vector<64x8192xi32>
    %jit3A_879 = arith.constant 8192 : i32
    %broadcast_in_dim3A_880 = vector.broadcast %jit3A_879 : i32 to vector<64x8192xi32>
    %select_n3A_881 = arith.select %gt3A_878, %select_n3A, %broadcast_in_dim3A_880 : vector<64x8192xi1>, vector<64x8192xi32>
    %slice3A_882 = vector.extract_strided_slice %select_n3A_881 {offsets = [0, 0], sizes = [64, 512], strides = [1, 1]} : vector<64x8192xi32> to vector<64x512xi32>
    %slice3A_883 = vector.extract_strided_slice %select_n3A_881 {offsets = [0, 512], sizes = [64, 512], strides = [1, 1]} : vector<64x8192xi32> to vector<64x512xi32>
    %slice3A_884 = vector.extract_strided_slice %select_n3A_881 {offsets = [0, 1024], sizes = [64, 512], strides = [1, 1]} : vector<64x8192xi32> to vector<64x512xi32>
    %slice3A_885 = vector.extract_strided_slice %select_n3A_881 {offsets = [0, 1536], sizes = [64, 512], strides = [1, 1]} : vector<64x8192xi32> to vector<64x512xi32>
    %slice3A_886 = vector.extract_strided_slice %select_n3A_881 {offsets = [0, 2048], sizes = [64, 512], strides = [1, 1]} : vector<64x8192xi32> to vector<64x512xi32>
    %slice3A_887 = vector.extract_strided_slice %select_n3A_881 {offsets = [0, 2560], sizes = [64, 512], strides = [1, 1]} : vector<64x8192xi32> to vector<64x512xi32>
    %slice3A_888 = vector.extract_strided_slice %select_n3A_881 {offsets = [0, 3072], sizes = [64, 512], strides = [1, 1]} : vector<64x8192xi32> to vector<64x512xi32>
    %slice3A_889 = vector.extract_strided_slice %select_n3A_881 {offsets = [0, 3584], sizes = [64, 512], strides = [1, 1]} : vector<64x8192xi32> to vector<64x512xi32>
    %slice3A_890 = vector.extract_strided_slice %select_n3A_881 {offsets = [0, 4096], sizes = [64, 512], strides = [1, 1]} : vector<64x8192xi32> to vector<64x512xi32>
    %slice3A_891 = vector.extract_strided_slice %select_n3A_881 {offsets = [0, 4608], sizes = [64, 512], strides = [1, 1]} : vector<64x8192xi32> to vector<64x512xi32>
    %slice3A_892 = vector.extract_strided_slice %select_n3A_881 {offsets = [0, 5120], sizes = [64, 512], strides = [1, 1]} : vector<64x8192xi32> to vector<64x512xi32>
    %slice3A_893 = vector.extract_strided_slice %select_n3A_881 {offsets = [0, 5632], sizes = [64, 512], strides = [1, 1]} : vector<64x8192xi32> to vector<64x512xi32>
    %slice3A_894 = vector.extract_strided_slice %select_n3A_881 {offsets = [0, 6144], sizes = [64, 512], strides = [1, 1]} : vector<64x8192xi32> to vector<64x512xi32>
    %slice3A_895 = vector.extract_strided_slice %select_n3A_881 {offsets = [0, 6656], sizes = [64, 512], strides = [1, 1]} : vector<64x8192xi32> to vector<64x512xi32>
    %slice3A_896 = vector.extract_strided_slice %select_n3A_881 {offsets = [0, 7168], sizes = [64, 512], strides = [1, 1]} : vector<64x8192xi32> to vector<64x512xi32>
    %slice3A_897 = vector.extract_strided_slice %select_n3A_881 {offsets = [0, 7680], sizes = [64, 512], strides = [1, 1]} : vector<64x8192xi32> to vector<64x512xi32>
    %min3A_898 = arith.minsi %slice3A_882, %slice3A_883 : vector<64x512xi32>
    %min3A_899 = arith.minsi %slice3A_884, %slice3A_885 : vector<64x512xi32>
    %min3A_900 = arith.minsi %slice3A_886, %slice3A_887 : vector<64x512xi32>
    %min3A_901 = arith.minsi %slice3A_888, %slice3A_889 : vector<64x512xi32>
    %min3A_902 = arith.minsi %slice3A_890, %slice3A_891 : vector<64x512xi32>
    %min3A_903 = arith.minsi %slice3A_892, %slice3A_893 : vector<64x512xi32>
    %min3A_904 = arith.minsi %slice3A_894, %slice3A_895 : vector<64x512xi32>
    %min3A_905 = arith.minsi %slice3A_896, %slice3A_897 : vector<64x512xi32>
    %min3A_906 = arith.minsi %min3A_898, %min3A_899 : vector<64x512xi32>
    %min3A_907 = arith.minsi %min3A_900, %min3A_901 : vector<64x512xi32>
    %min3A_908 = arith.minsi %min3A_902, %min3A_903 : vector<64x512xi32>
    %min3A_909 = arith.minsi %min3A_904, %min3A_905 : vector<64x512xi32>
    %min3A_910 = arith.minsi %min3A_906, %min3A_907 : vector<64x512xi32>
    %min3A_911 = arith.minsi %min3A_908, %min3A_909 : vector<64x512xi32>
    %min3A_912 = arith.minsi %min3A_910, %min3A_911 : vector<64x512xi32>
    %reduce_min3A_913 = arith.constant dense<2147483647> : vector<64xi32>
    %reduce_min3A_914 = vector.multi_reduction <minsi>, %min3A_912, %reduce_min3A_913 [1] : vector<64x512xi32> to vector<64xi32>
    %broadcast_in_dim3A_915 = vector.shape_cast %reduce_min3A_914 : vector<64xi32> to vector<64x1xi32>
    %gt3A_916 = vector.broadcast %broadcast_in_dim3A_915 : vector<64x1xi32> to vector<64x8192xi32>
    %gt3A_917 = arith.cmpi sgt, %select_n3A, %gt3A_916 : vector<64x8192xi32>
    %jit3A_918 = arith.constant 8192 : i32
    %broadcast_in_dim3A_919 = vector.broadcast %jit3A_918 : i32 to vector<64x8192xi32>
    %select_n3A_920 = arith.select %gt3A_917, %select_n3A, %broadcast_in_dim3A_919 : vector<64x8192xi1>, vector<64x8192xi32>
    %slice3A_921 = vector.extract_strided_slice %select_n3A_920 {offsets = [0, 0], sizes = [64, 512], strides = [1, 1]} : vector<64x8192xi32> to vector<64x512xi32>
    %slice3A_922 = vector.extract_strided_slice %select_n3A_920 {offsets = [0, 512], sizes = [64, 512], strides = [1, 1]} : vector<64x8192xi32> to vector<64x512xi32>
    %slice3A_923 = vector.extract_strided_slice %select_n3A_920 {offsets = [0, 1024], sizes = [64, 512], strides = [1, 1]} : vector<64x8192xi32> to vector<64x512xi32>
    %slice3A_924 = vector.extract_strided_slice %select_n3A_920 {offsets = [0, 1536], sizes = [64, 512], strides = [1, 1]} : vector<64x8192xi32> to vector<64x512xi32>
    %slice3A_925 = vector.extract_strided_slice %select_n3A_920 {offsets = [0, 2048], sizes = [64, 512], strides = [1, 1]} : vector<64x8192xi32> to vector<64x512xi32>
    %slice3A_926 = vector.extract_strided_slice %select_n3A_920 {offsets = [0, 2560], sizes = [64, 512], strides = [1, 1]} : vector<64x8192xi32> to vector<64x512xi32>
    %slice3A_927 = vector.extract_strided_slice %select_n3A_920 {offsets = [0, 3072], sizes = [64, 512], strides = [1, 1]} : vector<64x8192xi32> to vector<64x512xi32>
    %slice3A_928 = vector.extract_strided_slice %select_n3A_920 {offsets = [0, 3584], sizes = [64, 512], strides = [1, 1]} : vector<64x8192xi32> to vector<64x512xi32>
    %slice3A_929 = vector.extract_strided_slice %select_n3A_920 {offsets = [0, 4096], sizes = [64, 512], strides = [1, 1]} : vector<64x8192xi32> to vector<64x512xi32>
    %slice3A_930 = vector.extract_strided_slice %select_n3A_920 {offsets = [0, 4608], sizes = [64, 512], strides = [1, 1]} : vector<64x8192xi32> to vector<64x512xi32>
    %slice3A_931 = vector.extract_strided_slice %select_n3A_920 {offsets = [0, 5120], sizes = [64, 512], strides = [1, 1]} : vector<64x8192xi32> to vector<64x512xi32>
    %slice3A_932 = vector.extract_strided_slice %select_n3A_920 {offsets = [0, 5632], sizes = [64, 512], strides = [1, 1]} : vector<64x8192xi32> to vector<64x512xi32>
    %slice3A_933 = vector.extract_strided_slice %select_n3A_920 {offsets = [0, 6144], sizes = [64, 512], strides = [1, 1]} : vector<64x8192xi32> to vector<64x512xi32>
    %slice3A_934 = vector.extract_strided_slice %select_n3A_920 {offsets = [0, 6656], sizes = [64, 512], strides = [1, 1]} : vector<64x8192xi32> to vector<64x512xi32>
    %slice3A_935 = vector.extract_strided_slice %select_n3A_920 {offsets = [0, 7168], sizes = [64, 512], strides = [1, 1]} : vector<64x8192xi32> to vector<64x512xi32>
    %slice3A_936 = vector.extract_strided_slice %select_n3A_920 {offsets = [0, 7680], sizes = [64, 512], strides = [1, 1]} : vector<64x8192xi32> to vector<64x512xi32>
    %min3A_937 = arith.minsi %slice3A_921, %slice3A_922 : vector<64x512xi32>
    %min3A_938 = arith.minsi %slice3A_923, %slice3A_924 : vector<64x512xi32>
    %min3A_939 = arith.minsi %slice3A_925, %slice3A_926 : vector<64x512xi32>
    %min3A_940 = arith.minsi %slice3A_927, %slice3A_928 : vector<64x512xi32>
    %min3A_941 = arith.minsi %slice3A_929, %slice3A_930 : vector<64x512xi32>
    %min3A_942 = arith.minsi %slice3A_931, %slice3A_932 : vector<64x512xi32>
    %min3A_943 = arith.minsi %slice3A_933, %slice3A_934 : vector<64x512xi32>
    %min3A_944 = arith.minsi %slice3A_935, %slice3A_936 : vector<64x512xi32>
    %min3A_945 = arith.minsi %min3A_937, %min3A_938 : vector<64x512xi32>
    %min3A_946 = arith.minsi %min3A_939, %min3A_940 : vector<64x512xi32>
    %min3A_947 = arith.minsi %min3A_941, %min3A_942 : vector<64x512xi32>
    %min3A_948 = arith.minsi %min3A_943, %min3A_944 : vector<64x512xi32>
    %min3A_949 = arith.minsi %min3A_945, %min3A_946 : vector<64x512xi32>
    %min3A_950 = arith.minsi %min3A_947, %min3A_948 : vector<64x512xi32>
    %min3A_951 = arith.minsi %min3A_949, %min3A_950 : vector<64x512xi32>
    %reduce_min3A_952 = arith.constant dense<2147483647> : vector<64xi32>
    %reduce_min3A_953 = vector.multi_reduction <minsi>, %min3A_951, %reduce_min3A_952 [1] : vector<64x512xi32> to vector<64xi32>
    %broadcast_in_dim3A_954 = vector.shape_cast %reduce_min3A_953 : vector<64xi32> to vector<64x1xi32>
    %gt3A_955 = vector.broadcast %broadcast_in_dim3A_954 : vector<64x1xi32> to vector<64x8192xi32>
    %gt3A_956 = arith.cmpi sgt, %select_n3A, %gt3A_955 : vector<64x8192xi32>
    %jit3A_957 = arith.constant 8192 : i32
    %broadcast_in_dim3A_958 = vector.broadcast %jit3A_957 : i32 to vector<64x8192xi32>
    %select_n3A_959 = arith.select %gt3A_956, %select_n3A, %broadcast_in_dim3A_958 : vector<64x8192xi1>, vector<64x8192xi32>
    %slice3A_960 = vector.extract_strided_slice %select_n3A_959 {offsets = [0, 0], sizes = [64, 512], strides = [1, 1]} : vector<64x8192xi32> to vector<64x512xi32>
    %slice3A_961 = vector.extract_strided_slice %select_n3A_959 {offsets = [0, 512], sizes = [64, 512], strides = [1, 1]} : vector<64x8192xi32> to vector<64x512xi32>
    %slice3A_962 = vector.extract_strided_slice %select_n3A_959 {offsets = [0, 1024], sizes = [64, 512], strides = [1, 1]} : vector<64x8192xi32> to vector<64x512xi32>
    %slice3A_963 = vector.extract_strided_slice %select_n3A_959 {offsets = [0, 1536], sizes = [64, 512], strides = [1, 1]} : vector<64x8192xi32> to vector<64x512xi32>
    %slice3A_964 = vector.extract_strided_slice %select_n3A_959 {offsets = [0, 2048], sizes = [64, 512], strides = [1, 1]} : vector<64x8192xi32> to vector<64x512xi32>
    %slice3A_965 = vector.extract_strided_slice %select_n3A_959 {offsets = [0, 2560], sizes = [64, 512], strides = [1, 1]} : vector<64x8192xi32> to vector<64x512xi32>
    %slice3A_966 = vector.extract_strided_slice %select_n3A_959 {offsets = [0, 3072], sizes = [64, 512], strides = [1, 1]} : vector<64x8192xi32> to vector<64x512xi32>
    %slice3A_967 = vector.extract_strided_slice %select_n3A_959 {offsets = [0, 3584], sizes = [64, 512], strides = [1, 1]} : vector<64x8192xi32> to vector<64x512xi32>
    %slice3A_968 = vector.extract_strided_slice %select_n3A_959 {offsets = [0, 4096], sizes = [64, 512], strides = [1, 1]} : vector<64x8192xi32> to vector<64x512xi32>
    %slice3A_969 = vector.extract_strided_slice %select_n3A_959 {offsets = [0, 4608], sizes = [64, 512], strides = [1, 1]} : vector<64x8192xi32> to vector<64x512xi32>
    %slice3A_970 = vector.extract_strided_slice %select_n3A_959 {offsets = [0, 5120], sizes = [64, 512], strides = [1, 1]} : vector<64x8192xi32> to vector<64x512xi32>
    %slice3A_971 = vector.extract_strided_slice %select_n3A_959 {offsets = [0, 5632], sizes = [64, 512], strides = [1, 1]} : vector<64x8192xi32> to vector<64x512xi32>
    %slice3A_972 = vector.extract_strided_slice %select_n3A_959 {offsets = [0, 6144], sizes = [64, 512], strides = [1, 1]} : vector<64x8192xi32> to vector<64x512xi32>
    %slice3A_973 = vector.extract_strided_slice %select_n3A_959 {offsets = [0, 6656], sizes = [64, 512], strides = [1, 1]} : vector<64x8192xi32> to vector<64x512xi32>
    %slice3A_974 = vector.extract_strided_slice %select_n3A_959 {offsets = [0, 7168], sizes = [64, 512], strides = [1, 1]} : vector<64x8192xi32> to vector<64x512xi32>
    %slice3A_975 = vector.extract_strided_slice %select_n3A_959 {offsets = [0, 7680], sizes = [64, 512], strides = [1, 1]} : vector<64x8192xi32> to vector<64x512xi32>
    %min3A_976 = arith.minsi %slice3A_960, %slice3A_961 : vector<64x512xi32>
    %min3A_977 = arith.minsi %slice3A_962, %slice3A_963 : vector<64x512xi32>
    %min3A_978 = arith.minsi %slice3A_964, %slice3A_965 : vector<64x512xi32>
    %min3A_979 = arith.minsi %slice3A_966, %slice3A_967 : vector<64x512xi32>
    %min3A_980 = arith.minsi %slice3A_968, %slice3A_969 : vector<64x512xi32>
    %min3A_981 = arith.minsi %slice3A_970, %slice3A_971 : vector<64x512xi32>
    %min3A_982 = arith.minsi %slice3A_972, %slice3A_973 : vector<64x512xi32>
    %min3A_983 = arith.minsi %slice3A_974, %slice3A_975 : vector<64x512xi32>
    %min3A_984 = arith.minsi %min3A_976, %min3A_977 : vector<64x512xi32>
    %min3A_985 = arith.minsi %min3A_978, %min3A_979 : vector<64x512xi32>
    %min3A_986 = arith.minsi %min3A_980, %min3A_981 : vector<64x512xi32>
    %min3A_987 = arith.minsi %min3A_982, %min3A_983 : vector<64x512xi32>
    %min3A_988 = arith.minsi %min3A_984, %min3A_985 : vector<64x512xi32>
    %min3A_989 = arith.minsi %min3A_986, %min3A_987 : vector<64x512xi32>
    %min3A_990 = arith.minsi %min3A_988, %min3A_989 : vector<64x512xi32>
    %reduce_min3A_991 = arith.constant dense<2147483647> : vector<64xi32>
    %reduce_min3A_992 = vector.multi_reduction <minsi>, %min3A_990, %reduce_min3A_991 [1] : vector<64x512xi32> to vector<64xi32>
    %broadcast_in_dim3A_993 = vector.shape_cast %reduce_min3A_992 : vector<64xi32> to vector<64x1xi32>
    %gt3A_994 = vector.broadcast %broadcast_in_dim3A_993 : vector<64x1xi32> to vector<64x8192xi32>
    %gt3A_995 = arith.cmpi sgt, %select_n3A, %gt3A_994 : vector<64x8192xi32>
    %jit3A_996 = arith.constant 8192 : i32
    %broadcast_in_dim3A_997 = vector.broadcast %jit3A_996 : i32 to vector<64x8192xi32>
    %select_n3A_998 = arith.select %gt3A_995, %select_n3A, %broadcast_in_dim3A_997 : vector<64x8192xi1>, vector<64x8192xi32>
    %slice3A_999 = vector.extract_strided_slice %select_n3A_998 {offsets = [0, 0], sizes = [64, 512], strides = [1, 1]} : vector<64x8192xi32> to vector<64x512xi32>
    %slice3A_1000 = vector.extract_strided_slice %select_n3A_998 {offsets = [0, 512], sizes = [64, 512], strides = [1, 1]} : vector<64x8192xi32> to vector<64x512xi32>
    %slice3A_1001 = vector.extract_strided_slice %select_n3A_998 {offsets = [0, 1024], sizes = [64, 512], strides = [1, 1]} : vector<64x8192xi32> to vector<64x512xi32>
    %slice3A_1002 = vector.extract_strided_slice %select_n3A_998 {offsets = [0, 1536], sizes = [64, 512], strides = [1, 1]} : vector<64x8192xi32> to vector<64x512xi32>
    %slice3A_1003 = vector.extract_strided_slice %select_n3A_998 {offsets = [0, 2048], sizes = [64, 512], strides = [1, 1]} : vector<64x8192xi32> to vector<64x512xi32>
    %slice3A_1004 = vector.extract_strided_slice %select_n3A_998 {offsets = [0, 2560], sizes = [64, 512], strides = [1, 1]} : vector<64x8192xi32> to vector<64x512xi32>
    %slice3A_1005 = vector.extract_strided_slice %select_n3A_998 {offsets = [0, 3072], sizes = [64, 512], strides = [1, 1]} : vector<64x8192xi32> to vector<64x512xi32>
    %slice3A_1006 = vector.extract_strided_slice %select_n3A_998 {offsets = [0, 3584], sizes = [64, 512], strides = [1, 1]} : vector<64x8192xi32> to vector<64x512xi32>
    %slice3A_1007 = vector.extract_strided_slice %select_n3A_998 {offsets = [0, 4096], sizes = [64, 512], strides = [1, 1]} : vector<64x8192xi32> to vector<64x512xi32>
    %slice3A_1008 = vector.extract_strided_slice %select_n3A_998 {offsets = [0, 4608], sizes = [64, 512], strides = [1, 1]} : vector<64x8192xi32> to vector<64x512xi32>
    %slice3A_1009 = vector.extract_strided_slice %select_n3A_998 {offsets = [0, 5120], sizes = [64, 512], strides = [1, 1]} : vector<64x8192xi32> to vector<64x512xi32>
    %slice3A_1010 = vector.extract_strided_slice %select_n3A_998 {offsets = [0, 5632], sizes = [64, 512], strides = [1, 1]} : vector<64x8192xi32> to vector<64x512xi32>
    %slice3A_1011 = vector.extract_strided_slice %select_n3A_998 {offsets = [0, 6144], sizes = [64, 512], strides = [1, 1]} : vector<64x8192xi32> to vector<64x512xi32>
    %slice3A_1012 = vector.extract_strided_slice %select_n3A_998 {offsets = [0, 6656], sizes = [64, 512], strides = [1, 1]} : vector<64x8192xi32> to vector<64x512xi32>
    %slice3A_1013 = vector.extract_strided_slice %select_n3A_998 {offsets = [0, 7168], sizes = [64, 512], strides = [1, 1]} : vector<64x8192xi32> to vector<64x512xi32>
    %slice3A_1014 = vector.extract_strided_slice %select_n3A_998 {offsets = [0, 7680], sizes = [64, 512], strides = [1, 1]} : vector<64x8192xi32> to vector<64x512xi32>
    %min3A_1015 = arith.minsi %slice3A_999, %slice3A_1000 : vector<64x512xi32>
    %min3A_1016 = arith.minsi %slice3A_1001, %slice3A_1002 : vector<64x512xi32>
    %min3A_1017 = arith.minsi %slice3A_1003, %slice3A_1004 : vector<64x512xi32>
    %min3A_1018 = arith.minsi %slice3A_1005, %slice3A_1006 : vector<64x512xi32>
    %min3A_1019 = arith.minsi %slice3A_1007, %slice3A_1008 : vector<64x512xi32>
    %min3A_1020 = arith.minsi %slice3A_1009, %slice3A_1010 : vector<64x512xi32>
    %min3A_1021 = arith.minsi %slice3A_1011, %slice3A_1012 : vector<64x512xi32>
    %min3A_1022 = arith.minsi %slice3A_1013, %slice3A_1014 : vector<64x512xi32>
    %min3A_1023 = arith.minsi %min3A_1015, %min3A_1016 : vector<64x512xi32>
    %min3A_1024 = arith.minsi %min3A_1017, %min3A_1018 : vector<64x512xi32>
    %min3A_1025 = arith.minsi %min3A_1019, %min3A_1020 : vector<64x512xi32>
    %min3A_1026 = arith.minsi %min3A_1021, %min3A_1022 : vector<64x512xi32>
    %min3A_1027 = arith.minsi %min3A_1023, %min3A_1024 : vector<64x512xi32>
    %min3A_1028 = arith.minsi %min3A_1025, %min3A_1026 : vector<64x512xi32>
    %min3A_1029 = arith.minsi %min3A_1027, %min3A_1028 : vector<64x512xi32>
    %reduce_min3A_1030 = arith.constant dense<2147483647> : vector<64xi32>
    %reduce_min3A_1031 = vector.multi_reduction <minsi>, %min3A_1029, %reduce_min3A_1030 [1] : vector<64x512xi32> to vector<64xi32>
    %broadcast_in_dim3A_1032 = vector.shape_cast %reduce_min3A_1031 : vector<64xi32> to vector<64x1xi32>
    %gt3A_1033 = vector.broadcast %broadcast_in_dim3A_1032 : vector<64x1xi32> to vector<64x8192xi32>
    %gt3A_1034 = arith.cmpi sgt, %select_n3A, %gt3A_1033 : vector<64x8192xi32>
    %jit3A_1035 = arith.constant 8192 : i32
    %broadcast_in_dim3A_1036 = vector.broadcast %jit3A_1035 : i32 to vector<64x8192xi32>
    %select_n3A_1037 = arith.select %gt3A_1034, %select_n3A, %broadcast_in_dim3A_1036 : vector<64x8192xi1>, vector<64x8192xi32>
    %slice3A_1038 = vector.extract_strided_slice %select_n3A_1037 {offsets = [0, 0], sizes = [64, 512], strides = [1, 1]} : vector<64x8192xi32> to vector<64x512xi32>
    %slice3A_1039 = vector.extract_strided_slice %select_n3A_1037 {offsets = [0, 512], sizes = [64, 512], strides = [1, 1]} : vector<64x8192xi32> to vector<64x512xi32>
    %slice3A_1040 = vector.extract_strided_slice %select_n3A_1037 {offsets = [0, 1024], sizes = [64, 512], strides = [1, 1]} : vector<64x8192xi32> to vector<64x512xi32>
    %slice3A_1041 = vector.extract_strided_slice %select_n3A_1037 {offsets = [0, 1536], sizes = [64, 512], strides = [1, 1]} : vector<64x8192xi32> to vector<64x512xi32>
    %slice3A_1042 = vector.extract_strided_slice %select_n3A_1037 {offsets = [0, 2048], sizes = [64, 512], strides = [1, 1]} : vector<64x8192xi32> to vector<64x512xi32>
    %slice3A_1043 = vector.extract_strided_slice %select_n3A_1037 {offsets = [0, 2560], sizes = [64, 512], strides = [1, 1]} : vector<64x8192xi32> to vector<64x512xi32>
    %slice3A_1044 = vector.extract_strided_slice %select_n3A_1037 {offsets = [0, 3072], sizes = [64, 512], strides = [1, 1]} : vector<64x8192xi32> to vector<64x512xi32>
    %slice3A_1045 = vector.extract_strided_slice %select_n3A_1037 {offsets = [0, 3584], sizes = [64, 512], strides = [1, 1]} : vector<64x8192xi32> to vector<64x512xi32>
    %slice3A_1046 = vector.extract_strided_slice %select_n3A_1037 {offsets = [0, 4096], sizes = [64, 512], strides = [1, 1]} : vector<64x8192xi32> to vector<64x512xi32>
    %slice3A_1047 = vector.extract_strided_slice %select_n3A_1037 {offsets = [0, 4608], sizes = [64, 512], strides = [1, 1]} : vector<64x8192xi32> to vector<64x512xi32>
    %slice3A_1048 = vector.extract_strided_slice %select_n3A_1037 {offsets = [0, 5120], sizes = [64, 512], strides = [1, 1]} : vector<64x8192xi32> to vector<64x512xi32>
    %slice3A_1049 = vector.extract_strided_slice %select_n3A_1037 {offsets = [0, 5632], sizes = [64, 512], strides = [1, 1]} : vector<64x8192xi32> to vector<64x512xi32>
    %slice3A_1050 = vector.extract_strided_slice %select_n3A_1037 {offsets = [0, 6144], sizes = [64, 512], strides = [1, 1]} : vector<64x8192xi32> to vector<64x512xi32>
    %slice3A_1051 = vector.extract_strided_slice %select_n3A_1037 {offsets = [0, 6656], sizes = [64, 512], strides = [1, 1]} : vector<64x8192xi32> to vector<64x512xi32>
    %slice3A_1052 = vector.extract_strided_slice %select_n3A_1037 {offsets = [0, 7168], sizes = [64, 512], strides = [1, 1]} : vector<64x8192xi32> to vector<64x512xi32>
    %slice3A_1053 = vector.extract_strided_slice %select_n3A_1037 {offsets = [0, 7680], sizes = [64, 512], strides = [1, 1]} : vector<64x8192xi32> to vector<64x512xi32>
    %min3A_1054 = arith.minsi %slice3A_1038, %slice3A_1039 : vector<64x512xi32>
    %min3A_1055 = arith.minsi %slice3A_1040, %slice3A_1041 : vector<64x512xi32>
    %min3A_1056 = arith.minsi %slice3A_1042, %slice3A_1043 : vector<64x512xi32>
    %min3A_1057 = arith.minsi %slice3A_1044, %slice3A_1045 : vector<64x512xi32>
    %min3A_1058 = arith.minsi %slice3A_1046, %slice3A_1047 : vector<64x512xi32>
    %min3A_1059 = arith.minsi %slice3A_1048, %slice3A_1049 : vector<64x512xi32>
    %min3A_1060 = arith.minsi %slice3A_1050, %slice3A_1051 : vector<64x512xi32>
    %min3A_1061 = arith.minsi %slice3A_1052, %slice3A_1053 : vector<64x512xi32>
    %min3A_1062 = arith.minsi %min3A_1054, %min3A_1055 : vector<64x512xi32>
    %min3A_1063 = arith.minsi %min3A_1056, %min3A_1057 : vector<64x512xi32>
    %min3A_1064 = arith.minsi %min3A_1058, %min3A_1059 : vector<64x512xi32>
    %min3A_1065 = arith.minsi %min3A_1060, %min3A_1061 : vector<64x512xi32>
    %min3A_1066 = arith.minsi %min3A_1062, %min3A_1063 : vector<64x512xi32>
    %min3A_1067 = arith.minsi %min3A_1064, %min3A_1065 : vector<64x512xi32>
    %min3A_1068 = arith.minsi %min3A_1066, %min3A_1067 : vector<64x512xi32>
    %reduce_min3A_1069 = arith.constant dense<2147483647> : vector<64xi32>
    %reduce_min3A_1070 = vector.multi_reduction <minsi>, %min3A_1068, %reduce_min3A_1069 [1] : vector<64x512xi32> to vector<64xi32>
    %broadcast_in_dim3A_1071 = vector.shape_cast %reduce_min3A_1070 : vector<64xi32> to vector<64x1xi32>
    %gt3A_1072 = vector.broadcast %broadcast_in_dim3A_1071 : vector<64x1xi32> to vector<64x8192xi32>
    %gt3A_1073 = arith.cmpi sgt, %select_n3A, %gt3A_1072 : vector<64x8192xi32>
    %jit3A_1074 = arith.constant 8192 : i32
    %broadcast_in_dim3A_1075 = vector.broadcast %jit3A_1074 : i32 to vector<64x8192xi32>
    %select_n3A_1076 = arith.select %gt3A_1073, %select_n3A, %broadcast_in_dim3A_1075 : vector<64x8192xi1>, vector<64x8192xi32>
    %slice3A_1077 = vector.extract_strided_slice %select_n3A_1076 {offsets = [0, 0], sizes = [64, 512], strides = [1, 1]} : vector<64x8192xi32> to vector<64x512xi32>
    %slice3A_1078 = vector.extract_strided_slice %select_n3A_1076 {offsets = [0, 512], sizes = [64, 512], strides = [1, 1]} : vector<64x8192xi32> to vector<64x512xi32>
    %slice3A_1079 = vector.extract_strided_slice %select_n3A_1076 {offsets = [0, 1024], sizes = [64, 512], strides = [1, 1]} : vector<64x8192xi32> to vector<64x512xi32>
    %slice3A_1080 = vector.extract_strided_slice %select_n3A_1076 {offsets = [0, 1536], sizes = [64, 512], strides = [1, 1]} : vector<64x8192xi32> to vector<64x512xi32>
    %slice3A_1081 = vector.extract_strided_slice %select_n3A_1076 {offsets = [0, 2048], sizes = [64, 512], strides = [1, 1]} : vector<64x8192xi32> to vector<64x512xi32>
    %slice3A_1082 = vector.extract_strided_slice %select_n3A_1076 {offsets = [0, 2560], sizes = [64, 512], strides = [1, 1]} : vector<64x8192xi32> to vector<64x512xi32>
    %slice3A_1083 = vector.extract_strided_slice %select_n3A_1076 {offsets = [0, 3072], sizes = [64, 512], strides = [1, 1]} : vector<64x8192xi32> to vector<64x512xi32>
    %slice3A_1084 = vector.extract_strided_slice %select_n3A_1076 {offsets = [0, 3584], sizes = [64, 512], strides = [1, 1]} : vector<64x8192xi32> to vector<64x512xi32>
    %slice3A_1085 = vector.extract_strided_slice %select_n3A_1076 {offsets = [0, 4096], sizes = [64, 512], strides = [1, 1]} : vector<64x8192xi32> to vector<64x512xi32>
    %slice3A_1086 = vector.extract_strided_slice %select_n3A_1076 {offsets = [0, 4608], sizes = [64, 512], strides = [1, 1]} : vector<64x8192xi32> to vector<64x512xi32>
    %slice3A_1087 = vector.extract_strided_slice %select_n3A_1076 {offsets = [0, 5120], sizes = [64, 512], strides = [1, 1]} : vector<64x8192xi32> to vector<64x512xi32>
    %slice3A_1088 = vector.extract_strided_slice %select_n3A_1076 {offsets = [0, 5632], sizes = [64, 512], strides = [1, 1]} : vector<64x8192xi32> to vector<64x512xi32>
    %slice3A_1089 = vector.extract_strided_slice %select_n3A_1076 {offsets = [0, 6144], sizes = [64, 512], strides = [1, 1]} : vector<64x8192xi32> to vector<64x512xi32>
    %slice3A_1090 = vector.extract_strided_slice %select_n3A_1076 {offsets = [0, 6656], sizes = [64, 512], strides = [1, 1]} : vector<64x8192xi32> to vector<64x512xi32>
    %slice3A_1091 = vector.extract_strided_slice %select_n3A_1076 {offsets = [0, 7168], sizes = [64, 512], strides = [1, 1]} : vector<64x8192xi32> to vector<64x512xi32>
    %slice3A_1092 = vector.extract_strided_slice %select_n3A_1076 {offsets = [0, 7680], sizes = [64, 512], strides = [1, 1]} : vector<64x8192xi32> to vector<64x512xi32>
    %min3A_1093 = arith.minsi %slice3A_1077, %slice3A_1078 : vector<64x512xi32>
    %min3A_1094 = arith.minsi %slice3A_1079, %slice3A_1080 : vector<64x512xi32>
    %min3A_1095 = arith.minsi %slice3A_1081, %slice3A_1082 : vector<64x512xi32>
    %min3A_1096 = arith.minsi %slice3A_1083, %slice3A_1084 : vector<64x512xi32>
    %min3A_1097 = arith.minsi %slice3A_1085, %slice3A_1086 : vector<64x512xi32>
    %min3A_1098 = arith.minsi %slice3A_1087, %slice3A_1088 : vector<64x512xi32>
    %min3A_1099 = arith.minsi %slice3A_1089, %slice3A_1090 : vector<64x512xi32>
    %min3A_1100 = arith.minsi %slice3A_1091, %slice3A_1092 : vector<64x512xi32>
    %min3A_1101 = arith.minsi %min3A_1093, %min3A_1094 : vector<64x512xi32>
    %min3A_1102 = arith.minsi %min3A_1095, %min3A_1096 : vector<64x512xi32>
    %min3A_1103 = arith.minsi %min3A_1097, %min3A_1098 : vector<64x512xi32>
    %min3A_1104 = arith.minsi %min3A_1099, %min3A_1100 : vector<64x512xi32>
    %min3A_1105 = arith.minsi %min3A_1101, %min3A_1102 : vector<64x512xi32>
    %min3A_1106 = arith.minsi %min3A_1103, %min3A_1104 : vector<64x512xi32>
    %min3A_1107 = arith.minsi %min3A_1105, %min3A_1106 : vector<64x512xi32>
    %reduce_min3A_1108 = arith.constant dense<2147483647> : vector<64xi32>
    %reduce_min3A_1109 = vector.multi_reduction <minsi>, %min3A_1107, %reduce_min3A_1108 [1] : vector<64x512xi32> to vector<64xi32>
    %broadcast_in_dim3A_1110 = vector.shape_cast %reduce_min3A_1109 : vector<64xi32> to vector<64x1xi32>
    %gt3A_1111 = vector.broadcast %broadcast_in_dim3A_1110 : vector<64x1xi32> to vector<64x8192xi32>
    %gt3A_1112 = arith.cmpi sgt, %select_n3A, %gt3A_1111 : vector<64x8192xi32>
    %jit3A_1113 = arith.constant 8192 : i32
    %broadcast_in_dim3A_1114 = vector.broadcast %jit3A_1113 : i32 to vector<64x8192xi32>
    %select_n3A_1115 = arith.select %gt3A_1112, %select_n3A, %broadcast_in_dim3A_1114 : vector<64x8192xi1>, vector<64x8192xi32>
    %slice3A_1116 = vector.extract_strided_slice %select_n3A_1115 {offsets = [0, 0], sizes = [64, 512], strides = [1, 1]} : vector<64x8192xi32> to vector<64x512xi32>
    %slice3A_1117 = vector.extract_strided_slice %select_n3A_1115 {offsets = [0, 512], sizes = [64, 512], strides = [1, 1]} : vector<64x8192xi32> to vector<64x512xi32>
    %slice3A_1118 = vector.extract_strided_slice %select_n3A_1115 {offsets = [0, 1024], sizes = [64, 512], strides = [1, 1]} : vector<64x8192xi32> to vector<64x512xi32>
    %slice3A_1119 = vector.extract_strided_slice %select_n3A_1115 {offsets = [0, 1536], sizes = [64, 512], strides = [1, 1]} : vector<64x8192xi32> to vector<64x512xi32>
    %slice3A_1120 = vector.extract_strided_slice %select_n3A_1115 {offsets = [0, 2048], sizes = [64, 512], strides = [1, 1]} : vector<64x8192xi32> to vector<64x512xi32>
    %slice3A_1121 = vector.extract_strided_slice %select_n3A_1115 {offsets = [0, 2560], sizes = [64, 512], strides = [1, 1]} : vector<64x8192xi32> to vector<64x512xi32>
    %slice3A_1122 = vector.extract_strided_slice %select_n3A_1115 {offsets = [0, 3072], sizes = [64, 512], strides = [1, 1]} : vector<64x8192xi32> to vector<64x512xi32>
    %slice3A_1123 = vector.extract_strided_slice %select_n3A_1115 {offsets = [0, 3584], sizes = [64, 512], strides = [1, 1]} : vector<64x8192xi32> to vector<64x512xi32>
    %slice3A_1124 = vector.extract_strided_slice %select_n3A_1115 {offsets = [0, 4096], sizes = [64, 512], strides = [1, 1]} : vector<64x8192xi32> to vector<64x512xi32>
    %slice3A_1125 = vector.extract_strided_slice %select_n3A_1115 {offsets = [0, 4608], sizes = [64, 512], strides = [1, 1]} : vector<64x8192xi32> to vector<64x512xi32>
    %slice3A_1126 = vector.extract_strided_slice %select_n3A_1115 {offsets = [0, 5120], sizes = [64, 512], strides = [1, 1]} : vector<64x8192xi32> to vector<64x512xi32>
    %slice3A_1127 = vector.extract_strided_slice %select_n3A_1115 {offsets = [0, 5632], sizes = [64, 512], strides = [1, 1]} : vector<64x8192xi32> to vector<64x512xi32>
    %slice3A_1128 = vector.extract_strided_slice %select_n3A_1115 {offsets = [0, 6144], sizes = [64, 512], strides = [1, 1]} : vector<64x8192xi32> to vector<64x512xi32>
    %slice3A_1129 = vector.extract_strided_slice %select_n3A_1115 {offsets = [0, 6656], sizes = [64, 512], strides = [1, 1]} : vector<64x8192xi32> to vector<64x512xi32>
    %slice3A_1130 = vector.extract_strided_slice %select_n3A_1115 {offsets = [0, 7168], sizes = [64, 512], strides = [1, 1]} : vector<64x8192xi32> to vector<64x512xi32>
    %slice3A_1131 = vector.extract_strided_slice %select_n3A_1115 {offsets = [0, 7680], sizes = [64, 512], strides = [1, 1]} : vector<64x8192xi32> to vector<64x512xi32>
    %min3A_1132 = arith.minsi %slice3A_1116, %slice3A_1117 : vector<64x512xi32>
    %min3A_1133 = arith.minsi %slice3A_1118, %slice3A_1119 : vector<64x512xi32>
    %min3A_1134 = arith.minsi %slice3A_1120, %slice3A_1121 : vector<64x512xi32>
    %min3A_1135 = arith.minsi %slice3A_1122, %slice3A_1123 : vector<64x512xi32>
    %min3A_1136 = arith.minsi %slice3A_1124, %slice3A_1125 : vector<64x512xi32>
    %min3A_1137 = arith.minsi %slice3A_1126, %slice3A_1127 : vector<64x512xi32>
    %min3A_1138 = arith.minsi %slice3A_1128, %slice3A_1129 : vector<64x512xi32>
    %min3A_1139 = arith.minsi %slice3A_1130, %slice3A_1131 : vector<64x512xi32>
    %min3A_1140 = arith.minsi %min3A_1132, %min3A_1133 : vector<64x512xi32>
    %min3A_1141 = arith.minsi %min3A_1134, %min3A_1135 : vector<64x512xi32>
    %min3A_1142 = arith.minsi %min3A_1136, %min3A_1137 : vector<64x512xi32>
    %min3A_1143 = arith.minsi %min3A_1138, %min3A_1139 : vector<64x512xi32>
    %min3A_1144 = arith.minsi %min3A_1140, %min3A_1141 : vector<64x512xi32>
    %min3A_1145 = arith.minsi %min3A_1142, %min3A_1143 : vector<64x512xi32>
    %min3A_1146 = arith.minsi %min3A_1144, %min3A_1145 : vector<64x512xi32>
    %reduce_min3A_1147 = arith.constant dense<2147483647> : vector<64xi32>
    %reduce_min3A_1148 = vector.multi_reduction <minsi>, %min3A_1146, %reduce_min3A_1147 [1] : vector<64x512xi32> to vector<64xi32>
    %broadcast_in_dim3A_1149 = vector.shape_cast %reduce_min3A_1148 : vector<64xi32> to vector<64x1xi32>
    %gt3A_1150 = vector.broadcast %broadcast_in_dim3A_1149 : vector<64x1xi32> to vector<64x8192xi32>
    %gt3A_1151 = arith.cmpi sgt, %select_n3A, %gt3A_1150 : vector<64x8192xi32>
    %jit3A_1152 = arith.constant 8192 : i32
    %broadcast_in_dim3A_1153 = vector.broadcast %jit3A_1152 : i32 to vector<64x8192xi32>
    %select_n3A_1154 = arith.select %gt3A_1151, %select_n3A, %broadcast_in_dim3A_1153 : vector<64x8192xi1>, vector<64x8192xi32>
    %slice3A_1155 = vector.extract_strided_slice %select_n3A_1154 {offsets = [0, 0], sizes = [64, 512], strides = [1, 1]} : vector<64x8192xi32> to vector<64x512xi32>
    %slice3A_1156 = vector.extract_strided_slice %select_n3A_1154 {offsets = [0, 512], sizes = [64, 512], strides = [1, 1]} : vector<64x8192xi32> to vector<64x512xi32>
    %slice3A_1157 = vector.extract_strided_slice %select_n3A_1154 {offsets = [0, 1024], sizes = [64, 512], strides = [1, 1]} : vector<64x8192xi32> to vector<64x512xi32>
    %slice3A_1158 = vector.extract_strided_slice %select_n3A_1154 {offsets = [0, 1536], sizes = [64, 512], strides = [1, 1]} : vector<64x8192xi32> to vector<64x512xi32>
    %slice3A_1159 = vector.extract_strided_slice %select_n3A_1154 {offsets = [0, 2048], sizes = [64, 512], strides = [1, 1]} : vector<64x8192xi32> to vector<64x512xi32>
    %slice3A_1160 = vector.extract_strided_slice %select_n3A_1154 {offsets = [0, 2560], sizes = [64, 512], strides = [1, 1]} : vector<64x8192xi32> to vector<64x512xi32>
    %slice3A_1161 = vector.extract_strided_slice %select_n3A_1154 {offsets = [0, 3072], sizes = [64, 512], strides = [1, 1]} : vector<64x8192xi32> to vector<64x512xi32>
    %slice3A_1162 = vector.extract_strided_slice %select_n3A_1154 {offsets = [0, 3584], sizes = [64, 512], strides = [1, 1]} : vector<64x8192xi32> to vector<64x512xi32>
    %slice3A_1163 = vector.extract_strided_slice %select_n3A_1154 {offsets = [0, 4096], sizes = [64, 512], strides = [1, 1]} : vector<64x8192xi32> to vector<64x512xi32>
    %slice3A_1164 = vector.extract_strided_slice %select_n3A_1154 {offsets = [0, 4608], sizes = [64, 512], strides = [1, 1]} : vector<64x8192xi32> to vector<64x512xi32>
    %slice3A_1165 = vector.extract_strided_slice %select_n3A_1154 {offsets = [0, 5120], sizes = [64, 512], strides = [1, 1]} : vector<64x8192xi32> to vector<64x512xi32>
    %slice3A_1166 = vector.extract_strided_slice %select_n3A_1154 {offsets = [0, 5632], sizes = [64, 512], strides = [1, 1]} : vector<64x8192xi32> to vector<64x512xi32>
    %slice3A_1167 = vector.extract_strided_slice %select_n3A_1154 {offsets = [0, 6144], sizes = [64, 512], strides = [1, 1]} : vector<64x8192xi32> to vector<64x512xi32>
    %slice3A_1168 = vector.extract_strided_slice %select_n3A_1154 {offsets = [0, 6656], sizes = [64, 512], strides = [1, 1]} : vector<64x8192xi32> to vector<64x512xi32>
    %slice3A_1169 = vector.extract_strided_slice %select_n3A_1154 {offsets = [0, 7168], sizes = [64, 512], strides = [1, 1]} : vector<64x8192xi32> to vector<64x512xi32>
    %slice3A_1170 = vector.extract_strided_slice %select_n3A_1154 {offsets = [0, 7680], sizes = [64, 512], strides = [1, 1]} : vector<64x8192xi32> to vector<64x512xi32>
    %min3A_1171 = arith.minsi %slice3A_1155, %slice3A_1156 : vector<64x512xi32>
    %min3A_1172 = arith.minsi %slice3A_1157, %slice3A_1158 : vector<64x512xi32>
    %min3A_1173 = arith.minsi %slice3A_1159, %slice3A_1160 : vector<64x512xi32>
    %min3A_1174 = arith.minsi %slice3A_1161, %slice3A_1162 : vector<64x512xi32>
    %min3A_1175 = arith.minsi %slice3A_1163, %slice3A_1164 : vector<64x512xi32>
    %min3A_1176 = arith.minsi %slice3A_1165, %slice3A_1166 : vector<64x512xi32>
    %min3A_1177 = arith.minsi %slice3A_1167, %slice3A_1168 : vector<64x512xi32>
    %min3A_1178 = arith.minsi %slice3A_1169, %slice3A_1170 : vector<64x512xi32>
    %min3A_1179 = arith.minsi %min3A_1171, %min3A_1172 : vector<64x512xi32>
    %min3A_1180 = arith.minsi %min3A_1173, %min3A_1174 : vector<64x512xi32>
    %min3A_1181 = arith.minsi %min3A_1175, %min3A_1176 : vector<64x512xi32>
    %min3A_1182 = arith.minsi %min3A_1177, %min3A_1178 : vector<64x512xi32>
    %min3A_1183 = arith.minsi %min3A_1179, %min3A_1180 : vector<64x512xi32>
    %min3A_1184 = arith.minsi %min3A_1181, %min3A_1182 : vector<64x512xi32>
    %min3A_1185 = arith.minsi %min3A_1183, %min3A_1184 : vector<64x512xi32>
    %reduce_min3A_1186 = arith.constant dense<2147483647> : vector<64xi32>
    %reduce_min3A_1187 = vector.multi_reduction <minsi>, %min3A_1185, %reduce_min3A_1186 [1] : vector<64x512xi32> to vector<64xi32>
    %broadcast_in_dim3A_1188 = vector.shape_cast %reduce_min3A_1187 : vector<64xi32> to vector<64x1xi32>
    %gt3A_1189 = vector.broadcast %broadcast_in_dim3A_1188 : vector<64x1xi32> to vector<64x8192xi32>
    %gt3A_1190 = arith.cmpi sgt, %select_n3A, %gt3A_1189 : vector<64x8192xi32>
    %jit3A_1191 = arith.constant 8192 : i32
    %broadcast_in_dim3A_1192 = vector.broadcast %jit3A_1191 : i32 to vector<64x8192xi32>
    %select_n3A_1193 = arith.select %gt3A_1190, %select_n3A, %broadcast_in_dim3A_1192 : vector<64x8192xi1>, vector<64x8192xi32>
    %slice3A_1194 = vector.extract_strided_slice %select_n3A_1193 {offsets = [0, 0], sizes = [64, 512], strides = [1, 1]} : vector<64x8192xi32> to vector<64x512xi32>
    %slice3A_1195 = vector.extract_strided_slice %select_n3A_1193 {offsets = [0, 512], sizes = [64, 512], strides = [1, 1]} : vector<64x8192xi32> to vector<64x512xi32>
    %slice3A_1196 = vector.extract_strided_slice %select_n3A_1193 {offsets = [0, 1024], sizes = [64, 512], strides = [1, 1]} : vector<64x8192xi32> to vector<64x512xi32>
    %slice3A_1197 = vector.extract_strided_slice %select_n3A_1193 {offsets = [0, 1536], sizes = [64, 512], strides = [1, 1]} : vector<64x8192xi32> to vector<64x512xi32>
    %slice3A_1198 = vector.extract_strided_slice %select_n3A_1193 {offsets = [0, 2048], sizes = [64, 512], strides = [1, 1]} : vector<64x8192xi32> to vector<64x512xi32>
    %slice3A_1199 = vector.extract_strided_slice %select_n3A_1193 {offsets = [0, 2560], sizes = [64, 512], strides = [1, 1]} : vector<64x8192xi32> to vector<64x512xi32>
    %slice3A_1200 = vector.extract_strided_slice %select_n3A_1193 {offsets = [0, 3072], sizes = [64, 512], strides = [1, 1]} : vector<64x8192xi32> to vector<64x512xi32>
    %slice3A_1201 = vector.extract_strided_slice %select_n3A_1193 {offsets = [0, 3584], sizes = [64, 512], strides = [1, 1]} : vector<64x8192xi32> to vector<64x512xi32>
    %slice3A_1202 = vector.extract_strided_slice %select_n3A_1193 {offsets = [0, 4096], sizes = [64, 512], strides = [1, 1]} : vector<64x8192xi32> to vector<64x512xi32>
    %slice3A_1203 = vector.extract_strided_slice %select_n3A_1193 {offsets = [0, 4608], sizes = [64, 512], strides = [1, 1]} : vector<64x8192xi32> to vector<64x512xi32>
    %slice3A_1204 = vector.extract_strided_slice %select_n3A_1193 {offsets = [0, 5120], sizes = [64, 512], strides = [1, 1]} : vector<64x8192xi32> to vector<64x512xi32>
    %slice3A_1205 = vector.extract_strided_slice %select_n3A_1193 {offsets = [0, 5632], sizes = [64, 512], strides = [1, 1]} : vector<64x8192xi32> to vector<64x512xi32>
    %slice3A_1206 = vector.extract_strided_slice %select_n3A_1193 {offsets = [0, 6144], sizes = [64, 512], strides = [1, 1]} : vector<64x8192xi32> to vector<64x512xi32>
    %slice3A_1207 = vector.extract_strided_slice %select_n3A_1193 {offsets = [0, 6656], sizes = [64, 512], strides = [1, 1]} : vector<64x8192xi32> to vector<64x512xi32>
    %slice3A_1208 = vector.extract_strided_slice %select_n3A_1193 {offsets = [0, 7168], sizes = [64, 512], strides = [1, 1]} : vector<64x8192xi32> to vector<64x512xi32>
    %slice3A_1209 = vector.extract_strided_slice %select_n3A_1193 {offsets = [0, 7680], sizes = [64, 512], strides = [1, 1]} : vector<64x8192xi32> to vector<64x512xi32>
    %min3A_1210 = arith.minsi %slice3A_1194, %slice3A_1195 : vector<64x512xi32>
    %min3A_1211 = arith.minsi %slice3A_1196, %slice3A_1197 : vector<64x512xi32>
    %min3A_1212 = arith.minsi %slice3A_1198, %slice3A_1199 : vector<64x512xi32>
    %min3A_1213 = arith.minsi %slice3A_1200, %slice3A_1201 : vector<64x512xi32>
    %min3A_1214 = arith.minsi %slice3A_1202, %slice3A_1203 : vector<64x512xi32>
    %min3A_1215 = arith.minsi %slice3A_1204, %slice3A_1205 : vector<64x512xi32>
    %min3A_1216 = arith.minsi %slice3A_1206, %slice3A_1207 : vector<64x512xi32>
    %min3A_1217 = arith.minsi %slice3A_1208, %slice3A_1209 : vector<64x512xi32>
    %min3A_1218 = arith.minsi %min3A_1210, %min3A_1211 : vector<64x512xi32>
    %min3A_1219 = arith.minsi %min3A_1212, %min3A_1213 : vector<64x512xi32>
    %min3A_1220 = arith.minsi %min3A_1214, %min3A_1215 : vector<64x512xi32>
    %min3A_1221 = arith.minsi %min3A_1216, %min3A_1217 : vector<64x512xi32>
    %min3A_1222 = arith.minsi %min3A_1218, %min3A_1219 : vector<64x512xi32>
    %min3A_1223 = arith.minsi %min3A_1220, %min3A_1221 : vector<64x512xi32>
    %min3A_1224 = arith.minsi %min3A_1222, %min3A_1223 : vector<64x512xi32>
    %reduce_min3A_1225 = arith.constant dense<2147483647> : vector<64xi32>
    %reduce_min3A_1226 = vector.multi_reduction <minsi>, %min3A_1224, %reduce_min3A_1225 [1] : vector<64x512xi32> to vector<64xi32>
    %broadcast_in_dim3A_1227 = vector.shape_cast %reduce_min3A_1226 : vector<64xi32> to vector<64x1xi32>
    %gt3A_1228 = vector.broadcast %broadcast_in_dim3A_1227 : vector<64x1xi32> to vector<64x8192xi32>
    %gt3A_1229 = arith.cmpi sgt, %select_n3A, %gt3A_1228 : vector<64x8192xi32>
    %jit3A_1230 = arith.constant 8192 : i32
    %broadcast_in_dim3A_1231 = vector.broadcast %jit3A_1230 : i32 to vector<64x8192xi32>
    %select_n3A_1232 = arith.select %gt3A_1229, %select_n3A, %broadcast_in_dim3A_1231 : vector<64x8192xi1>, vector<64x8192xi32>
    %slice3A_1233 = vector.extract_strided_slice %select_n3A_1232 {offsets = [0, 0], sizes = [64, 512], strides = [1, 1]} : vector<64x8192xi32> to vector<64x512xi32>
    %slice3A_1234 = vector.extract_strided_slice %select_n3A_1232 {offsets = [0, 512], sizes = [64, 512], strides = [1, 1]} : vector<64x8192xi32> to vector<64x512xi32>
    %slice3A_1235 = vector.extract_strided_slice %select_n3A_1232 {offsets = [0, 1024], sizes = [64, 512], strides = [1, 1]} : vector<64x8192xi32> to vector<64x512xi32>
    %slice3A_1236 = vector.extract_strided_slice %select_n3A_1232 {offsets = [0, 1536], sizes = [64, 512], strides = [1, 1]} : vector<64x8192xi32> to vector<64x512xi32>
    %slice3A_1237 = vector.extract_strided_slice %select_n3A_1232 {offsets = [0, 2048], sizes = [64, 512], strides = [1, 1]} : vector<64x8192xi32> to vector<64x512xi32>
    %slice3A_1238 = vector.extract_strided_slice %select_n3A_1232 {offsets = [0, 2560], sizes = [64, 512], strides = [1, 1]} : vector<64x8192xi32> to vector<64x512xi32>
    %slice3A_1239 = vector.extract_strided_slice %select_n3A_1232 {offsets = [0, 3072], sizes = [64, 512], strides = [1, 1]} : vector<64x8192xi32> to vector<64x512xi32>
    %slice3A_1240 = vector.extract_strided_slice %select_n3A_1232 {offsets = [0, 3584], sizes = [64, 512], strides = [1, 1]} : vector<64x8192xi32> to vector<64x512xi32>
    %slice3A_1241 = vector.extract_strided_slice %select_n3A_1232 {offsets = [0, 4096], sizes = [64, 512], strides = [1, 1]} : vector<64x8192xi32> to vector<64x512xi32>
    %slice3A_1242 = vector.extract_strided_slice %select_n3A_1232 {offsets = [0, 4608], sizes = [64, 512], strides = [1, 1]} : vector<64x8192xi32> to vector<64x512xi32>
    %slice3A_1243 = vector.extract_strided_slice %select_n3A_1232 {offsets = [0, 5120], sizes = [64, 512], strides = [1, 1]} : vector<64x8192xi32> to vector<64x512xi32>
    %slice3A_1244 = vector.extract_strided_slice %select_n3A_1232 {offsets = [0, 5632], sizes = [64, 512], strides = [1, 1]} : vector<64x8192xi32> to vector<64x512xi32>
    %slice3A_1245 = vector.extract_strided_slice %select_n3A_1232 {offsets = [0, 6144], sizes = [64, 512], strides = [1, 1]} : vector<64x8192xi32> to vector<64x512xi32>
    %slice3A_1246 = vector.extract_strided_slice %select_n3A_1232 {offsets = [0, 6656], sizes = [64, 512], strides = [1, 1]} : vector<64x8192xi32> to vector<64x512xi32>
    %slice3A_1247 = vector.extract_strided_slice %select_n3A_1232 {offsets = [0, 7168], sizes = [64, 512], strides = [1, 1]} : vector<64x8192xi32> to vector<64x512xi32>
    %slice3A_1248 = vector.extract_strided_slice %select_n3A_1232 {offsets = [0, 7680], sizes = [64, 512], strides = [1, 1]} : vector<64x8192xi32> to vector<64x512xi32>
    %min3A_1249 = arith.minsi %slice3A_1233, %slice3A_1234 : vector<64x512xi32>
    %min3A_1250 = arith.minsi %slice3A_1235, %slice3A_1236 : vector<64x512xi32>
    %min3A_1251 = arith.minsi %slice3A_1237, %slice3A_1238 : vector<64x512xi32>
    %min3A_1252 = arith.minsi %slice3A_1239, %slice3A_1240 : vector<64x512xi32>
    %min3A_1253 = arith.minsi %slice3A_1241, %slice3A_1242 : vector<64x512xi32>
    %min3A_1254 = arith.minsi %slice3A_1243, %slice3A_1244 : vector<64x512xi32>
    %min3A_1255 = arith.minsi %slice3A_1245, %slice3A_1246 : vector<64x512xi32>
    %min3A_1256 = arith.minsi %slice3A_1247, %slice3A_1248 : vector<64x512xi32>
    %min3A_1257 = arith.minsi %min3A_1249, %min3A_1250 : vector<64x512xi32>
    %min3A_1258 = arith.minsi %min3A_1251, %min3A_1252 : vector<64x512xi32>
    %min3A_1259 = arith.minsi %min3A_1253, %min3A_1254 : vector<64x512xi32>
    %min3A_1260 = arith.minsi %min3A_1255, %min3A_1256 : vector<64x512xi32>
    %min3A_1261 = arith.minsi %min3A_1257, %min3A_1258 : vector<64x512xi32>
    %min3A_1262 = arith.minsi %min3A_1259, %min3A_1260 : vector<64x512xi32>
    %min3A_1263 = arith.minsi %min3A_1261, %min3A_1262 : vector<64x512xi32>
    %reduce_min3A_1264 = arith.constant dense<2147483647> : vector<64xi32>
    %reduce_min3A_1265 = vector.multi_reduction <minsi>, %min3A_1263, %reduce_min3A_1264 [1] : vector<64x512xi32> to vector<64xi32>
    %broadcast_in_dim3A_1266 = vector.shape_cast %reduce_min3A_1265 : vector<64xi32> to vector<64x1xi32>
    %gt3A_1267 = vector.broadcast %broadcast_in_dim3A_1266 : vector<64x1xi32> to vector<64x8192xi32>
    %gt3A_1268 = arith.cmpi sgt, %select_n3A, %gt3A_1267 : vector<64x8192xi32>
    %jit3A_1269 = arith.constant 8192 : i32
    %broadcast_in_dim3A_1270 = vector.broadcast %jit3A_1269 : i32 to vector<64x8192xi32>
    %select_n3A_1271 = arith.select %gt3A_1268, %select_n3A, %broadcast_in_dim3A_1270 : vector<64x8192xi1>, vector<64x8192xi32>
    %slice3A_1272 = vector.extract_strided_slice %select_n3A_1271 {offsets = [0, 0], sizes = [64, 512], strides = [1, 1]} : vector<64x8192xi32> to vector<64x512xi32>
    %slice3A_1273 = vector.extract_strided_slice %select_n3A_1271 {offsets = [0, 512], sizes = [64, 512], strides = [1, 1]} : vector<64x8192xi32> to vector<64x512xi32>
    %slice3A_1274 = vector.extract_strided_slice %select_n3A_1271 {offsets = [0, 1024], sizes = [64, 512], strides = [1, 1]} : vector<64x8192xi32> to vector<64x512xi32>
    %slice3A_1275 = vector.extract_strided_slice %select_n3A_1271 {offsets = [0, 1536], sizes = [64, 512], strides = [1, 1]} : vector<64x8192xi32> to vector<64x512xi32>
    %slice3A_1276 = vector.extract_strided_slice %select_n3A_1271 {offsets = [0, 2048], sizes = [64, 512], strides = [1, 1]} : vector<64x8192xi32> to vector<64x512xi32>
    %slice3A_1277 = vector.extract_strided_slice %select_n3A_1271 {offsets = [0, 2560], sizes = [64, 512], strides = [1, 1]} : vector<64x8192xi32> to vector<64x512xi32>
    %slice3A_1278 = vector.extract_strided_slice %select_n3A_1271 {offsets = [0, 3072], sizes = [64, 512], strides = [1, 1]} : vector<64x8192xi32> to vector<64x512xi32>
    %slice3A_1279 = vector.extract_strided_slice %select_n3A_1271 {offsets = [0, 3584], sizes = [64, 512], strides = [1, 1]} : vector<64x8192xi32> to vector<64x512xi32>
    %slice3A_1280 = vector.extract_strided_slice %select_n3A_1271 {offsets = [0, 4096], sizes = [64, 512], strides = [1, 1]} : vector<64x8192xi32> to vector<64x512xi32>
    %slice3A_1281 = vector.extract_strided_slice %select_n3A_1271 {offsets = [0, 4608], sizes = [64, 512], strides = [1, 1]} : vector<64x8192xi32> to vector<64x512xi32>
    %slice3A_1282 = vector.extract_strided_slice %select_n3A_1271 {offsets = [0, 5120], sizes = [64, 512], strides = [1, 1]} : vector<64x8192xi32> to vector<64x512xi32>
    %slice3A_1283 = vector.extract_strided_slice %select_n3A_1271 {offsets = [0, 5632], sizes = [64, 512], strides = [1, 1]} : vector<64x8192xi32> to vector<64x512xi32>
    %slice3A_1284 = vector.extract_strided_slice %select_n3A_1271 {offsets = [0, 6144], sizes = [64, 512], strides = [1, 1]} : vector<64x8192xi32> to vector<64x512xi32>
    %slice3A_1285 = vector.extract_strided_slice %select_n3A_1271 {offsets = [0, 6656], sizes = [64, 512], strides = [1, 1]} : vector<64x8192xi32> to vector<64x512xi32>
    %slice3A_1286 = vector.extract_strided_slice %select_n3A_1271 {offsets = [0, 7168], sizes = [64, 512], strides = [1, 1]} : vector<64x8192xi32> to vector<64x512xi32>
    %slice3A_1287 = vector.extract_strided_slice %select_n3A_1271 {offsets = [0, 7680], sizes = [64, 512], strides = [1, 1]} : vector<64x8192xi32> to vector<64x512xi32>
    %min3A_1288 = arith.minsi %slice3A_1272, %slice3A_1273 : vector<64x512xi32>
    %min3A_1289 = arith.minsi %slice3A_1274, %slice3A_1275 : vector<64x512xi32>
    %min3A_1290 = arith.minsi %slice3A_1276, %slice3A_1277 : vector<64x512xi32>
    %min3A_1291 = arith.minsi %slice3A_1278, %slice3A_1279 : vector<64x512xi32>
    %min3A_1292 = arith.minsi %slice3A_1280, %slice3A_1281 : vector<64x512xi32>
    %min3A_1293 = arith.minsi %slice3A_1282, %slice3A_1283 : vector<64x512xi32>
    %min3A_1294 = arith.minsi %slice3A_1284, %slice3A_1285 : vector<64x512xi32>
    %min3A_1295 = arith.minsi %slice3A_1286, %slice3A_1287 : vector<64x512xi32>
    %min3A_1296 = arith.minsi %min3A_1288, %min3A_1289 : vector<64x512xi32>
    %min3A_1297 = arith.minsi %min3A_1290, %min3A_1291 : vector<64x512xi32>
    %min3A_1298 = arith.minsi %min3A_1292, %min3A_1293 : vector<64x512xi32>
    %min3A_1299 = arith.minsi %min3A_1294, %min3A_1295 : vector<64x512xi32>
    %min3A_1300 = arith.minsi %min3A_1296, %min3A_1297 : vector<64x512xi32>
    %min3A_1301 = arith.minsi %min3A_1298, %min3A_1299 : vector<64x512xi32>
    %min3A_1302 = arith.minsi %min3A_1300, %min3A_1301 : vector<64x512xi32>
    %reduce_min3A_1303 = arith.constant dense<2147483647> : vector<64xi32>
    %reduce_min3A_1304 = vector.multi_reduction <minsi>, %min3A_1302, %reduce_min3A_1303 [1] : vector<64x512xi32> to vector<64xi32>
    %broadcast_in_dim3A_1305 = vector.shape_cast %reduce_min3A_1304 : vector<64xi32> to vector<64x1xi32>
    %concatenate3A = tpu.concatenate %broadcast_in_dim3A_97, %broadcast_in_dim3A_135, %broadcast_in_dim3A_174, %broadcast_in_dim3A_213, %broadcast_in_dim3A_252, %broadcast_in_dim3A_291, %broadcast_in_dim3A_330, %broadcast_in_dim3A_369, %broadcast_in_dim3A_408, %broadcast_in_dim3A_447, %broadcast_in_dim3A_486, %broadcast_in_dim3A_525, %broadcast_in_dim3A_564, %broadcast_in_dim3A_603, %broadcast_in_dim3A_642, %broadcast_in_dim3A_681, %broadcast_in_dim3A_720, %broadcast_in_dim3A_759, %broadcast_in_dim3A_798, %broadcast_in_dim3A_837, %broadcast_in_dim3A_876, %broadcast_in_dim3A_915, %broadcast_in_dim3A_954, %broadcast_in_dim3A_993, %broadcast_in_dim3A_1032, %broadcast_in_dim3A_1071, %broadcast_in_dim3A_1110, %broadcast_in_dim3A_1149, %broadcast_in_dim3A_1188, %broadcast_in_dim3A_1227, %broadcast_in_dim3A_1266, %broadcast_in_dim3A_1305 in 1 : vector<64x1xi32>, vector<64x1xi32>, vector<64x1xi32>, vector<64x1xi32>, vector<64x1xi32>, vector<64x1xi32>, vector<64x1xi32>, vector<64x1xi32>, vector<64x1xi32>, vector<64x1xi32>, vector<64x1xi32>, vector<64x1xi32>, vector<64x1xi32>, vector<64x1xi32>, vector<64x1xi32>, vector<64x1xi32>, vector<64x1xi32>, vector<64x1xi32>, vector<64x1xi32>, vector<64x1xi32>, vector<64x1xi32>, vector<64x1xi32>, vector<64x1xi32>, vector<64x1xi32>, vector<64x1xi32>, vector<64x1xi32>, vector<64x1xi32>, vector<64x1xi32>, vector<64x1xi32>, vector<64x1xi32>, vector<64x1xi32>, vector<64x1xi32> -> vector<64x32xi32>
    %eq3A = arith.constant 8192 : i32
    %eq3A_1306 = vector.broadcast %eq3A : i32 to vector<64x32xi32>
    %eq3A_1307 = arith.cmpi eq, %concatenate3A, %eq3A_1306 : vector<64x32xi32>
    %slice3A_1308 = vector.extract_strided_slice %concatenate3A {offsets = [0, 0], sizes = [64, 1], strides = [1, 1]} : vector<64x32xi32> to vector<64x1xi32>
    %broadcast_in_dim3A_1309 = vector.shape_cast %slice3A_1308 : vector<64x1xi32> to vector<64x1xi32>
    %broadcast_in_dim3A_1310 = vector.broadcast %broadcast_in_dim3A_1309 : vector<64x1xi32> to vector<64x32xi32>
    %select_n3A_1311 = arith.select %eq3A_1307, %broadcast_in_dim3A_1310, %concatenate3A : vector<64x32xi1>, vector<64x32xi32>
    %min3A_1312 = arith.constant 8191 : i32
    %min3A_1313 = vector.broadcast %min3A_1312 : i32 to vector<64x32xi32>
    %min3A_1314 = arith.minsi %select_n3A_1311, %min3A_1313 : vector<64x32xi32>
    %mul3A_1315 = arith.constant 8192 : i32
    %mul3A_1316 = arith.muli %arg0, %mul3A_1315 : i32
    %add3A_1317 = vector.broadcast %mul3A_1316 : i32 to vector<64x32xi32>
    %add3A_1318 = arith.addi %min3A_1314, %add3A_1317 : vector<64x32xi32>
    %swap3A = arith.constant 0 : index
    %swap3A_1319 = arith.constant 0 : index
    %swap3A_1320 = arith.constant 0 : index
    %swap3A_1321 = vector.load %arg4[%swap3A, %swap3A_1319, %swap3A_1320] : memref<1x64x32xi32, #tpu.memory_space<vmem>>, vector<1x64x32xi32>
    %swap3A_1322 = vector.shape_cast %swap3A_1321 : vector<1x64x32xi32> to vector<64x32xi32>
    %swap3A_1323 = vector.shape_cast %add3A_1318 : vector<64x32xi32> to vector<1x64x32xi32>
    tpu.vector_store %arg4[%swap3A, %swap3A_1319, %swap3A_1320], %swap3A_1323 {strides = array<i32>} : memref<1x64x32xi32, #tpu.memory_space<vmem>>, vector<1x64x32xi32>,
    return
  }
  func.func @transform_0(%arg0: i32, %arg1: i32) -> (i32, i32, i32) {
    %c0_i32 = arith.constant 0 : i32
    %c0_i32_0 = arith.constant 0 : i32
    %c0_i32_1 = arith.constant 0 : i32
    return %arg0, %c0_i32, %c0_i32_0 : i32, i32, i32
  }
  func.func @transform_1(%arg0: i32, %arg1: i32) -> (i32, i32, i32) {
    %c0_i32 = arith.constant 0 : i32
    %c0_i32_0 = arith.constant 0 : i32
    return %arg0, %arg1, %c0_i32 : i32, i32, i32
  }
  func.func @transform_2(%arg0: i32, %arg1: i32) -> (i32, i32, i32) {
    %c0_i32 = arith.constant 0 : i32
    %c0_i32_0 = arith.constant 0 : i32
    return %arg0, %arg1, %c0_i32 : i32, i32, i32
  }
}

module attributes {stable_mosaic.version = 14 : i64} {
  func.func @_mlp1_body(%arg0: i32, %arg1: memref<512x128xf32, #tpu.memory_space<vmem>>, %arg2: memref<16x3xf32, #tpu.memory_space<vmem>>, %arg3: memref<32x32xf32, #tpu.memory_space<vmem>>, %arg4: memref<1x32xf32, #tpu.memory_space<vmem>>, %arg5: memref<512x32xf32, #tpu.memory_space<vmem>>, %arg6: memref<8x32xf32, #tpu.memory_space<vmem>>, %arg7: memref<8x32xf32, #tpu.memory_space<vmem>>) attributes {dimension_semantics = [#tpu.dimension_semantics<arbitrary>], iteration_bounds = array<i64: 512>, scalar_prefetch = 0 : i64, scratch_operands = 1 : i64, tpu.core_type = #tpu.core_type<tc>, window_params = [{transform_indices = @transform_0, window_bounds = array<i64: 512, 128>}, {transform_indices = @transform_1, window_bounds = array<i64: 16, 3>}, {pipeline_mode = #tpu.pipeline_mode<synchronous>, transform_indices = @transform_2, window_bounds = array<i64: 32, 32>}, {pipeline_mode = #tpu.pipeline_mode<synchronous>, transform_indices = @transform_3, window_bounds = array<i64: 1, 32>}, {transform_indices = @transform_4, window_bounds = array<i64: 512, 32>}, {pipeline_mode = #tpu.pipeline_mode<synchronous>, transform_indices = @transform_5, window_bounds = array<i64: 8, 32>}]} {
    %eq3A = arith.constant 0 : i32
    %eq3A_0 = arith.cmpi eq, %arg0, %eq3A : i32
    %convert_element_type3A = arith.extui %eq3A_0 : i1 to i32
    %cond3A = arith.constant 0 : i32
    %cond3A_1 = arith.cmpi ne, %convert_element_type3A, %cond3A : i32
    scf.if %cond3A_1 {
      %broadcast_in_dim3A_47 = arith.constant 0.000000e+00 : f32
      %broadcast_in_dim3A_48 = vector.broadcast %broadcast_in_dim3A_47 : f32 to vector<8x32xf32>
      %swap3A_49 = arith.constant 0 : index
      %swap3A_50 = arith.constant 0 : index
      %swap3A_51 = vector.load %arg7[%swap3A_49, %swap3A_50] : memref<8x32xf32, #tpu.memory_space<vmem>>, vector<8x32xf32>
      tpu.vector_store %arg7[%swap3A_49, %swap3A_50], %broadcast_in_dim3A_48 {strides = array<i32>} : memref<8x32xf32, #tpu.memory_space<vmem>>, vector<8x32xf32>,
    } else {
    }
    %get3A = arith.constant 0 : index
    %get3A_2 = arith.constant 0 : index
    %get3A_3 = vector.load %arg1[%get3A, %get3A_2] : memref<512x128xf32, #tpu.memory_space<vmem>>, vector<512x128xf32>
    %slice3A = vector.extract_strided_slice %get3A_3 {offsets = [0, 0], sizes = [512, 32], strides = [1, 1]} : vector<512x128xf32> to vector<512x32xf32>
    %get3A_4 = arith.constant 0 : index
    %get3A_5 = arith.constant 0 : index
    %get3A_6 = vector.load %arg2[%get3A_4, %get3A_5] : memref<16x3xf32, #tpu.memory_space<vmem>>, vector<16x3xf32>
    %broadcast_in_dim3A = vector.shape_cast %get3A_6 : vector<16x3xf32> to vector<16x1x3xf32>
    %broadcast_in_dim3A_7 = vector.shape_cast %broadcast_in_dim3A : vector<16x1x3xf32> to vector<16x1x3xf32>
    %broadcast_in_dim3A_8 = vector.broadcast %broadcast_in_dim3A_7 : vector<16x1x3xf32> to vector<16x32x3xf32>
    %reshape3A = vector.shape_cast %broadcast_in_dim3A_8 : vector<16x32x3xf32> to vector<512x3xf32>
    %slice3A_9 = vector.extract_strided_slice %slice3A {offsets = [0, 0], sizes = [512, 3], strides = [1, 1]} : vector<512x32xf32> to vector<512x3xf32>
    %sub3A = arith.subf %slice3A_9, %reshape3A : vector<512x3xf32>
    %slice3A_10 = vector.extract_strided_slice %slice3A {offsets = [0, 3], sizes = [512, 29], strides = [1, 1]} : vector<512x32xf32> to vector<512x29xf32>
    %concatenate3A = tpu.concatenate %sub3A, %slice3A_10 in 1 : vector<512x3xf32>, vector<512x29xf32> -> vector<512x32xf32>
    %convert_element_type3A_11 = arith.truncf %concatenate3A : vector<512x32xf32> to vector<512x32xbf16>
    %get3A_12 = arith.constant 0 : index
    %get3A_13 = arith.constant 0 : index
    %get3A_14 = vector.load %arg3[%get3A_12, %get3A_13] : memref<32x32xf32, #tpu.memory_space<vmem>>, vector<32x32xf32>
    %convert_element_type3A_15 = arith.truncf %get3A_14 : vector<32x32xf32> to vector<32x32xbf16>
    %dot_general3A = arith.constant dense<0.000000e+00> : vector<512x32xf32>
    %dot_general3A_16 = tpu.matmul %convert_element_type3A_11, %convert_element_type3A_15, %dot_general3A {dimension_numbers = #tpu.dot_dimension_numbers<[1], [0], [0], [1], [0, 0, 1, 1], [], []>, transpose_lhs_hint = false} : vector<512x32xbf16>, vector<32x32xbf16>, vector<512x32xf32> -> vector<512x32xf32>
    %get3A_17 = arith.constant 0 : index
    %get3A_18 = arith.constant 0 : index
    %get3A_19 = vector.load %arg4[%get3A_17, %get3A_18] : memref<1x32xf32, #tpu.memory_space<vmem>>, vector<1x32xf32>
    %add3A = vector.broadcast %get3A_19 : vector<1x32xf32> to vector<512x32xf32>
    %add3A_20 = arith.addf %dot_general3A_16, %add3A : vector<512x32xf32>
    %swap3A = arith.constant 0 : index
    %swap3A_21 = arith.constant 0 : index
    %swap3A_22 = vector.load %arg5[%swap3A, %swap3A_21] : memref<512x32xf32, #tpu.memory_space<vmem>>, vector<512x32xf32>
    tpu.vector_store %arg5[%swap3A, %swap3A_21], %add3A_20 {strides = array<i32>} : memref<512x32xf32, #tpu.memory_space<vmem>>, vector<512x32xf32>,
    %get3A_23 = arith.constant 0 : index
    %get3A_24 = arith.constant 0 : index
    %get3A_25 = vector.load %arg7[%get3A_23, %get3A_24] : memref<8x32xf32, #tpu.memory_space<vmem>>, vector<1x32xf32>
    %reduce_sum3A = arith.constant dense<0.000000e+00> : vector<32xf32>
    %reduce_sum3A_26 = vector.multi_reduction <add>, %add3A_20, %reduce_sum3A [0] : vector<512x32xf32> to vector<32xf32>
    %broadcast_in_dim3A_27 = vector.shape_cast %reduce_sum3A_26 : vector<32xf32> to vector<1x32xf32>
    %add3A_28 = arith.addf %get3A_25, %broadcast_in_dim3A_27 : vector<1x32xf32>
    %swap3A_29 = arith.constant 0 : index
    %swap3A_30 = arith.constant 0 : index
    %swap3A_31 = vector.load %arg7[%swap3A_29, %swap3A_30] : memref<8x32xf32, #tpu.memory_space<vmem>>, vector<1x32xf32>
    tpu.vector_store %arg7[%swap3A_29, %swap3A_30], %add3A_28 {strides = array<i32>} : memref<8x32xf32, #tpu.memory_space<vmem>>, vector<1x32xf32>,
    %get3A_32 = arith.constant 1 : index
    %get3A_33 = arith.constant 0 : index
    %get3A_34 = vector.load %arg7[%get3A_32, %get3A_33] : memref<8x32xf32, #tpu.memory_space<vmem>>, vector<1x32xf32>
    %mul3A = arith.mulf %add3A_20, %add3A_20 : vector<512x32xf32>
    %reduce_sum3A_35 = arith.constant dense<0.000000e+00> : vector<32xf32>
    %reduce_sum3A_36 = vector.multi_reduction <add>, %mul3A, %reduce_sum3A_35 [0] : vector<512x32xf32> to vector<32xf32>
    %broadcast_in_dim3A_37 = vector.shape_cast %reduce_sum3A_36 : vector<32xf32> to vector<1x32xf32>
    %add3A_38 = arith.addf %get3A_34, %broadcast_in_dim3A_37 : vector<1x32xf32>
    %swap3A_39 = arith.constant 1 : index
    %swap3A_40 = arith.constant 0 : index
    %swap3A_41 = vector.load %arg7[%swap3A_39, %swap3A_40] : memref<8x32xf32, #tpu.memory_space<vmem>>, vector<1x32xf32>
    tpu.vector_store %arg7[%swap3A_39, %swap3A_40], %add3A_38 {strides = array<i32>} : memref<8x32xf32, #tpu.memory_space<vmem>>, vector<1x32xf32>,
    %eq3A_42 = arith.constant 511 : i32
    %eq3A_43 = arith.cmpi eq, %arg0, %eq3A_42 : i32
    %convert_element_type3A_44 = arith.extui %eq3A_43 : i1 to i32
    %cond3A_45 = arith.constant 0 : i32
    %cond3A_46 = arith.cmpi ne, %convert_element_type3A_44, %cond3A_45 : i32
    scf.if %cond3A_46 {
      %get3A_47 = arith.constant 0 : index
      %get3A_48 = arith.constant 0 : index
      %get3A_49 = vector.load %arg7[%get3A_47, %get3A_48] : memref<8x32xf32, #tpu.memory_space<vmem>>, vector<8x32xf32>
      %swap3A_50 = arith.constant 0 : index
      %swap3A_51 = arith.constant 0 : index
      %swap3A_52 = vector.load %arg6[%swap3A_50, %swap3A_51] : memref<8x32xf32, #tpu.memory_space<vmem>>, vector<8x32xf32>
      tpu.vector_store %arg6[%swap3A_50, %swap3A_51], %get3A_49 {strides = array<i32>} : memref<8x32xf32, #tpu.memory_space<vmem>>, vector<8x32xf32>,
    } else {
    }
    return
  }
  func.func @transform_0(%arg0: i32) -> (i32, i32) {
    %c0_i32 = arith.constant 0 : i32
    %c0_i32_0 = arith.constant 0 : i32
    return %arg0, %c0_i32 : i32, i32
  }
  func.func @transform_1(%arg0: i32) -> (i32, i32) {
    %c0_i32 = arith.constant 0 : i32
    %c0_i32_0 = arith.constant 0 : i32
    return %arg0, %c0_i32 : i32, i32
  }
  func.func @transform_2(%arg0: i32) -> (i32, i32) {
    %c0_i32 = arith.constant 0 : i32
    %c0_i32_0 = arith.constant 0 : i32
    %c0_i32_1 = arith.constant 0 : i32
    return %c0_i32, %c0_i32_0 : i32, i32
  }
  func.func @transform_3(%arg0: i32) -> (i32, i32) {
    %c0_i32 = arith.constant 0 : i32
    %c0_i32_0 = arith.constant 0 : i32
    %c0_i32_1 = arith.constant 0 : i32
    return %c0_i32, %c0_i32_0 : i32, i32
  }
  func.func @transform_4(%arg0: i32) -> (i32, i32) {
    %c0_i32 = arith.constant 0 : i32
    %c0_i32_0 = arith.constant 0 : i32
    return %arg0, %c0_i32 : i32, i32
  }
  func.func @transform_5(%arg0: i32) -> (i32, i32) {
    %c0_i32 = arith.constant 0 : i32
    %c0_i32_0 = arith.constant 0 : i32
    %c0_i32_1 = arith.constant 0 : i32
    return %c0_i32, %c0_i32_0 : i32, i32
  }
}

module attributes {stable_mosaic.version = 14 : i64} {
  func.func @_mlp2_body(%arg0: i32, %arg1: memref<512x32xf32, #tpu.memory_space<vmem>>, %arg2: memref<1x32xf32, #tpu.memory_space<vmem>>, %arg3: memref<1x32xf32, #tpu.memory_space<vmem>>, %arg4: memref<32x32xf32, #tpu.memory_space<vmem>>, %arg5: memref<1x32xf32, #tpu.memory_space<vmem>>, %arg6: memref<512x32xf32, #tpu.memory_space<vmem>>, %arg7: memref<8x32xf32, #tpu.memory_space<vmem>>, %arg8: memref<8x32xf32, #tpu.memory_space<vmem>>) attributes {dimension_semantics = [#tpu.dimension_semantics<arbitrary>], iteration_bounds = array<i64: 512>, scalar_prefetch = 0 : i64, scratch_operands = 1 : i64, tpu.core_type = #tpu.core_type<tc>, window_params = [{transform_indices = @transform_0, window_bounds = array<i64: 512, 32>}, {pipeline_mode = #tpu.pipeline_mode<synchronous>, transform_indices = @transform_1, window_bounds = array<i64: 1, 32>}, {pipeline_mode = #tpu.pipeline_mode<synchronous>, transform_indices = @transform_2, window_bounds = array<i64: 1, 32>}, {pipeline_mode = #tpu.pipeline_mode<synchronous>, transform_indices = @transform_3, window_bounds = array<i64: 32, 32>}, {pipeline_mode = #tpu.pipeline_mode<synchronous>, transform_indices = @transform_4, window_bounds = array<i64: 1, 32>}, {transform_indices = @transform_5, window_bounds = array<i64: 512, 32>}, {pipeline_mode = #tpu.pipeline_mode<synchronous>, transform_indices = @transform_6, window_bounds = array<i64: 8, 32>}]} {
    %eq3A = arith.constant 0 : i32
    %eq3A_0 = arith.cmpi eq, %arg0, %eq3A : i32
    %convert_element_type3A = arith.extui %eq3A_0 : i1 to i32
    %cond3A = arith.constant 0 : i32
    %cond3A_1 = arith.cmpi ne, %convert_element_type3A, %cond3A : i32
    scf.if %cond3A_1 {
      %broadcast_in_dim3A_51 = arith.constant 0.000000e+00 : f32
      %broadcast_in_dim3A_52 = vector.broadcast %broadcast_in_dim3A_51 : f32 to vector<8x32xf32>
      %swap3A_53 = arith.constant 0 : index
      %swap3A_54 = arith.constant 0 : index
      %swap3A_55 = vector.load %arg8[%swap3A_53, %swap3A_54] : memref<8x32xf32, #tpu.memory_space<vmem>>, vector<8x32xf32>
      tpu.vector_store %arg8[%swap3A_53, %swap3A_54], %broadcast_in_dim3A_52 {strides = array<i32>} : memref<8x32xf32, #tpu.memory_space<vmem>>, vector<8x32xf32>,
    } else {
    }
    %get3A = arith.constant 0 : index
    %get3A_2 = arith.constant 0 : index
    %get3A_3 = vector.load %arg1[%get3A, %get3A_2] : memref<512x32xf32, #tpu.memory_space<vmem>>, vector<512x32xf32>
    %get3A_4 = arith.constant 0 : index
    %get3A_5 = arith.constant 0 : index
    %get3A_6 = vector.load %arg2[%get3A_4, %get3A_5] : memref<1x32xf32, #tpu.memory_space<vmem>>, vector<1x32xf32>
    %mul3A = vector.broadcast %get3A_6 : vector<1x32xf32> to vector<512x32xf32>
    %mul3A_7 = arith.mulf %get3A_3, %mul3A : vector<512x32xf32>
    %get3A_8 = arith.constant 0 : index
    %get3A_9 = arith.constant 0 : index
    %get3A_10 = vector.load %arg3[%get3A_8, %get3A_9] : memref<1x32xf32, #tpu.memory_space<vmem>>, vector<1x32xf32>
    %add3A = vector.broadcast %get3A_10 : vector<1x32xf32> to vector<512x32xf32>
    %add3A_11 = arith.addf %mul3A_7, %add3A : vector<512x32xf32>
    %max3A = arith.constant 0.000000e+00 : f32
    %max3A_12 = vector.broadcast %max3A : f32 to vector<512x32xf32>
    %max3A_13 = arith.maximumf %add3A_11, %max3A_12 : vector<512x32xf32>
    %convert_element_type3A_14 = arith.truncf %max3A_13 : vector<512x32xf32> to vector<512x32xbf16>
    %get3A_15 = arith.constant 0 : index
    %get3A_16 = arith.constant 0 : index
    %get3A_17 = vector.load %arg4[%get3A_15, %get3A_16] : memref<32x32xf32, #tpu.memory_space<vmem>>, vector<32x32xf32>
    %convert_element_type3A_18 = arith.truncf %get3A_17 : vector<32x32xf32> to vector<32x32xbf16>
    %dot_general3A = arith.constant dense<0.000000e+00> : vector<512x32xf32>
    %dot_general3A_19 = tpu.matmul %convert_element_type3A_14, %convert_element_type3A_18, %dot_general3A {dimension_numbers = #tpu.dot_dimension_numbers<[1], [0], [0], [1], [0, 0, 1, 1], [], []>, transpose_lhs_hint = false} : vector<512x32xbf16>, vector<32x32xbf16>, vector<512x32xf32> -> vector<512x32xf32>
    %get3A_20 = arith.constant 0 : index
    %get3A_21 = arith.constant 0 : index
    %get3A_22 = vector.load %arg5[%get3A_20, %get3A_21] : memref<1x32xf32, #tpu.memory_space<vmem>>, vector<1x32xf32>
    %add3A_23 = vector.broadcast %get3A_22 : vector<1x32xf32> to vector<512x32xf32>
    %add3A_24 = arith.addf %dot_general3A_19, %add3A_23 : vector<512x32xf32>
    %swap3A = arith.constant 0 : index
    %swap3A_25 = arith.constant 0 : index
    %swap3A_26 = vector.load %arg6[%swap3A, %swap3A_25] : memref<512x32xf32, #tpu.memory_space<vmem>>, vector<512x32xf32>
    tpu.vector_store %arg6[%swap3A, %swap3A_25], %add3A_24 {strides = array<i32>} : memref<512x32xf32, #tpu.memory_space<vmem>>, vector<512x32xf32>,
    %get3A_27 = arith.constant 0 : index
    %get3A_28 = arith.constant 0 : index
    %get3A_29 = vector.load %arg8[%get3A_27, %get3A_28] : memref<8x32xf32, #tpu.memory_space<vmem>>, vector<1x32xf32>
    %reduce_sum3A = arith.constant dense<0.000000e+00> : vector<32xf32>
    %reduce_sum3A_30 = vector.multi_reduction <add>, %add3A_24, %reduce_sum3A [0] : vector<512x32xf32> to vector<32xf32>
    %broadcast_in_dim3A = vector.shape_cast %reduce_sum3A_30 : vector<32xf32> to vector<1x32xf32>
    %add3A_31 = arith.addf %get3A_29, %broadcast_in_dim3A : vector<1x32xf32>
    %swap3A_32 = arith.constant 0 : index
    %swap3A_33 = arith.constant 0 : index
    %swap3A_34 = vector.load %arg8[%swap3A_32, %swap3A_33] : memref<8x32xf32, #tpu.memory_space<vmem>>, vector<1x32xf32>
    tpu.vector_store %arg8[%swap3A_32, %swap3A_33], %add3A_31 {strides = array<i32>} : memref<8x32xf32, #tpu.memory_space<vmem>>, vector<1x32xf32>,
    %get3A_35 = arith.constant 1 : index
    %get3A_36 = arith.constant 0 : index
    %get3A_37 = vector.load %arg8[%get3A_35, %get3A_36] : memref<8x32xf32, #tpu.memory_space<vmem>>, vector<1x32xf32>
    %mul3A_38 = arith.mulf %add3A_24, %add3A_24 : vector<512x32xf32>
    %reduce_sum3A_39 = arith.constant dense<0.000000e+00> : vector<32xf32>
    %reduce_sum3A_40 = vector.multi_reduction <add>, %mul3A_38, %reduce_sum3A_39 [0] : vector<512x32xf32> to vector<32xf32>
    %broadcast_in_dim3A_41 = vector.shape_cast %reduce_sum3A_40 : vector<32xf32> to vector<1x32xf32>
    %add3A_42 = arith.addf %get3A_37, %broadcast_in_dim3A_41 : vector<1x32xf32>
    %swap3A_43 = arith.constant 1 : index
    %swap3A_44 = arith.constant 0 : index
    %swap3A_45 = vector.load %arg8[%swap3A_43, %swap3A_44] : memref<8x32xf32, #tpu.memory_space<vmem>>, vector<1x32xf32>
    tpu.vector_store %arg8[%swap3A_43, %swap3A_44], %add3A_42 {strides = array<i32>} : memref<8x32xf32, #tpu.memory_space<vmem>>, vector<1x32xf32>,
    %eq3A_46 = arith.constant 511 : i32
    %eq3A_47 = arith.cmpi eq, %arg0, %eq3A_46 : i32
    %convert_element_type3A_48 = arith.extui %eq3A_47 : i1 to i32
    %cond3A_49 = arith.constant 0 : i32
    %cond3A_50 = arith.cmpi ne, %convert_element_type3A_48, %cond3A_49 : i32
    scf.if %cond3A_50 {
      %get3A_51 = arith.constant 0 : index
      %get3A_52 = arith.constant 0 : index
      %get3A_53 = vector.load %arg8[%get3A_51, %get3A_52] : memref<8x32xf32, #tpu.memory_space<vmem>>, vector<8x32xf32>
      %swap3A_54 = arith.constant 0 : index
      %swap3A_55 = arith.constant 0 : index
      %swap3A_56 = vector.load %arg7[%swap3A_54, %swap3A_55] : memref<8x32xf32, #tpu.memory_space<vmem>>, vector<8x32xf32>
      tpu.vector_store %arg7[%swap3A_54, %swap3A_55], %get3A_53 {strides = array<i32>} : memref<8x32xf32, #tpu.memory_space<vmem>>, vector<8x32xf32>,
    } else {
    }
    return
  }
  func.func @transform_0(%arg0: i32) -> (i32, i32) {
    %c0_i32 = arith.constant 0 : i32
    %c0_i32_0 = arith.constant 0 : i32
    return %arg0, %c0_i32 : i32, i32
  }
  func.func @transform_1(%arg0: i32) -> (i32, i32) {
    %c0_i32 = arith.constant 0 : i32
    %c0_i32_0 = arith.constant 0 : i32
    %c0_i32_1 = arith.constant 0 : i32
    return %c0_i32, %c0_i32_0 : i32, i32
  }
  func.func @transform_2(%arg0: i32) -> (i32, i32) {
    %c0_i32 = arith.constant 0 : i32
    %c0_i32_0 = arith.constant 0 : i32
    %c0_i32_1 = arith.constant 0 : i32
    return %c0_i32, %c0_i32_0 : i32, i32
  }
  func.func @transform_3(%arg0: i32) -> (i32, i32) {
    %c0_i32 = arith.constant 0 : i32
    %c0_i32_0 = arith.constant 0 : i32
    %c0_i32_1 = arith.constant 0 : i32
    return %c0_i32, %c0_i32_0 : i32, i32
  }
  func.func @transform_4(%arg0: i32) -> (i32, i32) {
    %c0_i32 = arith.constant 0 : i32
    %c0_i32_0 = arith.constant 0 : i32
    %c0_i32_1 = arith.constant 0 : i32
    return %c0_i32, %c0_i32_0 : i32, i32
  }
  func.func @transform_5(%arg0: i32) -> (i32, i32) {
    %c0_i32 = arith.constant 0 : i32
    %c0_i32_0 = arith.constant 0 : i32
    return %arg0, %c0_i32 : i32, i32
  }
  func.func @transform_6(%arg0: i32) -> (i32, i32) {
    %c0_i32 = arith.constant 0 : i32
    %c0_i32_0 = arith.constant 0 : i32
    %c0_i32_1 = arith.constant 0 : i32
    return %c0_i32, %c0_i32_0 : i32, i32
  }
}

module attributes {stable_mosaic.version = 14 : i64} {
  func.func @_mlp3_body(%arg0: i32, %arg1: memref<512x32xf32, #tpu.memory_space<vmem>>, %arg2: memref<1x32xf32, #tpu.memory_space<vmem>>, %arg3: memref<1x32xf32, #tpu.memory_space<vmem>>, %arg4: memref<32x64xf32, #tpu.memory_space<vmem>>, %arg5: memref<1x64xf32, #tpu.memory_space<vmem>>, %arg6: memref<16x64xf32, #tpu.memory_space<vmem>>, %arg7: memref<16x64xf32, #tpu.memory_space<vmem>>, %arg8: memref<8x64xf32, #tpu.memory_space<vmem>>, %arg9: memref<8x64xf32, #tpu.memory_space<vmem>>) attributes {dimension_semantics = [#tpu.dimension_semantics<arbitrary>], iteration_bounds = array<i64: 512>, scalar_prefetch = 0 : i64, scratch_operands = 1 : i64, tpu.core_type = #tpu.core_type<tc>, window_params = [{transform_indices = @transform_0, window_bounds = array<i64: 512, 32>}, {pipeline_mode = #tpu.pipeline_mode<synchronous>, transform_indices = @transform_1, window_bounds = array<i64: 1, 32>}, {pipeline_mode = #tpu.pipeline_mode<synchronous>, transform_indices = @transform_2, window_bounds = array<i64: 1, 32>}, {pipeline_mode = #tpu.pipeline_mode<synchronous>, transform_indices = @transform_3, window_bounds = array<i64: 32, 64>}, {pipeline_mode = #tpu.pipeline_mode<synchronous>, transform_indices = @transform_4, window_bounds = array<i64: 1, 64>}, {transform_indices = @transform_5, window_bounds = array<i64: 16, 64>}, {transform_indices = @transform_6, window_bounds = array<i64: 16, 64>}, {pipeline_mode = #tpu.pipeline_mode<synchronous>, transform_indices = @transform_7, window_bounds = array<i64: 8, 64>}]} {
    %eq3A = arith.constant 0 : i32
    %eq3A_0 = arith.cmpi eq, %arg0, %eq3A : i32
    %convert_element_type3A = arith.extui %eq3A_0 : i1 to i32
    %cond3A = arith.constant 0 : i32
    %cond3A_1 = arith.cmpi ne, %convert_element_type3A, %cond3A : i32
    scf.if %cond3A_1 {
      %broadcast_in_dim3A_56 = arith.constant 0.000000e+00 : f32
      %broadcast_in_dim3A_57 = vector.broadcast %broadcast_in_dim3A_56 : f32 to vector<8x64xf32>
      %swap3A_58 = arith.constant 0 : index
      %swap3A_59 = arith.constant 0 : index
      %swap3A_60 = vector.load %arg9[%swap3A_58, %swap3A_59] : memref<8x64xf32, #tpu.memory_space<vmem>>, vector<8x64xf32>
      tpu.vector_store %arg9[%swap3A_58, %swap3A_59], %broadcast_in_dim3A_57 {strides = array<i32>} : memref<8x64xf32, #tpu.memory_space<vmem>>, vector<8x64xf32>,
    } else {
    }
    %get3A = arith.constant 0 : index
    %get3A_2 = arith.constant 0 : index
    %get3A_3 = vector.load %arg1[%get3A, %get3A_2] : memref<512x32xf32, #tpu.memory_space<vmem>>, vector<512x32xf32>
    %get3A_4 = arith.constant 0 : index
    %get3A_5 = arith.constant 0 : index
    %get3A_6 = vector.load %arg2[%get3A_4, %get3A_5] : memref<1x32xf32, #tpu.memory_space<vmem>>, vector<1x32xf32>
    %mul3A = vector.broadcast %get3A_6 : vector<1x32xf32> to vector<512x32xf32>
    %mul3A_7 = arith.mulf %get3A_3, %mul3A : vector<512x32xf32>
    %get3A_8 = arith.constant 0 : index
    %get3A_9 = arith.constant 0 : index
    %get3A_10 = vector.load %arg3[%get3A_8, %get3A_9] : memref<1x32xf32, #tpu.memory_space<vmem>>, vector<1x32xf32>
    %add3A = vector.broadcast %get3A_10 : vector<1x32xf32> to vector<512x32xf32>
    %add3A_11 = arith.addf %mul3A_7, %add3A : vector<512x32xf32>
    %max3A = arith.constant 0.000000e+00 : f32
    %max3A_12 = vector.broadcast %max3A : f32 to vector<512x32xf32>
    %max3A_13 = arith.maximumf %add3A_11, %max3A_12 : vector<512x32xf32>
    %convert_element_type3A_14 = arith.truncf %max3A_13 : vector<512x32xf32> to vector<512x32xbf16>
    %get3A_15 = arith.constant 0 : index
    %get3A_16 = arith.constant 0 : index
    %get3A_17 = vector.load %arg4[%get3A_15, %get3A_16] : memref<32x64xf32, #tpu.memory_space<vmem>>, vector<32x64xf32>
    %convert_element_type3A_18 = arith.truncf %get3A_17 : vector<32x64xf32> to vector<32x64xbf16>
    %dot_general3A = arith.constant dense<0.000000e+00> : vector<512x64xf32>
    %dot_general3A_19 = tpu.matmul %convert_element_type3A_14, %convert_element_type3A_18, %dot_general3A {dimension_numbers = #tpu.dot_dimension_numbers<[1], [0], [0], [1], [0, 0, 1, 1], [], []>, transpose_lhs_hint = false} : vector<512x32xbf16>, vector<32x64xbf16>, vector<512x64xf32> -> vector<512x64xf32>
    %get3A_20 = arith.constant 0 : index
    %get3A_21 = arith.constant 0 : index
    %get3A_22 = vector.load %arg5[%get3A_20, %get3A_21] : memref<1x64xf32, #tpu.memory_space<vmem>>, vector<1x64xf32>
    %add3A_23 = vector.broadcast %get3A_22 : vector<1x64xf32> to vector<512x64xf32>
    %add3A_24 = arith.addf %dot_general3A_19, %add3A_23 : vector<512x64xf32>
    %get3A_25 = arith.constant 0 : index
    %get3A_26 = arith.constant 0 : index
    %get3A_27 = vector.load %arg9[%get3A_25, %get3A_26] : memref<8x64xf32, #tpu.memory_space<vmem>>, vector<1x64xf32>
    %reduce_sum3A = arith.constant dense<0.000000e+00> : vector<64xf32>
    %reduce_sum3A_28 = vector.multi_reduction <add>, %add3A_24, %reduce_sum3A [0] : vector<512x64xf32> to vector<64xf32>
    %broadcast_in_dim3A = vector.shape_cast %reduce_sum3A_28 : vector<64xf32> to vector<1x64xf32>
    %add3A_29 = arith.addf %get3A_27, %broadcast_in_dim3A : vector<1x64xf32>
    %swap3A = arith.constant 0 : index
    %swap3A_30 = arith.constant 0 : index
    %swap3A_31 = vector.load %arg9[%swap3A, %swap3A_30] : memref<8x64xf32, #tpu.memory_space<vmem>>, vector<1x64xf32>
    tpu.vector_store %arg9[%swap3A, %swap3A_30], %add3A_29 {strides = array<i32>} : memref<8x64xf32, #tpu.memory_space<vmem>>, vector<1x64xf32>,
    %get3A_32 = arith.constant 1 : index
    %get3A_33 = arith.constant 0 : index
    %get3A_34 = vector.load %arg9[%get3A_32, %get3A_33] : memref<8x64xf32, #tpu.memory_space<vmem>>, vector<1x64xf32>
    %mul3A_35 = arith.mulf %add3A_24, %add3A_24 : vector<512x64xf32>
    %reduce_sum3A_36 = arith.constant dense<0.000000e+00> : vector<64xf32>
    %reduce_sum3A_37 = vector.multi_reduction <add>, %mul3A_35, %reduce_sum3A_36 [0] : vector<512x64xf32> to vector<64xf32>
    %broadcast_in_dim3A_38 = vector.shape_cast %reduce_sum3A_37 : vector<64xf32> to vector<1x64xf32>
    %add3A_39 = arith.addf %get3A_34, %broadcast_in_dim3A_38 : vector<1x64xf32>
    %swap3A_40 = arith.constant 1 : index
    %swap3A_41 = arith.constant 0 : index
    %swap3A_42 = vector.load %arg9[%swap3A_40, %swap3A_41] : memref<8x64xf32, #tpu.memory_space<vmem>>, vector<1x64xf32>
    tpu.vector_store %arg9[%swap3A_40, %swap3A_41], %add3A_39 {strides = array<i32>} : memref<8x64xf32, #tpu.memory_space<vmem>>, vector<1x64xf32>,
    %reshape3A = vector.shape_cast %add3A_24 : vector<512x64xf32> to vector<16x32x64xf32>
    %reduce_max3A = arith.constant dense<0xFF800000> : vector<16x64xf32>
    %reduce_max3A_43 = vector.multi_reduction <maximumf>, %reshape3A, %reduce_max3A [1] : vector<16x32x64xf32> to vector<16x64xf32>
    %swap3A_44 = arith.constant 0 : index
    %swap3A_45 = arith.constant 0 : index
    %swap3A_46 = vector.load %arg6[%swap3A_44, %swap3A_45] : memref<16x64xf32, #tpu.memory_space<vmem>>, vector<16x64xf32>
    tpu.vector_store %arg6[%swap3A_44, %swap3A_45], %reduce_max3A_43 {strides = array<i32>} : memref<16x64xf32, #tpu.memory_space<vmem>>, vector<16x64xf32>,
    %reduce_min3A = arith.constant dense<0x7F800000> : vector<16x64xf32>
    %reduce_min3A_47 = vector.multi_reduction <minimumf>, %reshape3A, %reduce_min3A [1] : vector<16x32x64xf32> to vector<16x64xf32>
    %swap3A_48 = arith.constant 0 : index
    %swap3A_49 = arith.constant 0 : index
    %swap3A_50 = vector.load %arg7[%swap3A_48, %swap3A_49] : memref<16x64xf32, #tpu.memory_space<vmem>>, vector<16x64xf32>
    tpu.vector_store %arg7[%swap3A_48, %swap3A_49], %reduce_min3A_47 {strides = array<i32>} : memref<16x64xf32, #tpu.memory_space<vmem>>, vector<16x64xf32>,
    %eq3A_51 = arith.constant 511 : i32
    %eq3A_52 = arith.cmpi eq, %arg0, %eq3A_51 : i32
    %convert_element_type3A_53 = arith.extui %eq3A_52 : i1 to i32
    %cond3A_54 = arith.constant 0 : i32
    %cond3A_55 = arith.cmpi ne, %convert_element_type3A_53, %cond3A_54 : i32
    scf.if %cond3A_55 {
      %get3A_56 = arith.constant 0 : index
      %get3A_57 = arith.constant 0 : index
      %get3A_58 = vector.load %arg9[%get3A_56, %get3A_57] : memref<8x64xf32, #tpu.memory_space<vmem>>, vector<8x64xf32>
      %swap3A_59 = arith.constant 0 : index
      %swap3A_60 = arith.constant 0 : index
      %swap3A_61 = vector.load %arg8[%swap3A_59, %swap3A_60] : memref<8x64xf32, #tpu.memory_space<vmem>>, vector<8x64xf32>
      tpu.vector_store %arg8[%swap3A_59, %swap3A_60], %get3A_58 {strides = array<i32>} : memref<8x64xf32, #tpu.memory_space<vmem>>, vector<8x64xf32>,
    } else {
    }
    return
  }
  func.func @transform_0(%arg0: i32) -> (i32, i32) {
    %c0_i32 = arith.constant 0 : i32
    %c0_i32_0 = arith.constant 0 : i32
    return %arg0, %c0_i32 : i32, i32
  }
  func.func @transform_1(%arg0: i32) -> (i32, i32) {
    %c0_i32 = arith.constant 0 : i32
    %c0_i32_0 = arith.constant 0 : i32
    %c0_i32_1 = arith.constant 0 : i32
    return %c0_i32, %c0_i32_0 : i32, i32
  }
  func.func @transform_2(%arg0: i32) -> (i32, i32) {
    %c0_i32 = arith.constant 0 : i32
    %c0_i32_0 = arith.constant 0 : i32
    %c0_i32_1 = arith.constant 0 : i32
    return %c0_i32, %c0_i32_0 : i32, i32
  }
  func.func @transform_3(%arg0: i32) -> (i32, i32) {
    %c0_i32 = arith.constant 0 : i32
    %c0_i32_0 = arith.constant 0 : i32
    %c0_i32_1 = arith.constant 0 : i32
    return %c0_i32, %c0_i32_0 : i32, i32
  }
  func.func @transform_4(%arg0: i32) -> (i32, i32) {
    %c0_i32 = arith.constant 0 : i32
    %c0_i32_0 = arith.constant 0 : i32
    %c0_i32_1 = arith.constant 0 : i32
    return %c0_i32, %c0_i32_0 : i32, i32
  }
  func.func @transform_5(%arg0: i32) -> (i32, i32) {
    %c0_i32 = arith.constant 0 : i32
    %c0_i32_0 = arith.constant 0 : i32
    return %arg0, %c0_i32 : i32, i32
  }
  func.func @transform_6(%arg0: i32) -> (i32, i32) {
    %c0_i32 = arith.constant 0 : i32
    %c0_i32_0 = arith.constant 0 : i32
    return %arg0, %c0_i32 : i32, i32
  }
  func.func @transform_7(%arg0: i32) -> (i32, i32) {
    %c0_i32 = arith.constant 0 : i32
    %c0_i32_0 = arith.constant 0 : i32
    %c0_i32_1 = arith.constant 0 : i32
    return %c0_i32, %c0_i32_0 : i32, i32
  }
}

module attributes {stable_mosaic.version = 14 : i64} {
  func.func @_fin_body(%arg0: i32, %arg1: memref<512x64xf32, #tpu.memory_space<vmem>>, %arg2: memref<512x64xf32, #tpu.memory_space<vmem>>, %arg3: memref<1x64xf32, #tpu.memory_space<vmem>>, %arg4: memref<1x64xf32, #tpu.memory_space<vmem>>, %arg5: memref<1x64xf32, #tpu.memory_space<vmem>>, %arg6: memref<512x64xf32, #tpu.memory_space<vmem>>) attributes {dimension_semantics = [#tpu.dimension_semantics<arbitrary>], iteration_bounds = array<i64: 16>, scalar_prefetch = 0 : i64, scratch_operands = 0 : i64, tpu.core_type = #tpu.core_type<tc>, window_params = [{transform_indices = @transform_0, window_bounds = array<i64: 512, 64>}, {transform_indices = @transform_1, window_bounds = array<i64: 512, 64>}, {pipeline_mode = #tpu.pipeline_mode<synchronous>, transform_indices = @transform_2, window_bounds = array<i64: 1, 64>}, {pipeline_mode = #tpu.pipeline_mode<synchronous>, transform_indices = @transform_3, window_bounds = array<i64: 1, 64>}, {pipeline_mode = #tpu.pipeline_mode<synchronous>, transform_indices = @transform_4, window_bounds = array<i64: 1, 64>}, {transform_indices = @transform_5, window_bounds = array<i64: 512, 64>}]} {
    %get3A = arith.constant 0 : index
    %get3A_0 = arith.constant 0 : index
    %get3A_1 = vector.load %arg3[%get3A, %get3A_0] : memref<1x64xf32, #tpu.memory_space<vmem>>, vector<1x64xf32>
    %ge3A = arith.constant 0.000000e+00 : f32
    %ge3A_2 = vector.broadcast %ge3A : f32 to vector<1x64xf32>
    %ge3A_3 = arith.cmpf oge, %get3A_1, %ge3A_2 : vector<1x64xf32>
    %get3A_4 = arith.constant 0 : index
    %get3A_5 = arith.constant 0 : index
    %get3A_6 = vector.load %arg1[%get3A_4, %get3A_5] : memref<512x64xf32, #tpu.memory_space<vmem>>, vector<512x64xf32>
    %get3A_7 = arith.constant 0 : index
    %get3A_8 = arith.constant 0 : index
    %get3A_9 = vector.load %arg2[%get3A_7, %get3A_8] : memref<512x64xf32, #tpu.memory_space<vmem>>, vector<512x64xf32>
    %broadcast_in_dim3A = vector.shape_cast %ge3A_3 : vector<1x64xi1> to vector<1x64xi1>
    %broadcast_in_dim3A_10 = vector.broadcast %broadcast_in_dim3A : vector<1x64xi1> to vector<512x64xi1>
    %select_n3A = arith.select %broadcast_in_dim3A_10, %get3A_6, %get3A_9 : vector<512x64xi1>, vector<512x64xf32>
    %get3A_11 = arith.constant 0 : index
    %get3A_12 = arith.constant 0 : index
    %get3A_13 = vector.load %arg4[%get3A_11, %get3A_12] : memref<1x64xf32, #tpu.memory_space<vmem>>, vector<1x64xf32>
    %mul3A = vector.broadcast %get3A_13 : vector<1x64xf32> to vector<512x64xf32>
    %mul3A_14 = arith.mulf %select_n3A, %mul3A : vector<512x64xf32>
    %get3A_15 = arith.constant 0 : index
    %get3A_16 = arith.constant 0 : index
    %get3A_17 = vector.load %arg5[%get3A_15, %get3A_16] : memref<1x64xf32, #tpu.memory_space<vmem>>, vector<1x64xf32>
    %add3A = vector.broadcast %get3A_17 : vector<1x64xf32> to vector<512x64xf32>
    %add3A_18 = arith.addf %mul3A_14, %add3A : vector<512x64xf32>
    %max3A = arith.constant 0.000000e+00 : f32
    %max3A_19 = vector.broadcast %max3A : f32 to vector<512x64xf32>
    %max3A_20 = arith.maximumf %add3A_18, %max3A_19 : vector<512x64xf32>
    %swap3A = arith.constant 0 : index
    %swap3A_21 = arith.constant 0 : index
    %swap3A_22 = vector.load %arg6[%swap3A, %swap3A_21] : memref<512x64xf32, #tpu.memory_space<vmem>>, vector<512x64xf32>
    tpu.vector_store %arg6[%swap3A, %swap3A_21], %max3A_20 {strides = array<i32>} : memref<512x64xf32, #tpu.memory_space<vmem>>, vector<512x64xf32>,
    return
  }
  func.func @transform_0(%arg0: i32) -> (i32, i32) {
    %c0_i32 = arith.constant 0 : i32
    %c0_i32_0 = arith.constant 0 : i32
    return %arg0, %c0_i32 : i32, i32
  }
  func.func @transform_1(%arg0: i32) -> (i32, i32) {
    %c0_i32 = arith.constant 0 : i32
    %c0_i32_0 = arith.constant 0 : i32
    return %arg0, %c0_i32 : i32, i32
  }
  func.func @transform_2(%arg0: i32) -> (i32, i32) {
    %c0_i32 = arith.constant 0 : i32
    %c0_i32_0 = arith.constant 0 : i32
    %c0_i32_1 = arith.constant 0 : i32
    return %c0_i32, %c0_i32_0 : i32, i32
  }
  func.func @transform_3(%arg0: i32) -> (i32, i32) {
    %c0_i32 = arith.constant 0 : i32
    %c0_i32_0 = arith.constant 0 : i32
    %c0_i32_1 = arith.constant 0 : i32
    return %c0_i32, %c0_i32_0 : i32, i32
  }
  func.func @transform_4(%arg0: i32) -> (i32, i32) {
    %c0_i32 = arith.constant 0 : i32
    %c0_i32_0 = arith.constant 0 : i32
    %c0_i32_1 = arith.constant 0 : i32
    return %c0_i32, %c0_i32_0 : i32, i32
  }
  func.func @transform_5(%arg0: i32) -> (i32, i32) {
    %c0_i32 = arith.constant 0 : i32
    %c0_i32_0 = arith.constant 0 : i32
    return %arg0, %c0_i32 : i32, i32
  }
}

</mosaic_0001>

<sc_bundles>
// kernel: kernel.9.cloned.1.call-start
scs
__scs_entry_jumppad:
0x0: {  	(pc) =	sbr.rel $0x88, $3  }
0x1: {  	(tag) =	ssettag $0x0;
	lr =	simm.s32 $0x1  }
0x2: {  	[smem:$0x3F93] =	sst lr;
	_ =	strace $0xD0000000  }
0x3: {  	_ = 	snop  }
0x4: {  	_ = 	snop  }
0x5: {  	_ = 	snop  }
0x6: {  	_ = 	snop  }
0x7: {  	_ = 	snop  }
__scs_overlays_trampoline_lowered:
0x8: {  	[smem:$0x3FA2] =	sst s0  }
0x9: {  	[smem:$0x3FA3] =	sst s1  }
0xa: {  	[smem:$0x3FA4] =	sst s2  }
0xb: {  	[smem:$0x3FA5] =	sst s3  }
0xc: {  	[smem:$0x3FA6] =	sst s4  }
0xd: {  	[smem:$0x3FA7] =	sst s5  }
0xe: {  	[smem:$0x3FA8] =	sst s6  }
0xf: {  	[smem:$0x3FA9] =	sst s7  }
0x10: {  	[smem:$0x3FAA] =	sst s8  }
0x11: {  	[smem:$0x3FAB] =	sst s9;
	s0 =	simm.s32 @!p0 $0x0  }
0x12: {  	s1 =	sld [smem:$0x3F91];
	s0 =	simm.s32 @p0 $0x1  }
0x13: {  	[smem:$0x3FAC] =	sst s0;
	s0 =	simm.s32 @!p1 $0x0  }
0x14: {  	s2 =	sld [smem:$0x3F90];
	s0 =	simm.s32 @p1 $0x1  }
0x15: {  	[smem:$0x3FAD] =	sst s0;
	s0 =	simm.s32 @!p2 $0x0  }
0x16: {  	s3 =	sld [smem:$0x3FDB];
	s0 =	simm.s32 @p2 $0x1  }
0x17: {  	s4 =	simm.s32 $0x1BF5;
	[smem:$0x3FAF] =	sst s0  }
0x18: {  	s0 =	sld [smem:$0x3F92];
	_ =	swait.ge [sflag:s4], $0x0  }
0x19: {  	s7 =	sld [smem:$0x3F93]  }
0x1a: {  	s8 =	sadd.s32 $0xFFFFE003, lr  }
0x1b: {  	s9 =	sadd.s32 $0xFFFFFEF7, lr;
	s5 =	simm.s32 $0xFFFFFFFF;
	p2 =	slt.u32 s8, $0xFFFFF086  }
0x1c: {  	p1 =	slt.u32 s9, $0xF7A;
	s5 =	simm.s32 @!p2 $0x0  }
0x1d: {  	s5 =	simm.s32 @p1 $0x1;
	p0 =	seq.s32 s7, s2  }
0x1e: {  	s7 =	smul.u32 @!p0 $0xF7A, s2;
	p2 =	seq.s32 @!p0 s5, $0x0  }
0x1f: {  	s9 =	smul.u32 $0xF7A, s1;
	s8 =	simm.s32 @!p0 $0x1BF5;
	p2 =	por !p2, p0  }
0x20: {  	[sflag:s8] =	ssyncset.s32 @!p0 $0xFFFFF086;
	s6 =	sadd.s32 @!p0 s3, s7;
	s7 =	simm.s32 @!p0 $0x108  }
0x21: {  	s3 =	sadd.s32 s3, s9;
	s6 =	sadd.s32 @!p0 $0x88, s6;
	s7 =	simm.s32 @p2 $0x1082  }
0x22: {  	[simem:s7], [sflag:s8] =	dma.local @!p0 [hbm:s6], $0xF7A  }
0x23: {  	s9 =	sor.u32 $0xD0000000, s2;
	s6 =	simm.s32 $0x108;
	_ =	swait.ge @!p0 [sflag:s8], $0x0  }
0x24: {  	s3 =	sadd.s32 $0x88, s3;
	s6 =	simm.s32 @!p1 $0x1082;
	[sflag:s4] =	ssyncset.s32 $0xFFFFF086  }
0x25: {  	[simem:s6], [sflag:s4] =	dma.local [hbm:s3], $0xF7A  }
0x26: {  	[smem:$0x3F93] =	sst s1;
	(tag) =	ssettag s2;
	_ =	strace s9  }
0x27: {  	s1 =	sld [smem:$0x3FA3]  }
0x28: {  	s2 =	sld [smem:$0x3FA4]  }
0x29: {  	s4 =	sld [smem:$0x3FA6]  }
0x2a: {  	p0 =	seq.s32 s5, $0x0;
	s5 =	sld [smem:$0x3FA7]  }
0x2b: {  	s6 =	sld [smem:$0x3FA8]  }
0x2c: {  	s7 =	sld [smem:$0x3FA9]  }
0x2d: {  	s3 =	simm.s32 $0x108;
	s8 =	sld [smem:$0x3FAA]  }
0x2e: {  	s3 =	simm.s32 @!p0 $0x1082;
	s9 =	sld [smem:$0x3FAB]  }
0x2f: {  	lr =	sadd.s32 s0, s3;
	s0 =	sld [smem:$0x3FA2]  }
0x30: {  	s3 =	sld [smem:$0x3FA5]  }
0x31: {  	[smem:$0x3FAE] =	sst s10  }
0x32: {  	s10 =	sld [smem:$0x3FAC];
	_ =	sdelay $0x3  }
0x33: {  	p0 =	seq.s32 s10, $0x1;
	s10 =	sld [smem:$0x3FAE];
	_ =	sdelay $0x3  }
0x34: {  	[smem:$0x3FAE] =	sst s10  }
0x35: {  	s10 =	sld [smem:$0x3FAD];
	_ =	sdelay $0x3  }
0x36: {  	p1 =	seq.s32 s10, $0x1;
	s10 =	sld [smem:$0x3FAE];
	_ =	sdelay $0x3  }
0x37: {  	[smem:$0x3FAE] =	sst s10  }
0x38: {  	s10 =	sld [smem:$0x3FAF]  }
0x39: {  	_ = 	snop;
	(pc) =	sbr.ind lr, $3  }
0x3a: {  	_ = 	snop  }
0x3b: {  	_ = 	snop  }
0x3c: {  	p2 =	seq.s32 s10, $0x1;
	s10 =	sld [smem:$0x3FAE]  }
0x3d: {  	_ =	shalt  }
0x3e: {  	_ =	shalt  }
0x3f: {  	_ =	shalt  }
0x40: {  	_ =	shalt  }
0x41: {  	_ =	shalt  }
0x42: {  	_ =	shalt  }
0x43: {  	_ =	shalt  }
0x44: {  	_ =	shalt  }
0x45: {  	_ =	shalt  }
0x46: {  	_ =	shalt  }
0x47: {  	_ =	shalt  }
0x48: {  	_ =	shalt  }
0x49: {  	_ =	shalt  }
0x4a: {  	_ =	shalt  }
0x4b: {  	_ =	shalt  }
0x4c: {  	_ =	shalt  }
0x4d: {  	_ =	shalt  }
0x4e: {  	_ =	shalt  }
0x4f: {  	_ =	shalt  }
0x50: {  	_ =	shalt  }
0x51: {  	_ =	shalt  }
0x52: {  	_ =	shalt  }
0x53: {  	_ =	shalt  }
0x54: {  	_ =	shalt  }
0x55: {  	_ =	shalt  }
0x56: {  	_ =	shalt  }
0x57: {  	_ =	shalt  }
0x58: {  	_ =	shalt  }
0x59: {  	_ =	shalt  }
0x5a: {  	_ =	shalt  }
0x5b: {  	_ =	shalt  }
0x5c: {  	_ =	shalt  }
0x5d: {  	_ =	shalt  }
0x5e: {  	_ =	shalt  }
0x5f: {  	_ =	shalt  }
0x60: {  	_ =	shalt  }
0x61: {  	_ =	shalt  }
0x62: {  	_ =	shalt  }
0x63: {  	_ =	shalt  }
0x64: {  	_ =	shalt  }
0x65: {  	_ =	shalt  }
0x66: {  	_ =	shalt  }
0x67: {  	_ =	shalt  }
0x68: {  	_ =	shalt  }
0x69: {  	_ =	shalt  }
0x6a: {  	_ =	shalt  }
0x6b: {  	_ =	shalt  }
0x6c: {  	_ =	shalt  }
0x6d: {  	_ =	shalt  }
0x6e: {  	_ =	shalt  }
0x6f: {  	_ =	shalt  }
0x70: {  	_ =	shalt  }
0x71: {  	_ =	shalt  }
0x72: {  	_ =	shalt  }
0x73: {  	_ =	shalt  }
0x74: {  	_ =	shalt  }
0x75: {  	_ =	shalt  }
0x76: {  	_ =	shalt  }
0x77: {  	_ =	shalt  }
0x78: {  	_ =	shalt  }
0x79: {  	_ =	shalt  }
0x7a: {  	_ =	shalt  }
0x7b: {  	_ =	shalt  }
0x7c: {  	_ =	shalt  }
0x7d: {  	_ =	shalt  }
0x7e: {  	_ =	shalt  }
0x7f: {  	_ =	shalt  }
0x80: {  	_ =	shalt  }
0x81: {  	_ =	shalt  }
0x82: {  	_ =	shalt  }
0x83: {  	_ =	shalt  }
0x84: {  	_ =	shalt  }
0x85: {  	_ =	shalt  }
0x86: {  	_ =	shalt  }
0x87: {  	_ =	shalt  }
.Lfunc_end0:
.L_simem_size_0:
called_computation_lowered:
.L_overlay_start_0:
0x88: {  	s2 =	sld [smem:$0x3FD9]  }
0x89: {  	s3 =	sld [smem:$0x3FFE];
	_ =	sdelay $0x1  }
0x8a: {  	s1 =	srdreg.scid  }
0x8b: {  	s0 =	sand.u32 $0x1, s1  }
0x8c: {  	s14 =	sshll.u32 s0, $0xA;
	s2 =	sadd.s32 s3, s2  }
0x8d: {  	s2 =	sadd.s32 s2, s14  }
0x8e: {  	[smem:$0x3FBA] =	sst s2  }
0x8f: {  	_ = 	snop  }
0x90: {  	s2 =	sld [smem:$0x3FD0];
	_ =	sdelay $0x2  }
0x91: {  	s15 =	simm.s32 $0xA;
	s4 =	simm.s32 $0x10  }
0x92: {  	[smem:s4], [sflag:s15] =	dma.local [hbm:s2], $0x1  }
0x93: {  	_ =	swait.eq [sflag:s15], $0x1  }
0x94: {  	[sflag:s15] =	ssyncset.done $0x0  }
0x95: {  	[sflag:s15] =	ssyncadd.s32 $0xFFFFFFFF  }
0x96: {  	s16 =	sld [smem:$0x11];
	(tm) =	ssettm $0x1  }
0x97: {  	s17 =	sld [smem:$0x3FFB];
	_ =	sdelay $0x3  }
0x98: {  	_ =	strace s17  }
0x99: {  	s3 =	sld [smem:$0x3FFC];
	_ =	sdelay $0x3  }
0x9a: {  	_ =	strace s3  }
0x9b: {  	s3 =	sld [smem:$0x3FFD];
	_ =	sdelay $0x3  }
0x9c: {  	_ =	strace s3  }
0x9d: {  	_ =	strace $0x8FFFFFFF  }
0x9e: {  	s18 =	sld [smem:$0x3FDB];
	_ =	sdelay $0x1  }
0x9f: {  	s19 =	simm.s32 $_scs_section_size  }
0xa0: {  	s5 =	simm.s32 $_size__tile_overlayer_lowered;
	s6 =	simm.s32 $_tile_overlayer_lowered  }
0xa1: {  	s22 =	simm.s32 $0x1BFF;
	s21 =	sshll.u32 s6, $0x1;
	s3 =	sadd.s32 s19, s18  }
0xa2: {  	s7 =	simm.s32 $0x0;
	s20 =	sshll.u32 s5, $0x1;
	s5 =	sadd.s32 s21, s3  }
0xa3: {  	[timem:s7], [sflag:s22] =	dma.local [hbm:s5], s20  }
0xa4: {  	_ =	swait.ge [sflag:s22], s20  }
0xa5: {  	s4 =	ssub.s32 $0x0, s20;
	[sflag:s22] =	ssyncset.done $0x0  }
0xa6: {  	[sflag:s22] =	ssyncadd.s32 s4;
	_ =	sdelay $0x1  }
0xa7: {  	s23 =	simm.s32 $0x1B8B  }
0xa8: {  	_ =	swait.ge [sflag:s23], $0x1  }
0xa9: {  	[sflag:s23] =	ssyncset.done $0x0  }
0xaa: {  	s25 =	simm.s32 $0x1B8E;
	s24 =	sld [smem:$0x3FFE];
	[sflag:s23] =	ssyncadd.s32 $0xFFFFFFFF  }
0xab: {  	s26 =	simm.s32 $execute0_lowered;
	[smem:$0x3FD2] =	sst s25  }
0xac: {  	s5 =	sshll.u32 s26, $0x1;
	_ =	strace $0x80000046;
	[dreg:$0x1] =	wrdreg $0xFFFFFFFF  }
0xad: {  	s28 =	simm.s32 $_size_execute0_lowered;
	s3 =	sadd.s32 s3, s5;
	[dreg:$0x0] =	wrdreg $0x0  }
0xae: {  	s5 =	sshll.u32 s28, $0x1;
	[dreg:$0x2] =	wrdreg s3  }
0xaf: {  	[dreg:$0x3] =	wrdreg s5  }
0xb0: {  	[dreg:$0x4] =	wrdreg $0xC0  }
0xb1: {  	_ =	task [dreg:s7], $0x5FFFF  }
0xb2: {  	[dreg:$0x1] =	wrdreg $0xFFFFFFFF  }
0xb3: {  	[dreg:$0x0] =	wrdreg $0x60  }
0xb4: {  	[dreg:$0x2] =	wrdreg s24  }
0xb5: {  	[dreg:$0x3] =	wrdreg s16  }
0xb6: {  	[dreg:$0x4] =	wrdreg $0x9  }
0xb7: {  	_ =	task.clear_ibuf [dreg:s7], $0x5FFFF;
	_ =	strace $0x90000046  }
0xb8: {  	s29 =	simm.s32 $0x9;
	_ =	strace $0x80000048  }
0xb9: {  	_ =	swait.ge [sflag:s29], $0x1  }
0xba: {  	[sflag:s29] =	ssyncadd.s32 $0xFFFFFFFF  }
0xbb: {  	_ =	strace $0x90000048  }
0xbc: {  	_ =	sfence  }
0xbd: {  	s30 =	sld [smem:$0x0];
	_ =	sdelay $0x2  }
0xbe: {  	s31 =	sshll.u32 s1, $0xD;
	s1 =	sshrl.u32 s1, $0x2  }
0xbf: {  	s3 =	sand.u32 $0x4000, s31;
	s1 =	sadd.s32 s1, s30  }
0xc0: {  	s0 =	sor.u32 s3, s0;
	s1 =	sshll.u32 s1, $0x11  }
0xc1: {  	s0 =	sor.u32 s1, s0  }
0xc2: {  	s0 =	sadd.s32 $0x8F2B, s0  }
0xc3: {  	[sflag:s0] =	ssyncadd.remote.s32 $0x1  }
0xc4: {  	_ =	sfence.sel $0xFFFF  }
0xc5: {  	[dreg:$0x0] =	wrdreg $0xFFFFFFFF;
	(pc) =	sbr.abs _section_cstart, $3  }
0xc6: {  	[dreg:$0x1] =	wrdreg $0xFFFFFFFF  }
0xc7: {  	_ =	task.clear_ibuf [dreg:s7], $0x2FFFF;
	_ =	strace $0x9FFFFFFF  }
0xc8: {  	(tm) =	ssettm $0x7FFFFFFF  }
0xc9: {  	_ =	shalt  }
tec
execute0_lowered:
.L_overlay_start_1:
0x0: {  	(tag) =	ssettag $0x1  }
0x1: {  	s4 =	rddreg [dreg:$0x0]  }
0x2: {  	s7 =	rddreg [dreg:$0x1]  }
0x3: {  	s0 =	rddreg [dreg:$0x2];
	s2 =	simm.s32 $0x0  }
0x4: {  	s1 =	stileid.u32;
	s3 =	srdreg.scid;
	s11 =	simm.s32 $0x1  }
0x5: {  	s12 =	simm.s32 $0x4100;
	s13 =	simm.s32 $0x2;
	s14 =	simm.s32 $0x0  }
0x6: {  	[smem:$0x7FF] =	sst s2;
	s5 =	sshll.u32 s1, $0x12;
	s6 =	sand.u32 $0x1, s3  }
0x7: {  	s3 =	sadd.s32 $0x223000, s4;
	s9 =	sshll.u32 s1, $0xE;
	_ =	strace $0x80000047  }
0x8: {  	s5 =	sadd.s32 s5, s4;
	s28 =	ssub.s32 $0x2, s6;
	s10 =	sshll.u32 s6, $0xD  }
0x9: {  	s6 =	sshll.u32 s6, $0x11;
	s8 =	sshrl.u32 s28, $0x1;
	s29 =	sor.u32 s10, s9  }
0xa: {  	s5 =	sadd.s32 s6, s5;
	s9 =	simm.s32 $0x80;
	s10 =	simm.s32 $0x100  }
0xb: {  	s4 =	ssub.s32 s28, s8;
	s30 =	sor.u32 $0x80, s29;
	s5 =	sadd.s32 $0x323000, s5  }
0xc: {  	s8 =	sshrl.u32 s29, $0x3;
	s4 =	smax.u32 s4, $0x1;
	s31 =	sshrl.u32 s30, $0x3  }
0xd: {  	s6 =	sadd.s32 s8, s7;
	s8 =	simm.s32 $0x3;
	s7 =	sadd.s32 s31, s7  }
.LBB2_1:
0xe: {  	s15 =	sadd.s32 $0x0, s6  }
0xf: {  	[tilespmem:s2], [sflag:$0x3] =	stream.linear.gather [hbm4b:s15+s2], $0x80, $0x38;
	[tilespmem:$0x8100] =	vst v63  }
0x10: {  	_ =	swait.ge [sflag:s8], $0x80  }
0x11: {  	[sflag:s8] =	ssyncset.done $0x0  }
0x12: {  	[sflag:s8] =	ssyncadd.s32 $0xFFFFFF80  }
0x13: {  	[tilespmem:s10], [sflag:$0x1] =	stream.indirect.gather [hbm4b:s3+s9], $0x80, s2, s9, $0xb8;
	[tilespmem:$0x8100] =	vst v63  }
0x14: {  	s30 =	sadd.s32 $0x0, s7  }
0x15: {  	[tilespmem:s9], [sflag:$0x3] =	stream.linear.gather [hbm4b:s30+s2], $0x80, $0x38;
	[tilespmem:$0x8100] =	vst v63  }
0x16: {  	_ =	swait.ge [sflag:s8], $0x80  }
0x17: {  	[sflag:s8] =	ssyncset.done $0x0  }
0x18: {  	[sflag:s8] =	ssyncadd.s32 $0xFFFFFF80  }
0x19: {  	_ =	swait.ge [sflag:s11], $0x4000  }
0x1a: {  	[sflag:s11] =	ssyncset.done $0x0  }
0x1b: {  	[sflag:s11] =	ssyncadd.s32 $0xFFFFC000  }
0x1c: {  	[tilespmem:s12], [sflag:$0x2] =	stream.indirect.gather [hbm4b:s3+s9], $0x80, s9, s9, $0xb8;
	[tilespmem:$0x8100] =	vst v63  }
0x1d: {  	_ = 	snop  }
0x1e: {  	[hbm4b:s5+s2] =	stream.linear.scatter [tilespmem:s10], [sflag:$0x3], $0x4000, $0x38;
	[tilespmem:$0x8100] =	vst v63  }
0x1f: {  	_ =	swait.ge [sflag:s8], $0x4000  }
0x20: {  	[sflag:s8] =	ssyncset.done $0x0  }
0x21: {  	[sflag:s8] =	ssyncadd.s32 $0xFFFFC000  }
0x22: {  	_ =	swait.ge [sflag:s13], $0x4000  }
0x23: {  	[sflag:s13] =	ssyncset.done $0x0  }
0x24: {  	s31 =	sadd.s32 $0x800, s5;
	[sflag:s13] =	ssyncadd.s32 $0xFFFFC000  }
0x25: {  	[hbm4b:s31+s2] =	stream.linear.scatter [tilespmem:s12], [sflag:$0x3], $0x4000, $0x38;
	[tilespmem:$0x8100] =	vst v63  }
0x26: {  	s16 =	simm.s32 $0x20;
	_ =	swait.ge [sflag:s8], $0x4000  }
0x27: {  	s17 =	simm.s32 $0x40;
	s15 =	sadd.s32 $0x1000, s5;
	[sflag:s8] =	ssyncset.done $0x0  }
.LBB2_2:
0x28: {  	s18 =	sadd.s32 s16, s6  }
0x29: {  	[sflag:s8] =	ssyncadd.s32 $0xFFFFC000;
	s19 =	smov.u32 s17;
	s20 =	sadd.s32 $0x20, s17  }
0x2a: {  	[tilespmem:s2], [sflag:$0x3] =	stream.linear.gather [hbm4b:s18+s2], $0x80, $0x38;
	[tilespmem:$0x8100] =	vst v63  }
0x2b: {  	p0 =	sne.s32 s17, $0x3E0;
	_ =	swait.ge [sflag:s8], $0x80  }
0x2c: {  	[sflag:s8] =	ssyncset.done $0x0  }
0x2d: {  	[sflag:s8] =	ssyncadd.s32 $0xFFFFFF80  }
0x2e: {  	[tilespmem:s10], [sflag:$0x1] =	stream.indirect.gather [hbm4b:s3+s9], $0x80, s2, s9, $0xb8;
	[tilespmem:$0x8100] =	vst v63  }
0x2f: {  	s17 =	sadd.s32 s16, s7;
	s16 =	smov.u32 s19  }
0x30: {  	[tilespmem:s9], [sflag:$0x3] =	stream.linear.gather [hbm4b:s17+s2], $0x80, $0x38;
	[tilespmem:$0x8100] =	vst v63  }
0x31: {  	_ =	swait.ge [sflag:s8], $0x80  }
0x32: {  	[sflag:s8] =	ssyncset.done $0x0  }
0x33: {  	[sflag:s8] =	ssyncadd.s32 $0xFFFFFF80  }
0x34: {  	_ =	swait.ge [sflag:s11], $0x4000  }
0x35: {  	[sflag:s11] =	ssyncset.done $0x0  }
0x36: {  	[sflag:s11] =	ssyncadd.s32 $0xFFFFC000  }
0x37: {  	[tilespmem:s12], [sflag:$0x2] =	stream.indirect.gather [hbm4b:s3+s9], $0x80, s9, s9, $0xb8;
	[tilespmem:$0x8100] =	vst v63  }
0x38: {  	_ = 	snop  }
0x39: {  	[hbm4b:s15+s2] =	stream.linear.scatter [tilespmem:s10], [sflag:$0x3], $0x4000, $0x38;
	[tilespmem:$0x8100] =	vst v63  }
0x3a: {  	_ =	swait.ge [sflag:s8], $0x4000  }
0x3b: {  	[sflag:s8] =	ssyncset.done $0x0  }
0x3c: {  	[sflag:s8] =	ssyncadd.s32 $0xFFFFC000  }
0x3d: {  	_ =	swait.ge [sflag:s13], $0x4000  }
.Ltmp0:
0x3e: {  	[sflag:s13] =	ssyncset.done $0x0;
	(pc) =	sbr.rel @p0 .LBB2_2-.Ltmp0, $4  }
0x3f: {  	s17 =	sadd.s32 $0x800, s15;
	[sflag:s13] =	ssyncadd.s32 $0xFFFFC000  }
0x40: {  	[hbm4b:s17+s2] =	stream.linear.scatter [tilespmem:s12], [sflag:$0x3], $0x4000, $0x38;
	[tilespmem:$0x8100] =	vst v63  }
0x41: {  	_ =	swait.ge [sflag:s8], $0x4000  }
0x42: {  	s15 =	sadd.s32 $0x1000, s15;
	s17 =	smov.u32 s20;
	[sflag:s8] =	ssyncset.done $0x0  }
0x43: {  	s17 =	sadd.s32 s16, s6;
	[sflag:s8] =	ssyncadd.s32 $0xFFFFC000  }
0x44: {  	[tilespmem:s2], [sflag:$0x3] =	stream.linear.gather [hbm4b:s17+s2], $0x80, $0x38;
	[tilespmem:$0x8100] =	vst v63  }
0x45: {  	_ =	swait.ge [sflag:s8], $0x80  }
0x46: {  	[sflag:s8] =	ssyncset.done $0x0  }
0x47: {  	[sflag:s8] =	ssyncadd.s32 $0xFFFFFF80  }
0x48: {  	[tilespmem:s10], [sflag:$0x1] =	stream.indirect.gather [hbm4b:s3+s9], $0x80, s2, s9, $0xb8;
	[tilespmem:$0x8100] =	vst v63  }
0x49: {  	s30 =	sadd.s32 s16, s7  }
0x4a: {  	[tilespmem:s9], [sflag:$0x3] =	stream.linear.gather [hbm4b:s30+s2], $0x80, $0x38;
	[tilespmem:$0x8100] =	vst v63  }
0x4b: {  	_ =	swait.ge [sflag:s8], $0x80  }
0x4c: {  	[sflag:s8] =	ssyncset.done $0x0  }
0x4d: {  	[sflag:s8] =	ssyncadd.s32 $0xFFFFFF80  }
0x4e: {  	_ =	swait.ge [sflag:s11], $0x4000  }
0x4f: {  	[sflag:s11] =	ssyncset.done $0x0  }
0x50: {  	[sflag:s11] =	ssyncadd.s32 $0xFFFFC000  }
0x51: {  	[tilespmem:s12], [sflag:$0x2] =	stream.indirect.gather [hbm4b:s3+s9], $0x80, s9, s9, $0xb8;
	[tilespmem:$0x8100] =	vst v63  }
0x52: {  	_ = 	snop  }
0x53: {  	[hbm4b:s15+s2] =	stream.linear.scatter [tilespmem:s10], [sflag:$0x3], $0x4000, $0x38;
	[tilespmem:$0x8100] =	vst v63  }
0x54: {  	_ =	swait.ge [sflag:s8], $0x4000  }
0x55: {  	[sflag:s8] =	ssyncset.done $0x0  }
0x56: {  	[sflag:s8] =	ssyncadd.s32 $0xFFFFC000  }
0x57: {  	s14 =	sadd.s32 $0x1, s14;
	_ =	swait.ge [sflag:s13], $0x4000  }
0x58: {  	p0 =	sne.s32 s14, s4;
	[sflag:s13] =	ssyncset.done $0x0  }
.Ltmp1:
0x59: {  	s31 =	sadd.s32 $0x800, s15;
	[sflag:s13] =	ssyncadd.s32 $0xFFFFC000;
	(pc) =	sbr.rel @p0 .LBB2_1-.Ltmp1, $4  }
0x5a: {  	[hbm4b:s31+s2] =	stream.linear.scatter [tilespmem:s12], [sflag:$0x3], $0x4000, $0x38;
	[tilespmem:$0x8100] =	vst v63  }
0x5b: {  	_ =	swait.ge [sflag:s8], $0x4000  }
0x5c: {  	[sflag:s8] =	ssyncset.done $0x0  }
0x5d: {  	[sflag:s8] =	ssyncadd.s32 $0xFFFFC000  }
0x5e: {  	_ =	sfence.sel $0x180000  }
0x5f: {  	[bflag:$0x0] =	sbarrier.arrive $0xFFFF  }
0x60: {  	p0 =	sne.s32 s1, $0x0;
	_ =	strace $0x90000047  }
0x61: {  	s0 =	sadd.s32 @!p0 $0x100000, s0;
	[bflag:$0x2] =	sbarrier.arrive $0xFFFF  }
0x62: {  	[sflag:s0] =	ssyncadd.tile.s32 @!p0 $0x1;
	_ =	shalt  }
.Lfunc_end2:
_tile_overlayer_lowered:
.L_overlay_start_2:
0x63: {  	(tag) =	ssettag $0x2  }
0x64: {  	s0 =	rddreg [dreg:$0x0];
	s2 =	stileid.u32  }
0x65: {  	s1 =	rddreg [dreg:$0x1];
	p0 =	sne.s32 s2, $0x0  }
0x66: {  	s3 =	rddreg [dreg:$0x2];
	[bflag:$0x3] =	sbarrier.arrive $0xFFFF;
	s2 =	simm.s32 @!p0 $0x1C03  }
0x67: {  	[timem:s3], [sflag:s2] =	dma.local @!p0 [hbm:s0], s1  }
0x68: {  	s0 =	simm.s32 @!p0 $0x3  }
0x69: {  	_ =	swait.ge @!p0 [sflag:s0], s1  }
0x6a: {  	s1 =	ssub.s32 @!p0 $0x0, s1;
	[sflag:s0] =	ssyncset.done @!p0 $0x0  }
0x6b: {  	[sflag:s0] =	ssyncadd.s32 @!p0 s1  }
0x6c: {  	[bflag:$0x3] =	sbarrier.arrive $0xFFFF  }
0x6d: {  	_ =	shalt  }

</sc_bundles>
